<compile_context>
chip_gen: v7x
topology: tpu7x:2x2x1
jax: 0.10.2.dev20260603
libtpu: 0.0.44.dev20260713+nightly
codegen_flags: <defaults>
</compile_context>

<pallas_src>
import functools

import jax
import jax.numpy as jnp
from jax import lax
from jax.experimental import pallas as pl
from jax.experimental.pallas import tpu as pltpu
from jax.experimental.pallas import tpu_sc as plsc

NS = 8
EPS = 1e-5
HI = 3.0e38


def _bf(x):
    return x.astype(jnp.bfloat16).astype(jnp.float32)


def _prep_body(f2_ref, p2t_ref, p1t_ref, wf2_ref, wposT_ref, t_ref, pp1_ref):
    f2b = f2_ref[0].astype(jnp.bfloat16)
    wfb = wf2_ref[...].astype(jnp.bfloat16)
    t = lax.dot_general(f2b, wfb, (((0,), (1,)), ((), ())),
                        preferred_element_type=jnp.float32)
    p2t = _bf(p2t_ref[0])
    wpos = _bf(wposT_ref[...])
    for c in range(3):
        t = t + p2t[:, c:c + 1] * wpos[c:c + 1, :]
    t_ref[0] = t

    p1t = _bf(p1t_ref[0])
    pp = p1t[:, 0:1] * wpos[0:1, :]
    for c in (1, 2):
        pp = pp + p1t[:, c:c + 1] * wpos[c:c + 1, :]
    pp1_ref[0, 0] = pp


def _prep(feature2, p2t, p1t, wf2, wposT):
    B, C2, S = feature2.shape
    N = p1t.shape[1]
    return pl.pallas_call(
        _prep_body,
        grid=(B,),
        in_specs=[
            pl.BlockSpec((1, C2, S), lambda b: (b, 0, 0)),
            pl.BlockSpec((1, S, 3), lambda b: (b, 0, 0)),
            pl.BlockSpec((1, N, 3), lambda b: (b, 0, 0)),
            pl.BlockSpec((128, C2), lambda b: (0, 0)),
            pl.BlockSpec((3, 128), lambda b: (0, 0)),
        ],
        out_specs=[
            pl.BlockSpec((1, S, 128), lambda b: (b, 0, 0)),
            pl.BlockSpec((1, 1, N, 128), lambda b: (b // 2, b % 2, 0, 0)),
        ],
        out_shape=[
            jax.ShapeDtypeStruct((B, S, 128), jnp.float32),
            jax.ShapeDtypeStruct((2, B // 2, N, 128), jnp.float32),
        ],
    )(feature2, p2t, p1t, wf2, wposT)


_KNN_TN = 1024


def _knn_body(p1_ref, p2t_ref, idx_ref, *, base):
    b = pl.program_id(0) + base
    S = p2t_ref.shape[1]
    TN = p1_ref.shape[2]
    p2t = p2t_ref[0]
    p1 = p1_ref[0]
    s = lax.dot_general(p2t.astype(jnp.bfloat16), p1.astype(jnp.bfloat16),
                        (((1,), (0,)), ((), ())),
                        preferred_element_type=jnp.float32)
    a2 = (p1[0:1, :] * p1[0:1, :] + p1[1:2, :] * p1[1:2, :]) \
        + p1[2:3, :] * p1[2:3, :]
    b2 = (p2t[:, 0:1] * p2t[:, 0:1] + p2t[:, 1:2] * p2t[:, 1:2]) \
        + p2t[:, 2:3] * p2t[:, 2:3]
    d = (-2.0 * s + a2) + b2

    iota_s = lax.broadcasted_iota(jnp.int32, (S, TN), 0)
    iota_j = lax.broadcasted_iota(jnp.int32, (NS, TN), 0)
    acc = jnp.zeros((NS, TN), jnp.int32)
    for j in range(NS):
        m = jnp.min(d, axis=0, keepdims=True)
        hit = d == m
        amin = jnp.min(jnp.where(hit, iota_s, S), axis=0, keepdims=True)
        d = jnp.where(hit, HI, d)
        acc = jnp.where(iota_j == j, amin, acc)
    acc = acc + b * S
    idx_ref[0] = jnp.transpose(acc.reshape(NS, TN // _TB, _TB), (1, 0, 2))


def _knn(pos1, p2t, base=0):
    B, _, N = pos1.shape
    S = p2t.shape[1]
    tpb = _KNN_TN // _TB
    return pl.pallas_call(
        functools.partial(_knn_body, base=base),
        grid=(B, N // _KNN_TN),
        in_specs=[
            pl.BlockSpec((1, 3, _KNN_TN), lambda b, i: (b, 0, i)),
            pl.BlockSpec((1, S, 3), lambda b, i: (b, 0, 0)),
        ],
        out_specs=pl.BlockSpec((1, tpb, NS, _TB), lambda b, i: (b, i, 0, 0)),
        out_shape=jax.ShapeDtypeStruct((B, N // _TB, NS, _TB), jnp.int32),
    )(pos1, p2t)


def _sc_gather(table, idx_flat):
    rows, vd = table.shape
    M = idx_flat.shape[1]
    W = 128
    mesh = plsc.VectorSubcoreMesh(core_axis_name="c", subcore_axis_name="s")

    @functools.partial(
        pl.kernel,
        out_type=jax.ShapeDtypeStruct((M, vd), table.dtype),
        mesh=mesh,
    )
    def k(x_hbm, i_hbm, o_hbm):
        def body(i_vmem, o_vmem):
            pltpu.sync_copy(x_hbm.at[i_vmem.at[0]], o_vmem)

        pltpu.emit_pipeline(
            body,
            grid=(M // W,),
            in_specs=[pl.BlockSpec((1, W), lambda i: (0, i))],
            out_specs=[pl.BlockSpec((W, vd), lambda i: (i, 0))],
            core_axis_name=("c", "s"),
            dimension_semantics=(pltpu.PARALLEL,),
        )(i_hbm, o_hbm)

    return k(table, idx_flat)


_TB = 256


def _stats1_body(g_ref, p1_ref, s_ref, q_ref):
    y = g_ref[0, 0] - p1_ref[0][None, :, :]
    s2d = jnp.sum(y, axis=0)
    q2d = jnp.sum(y * y, axis=0)

    @pl.when((pl.program_id(0) == 0) & (pl.program_id(1) == 0))
    def _():
        s_ref[...] = jnp.zeros_like(s_ref)
        q_ref[...] = jnp.zeros_like(q_ref)

    s_ref[...] += jnp.sum(s2d, axis=0, keepdims=True)
    q_ref[...] += jnp.sum(q2d, axis=0, keepdims=True)


def _stats1(g5, p1proj):
    B, nt, _, _, _ = g5.shape
    return pl.pallas_call(
        _stats1_body,
        grid=(B, nt),
        in_specs=[
            pl.BlockSpec((1, 1, NS, _TB, 128), lambda b, i: (b, i, 0, 0, 0)),
            pl.BlockSpec((1, _TB, 128), lambda b, i: (b, i, 0)),
        ],
        out_specs=[
            pl.BlockSpec((1, 128), lambda b, i: (0, 0)),
            pl.BlockSpec((1, 128), lambda b, i: (0, 0)),
        ],
        out_shape=[
            jax.ShapeDtypeStruct((1, 128), jnp.float32),
            jax.ShapeDtypeStruct((1, 128), jnp.float32),
        ],
    )(g5, p1proj)


def _layer2_body(g_ref, p1_ref, sc1_ref, sh1_ref, w_ref,
                 m_ref, s_ref, q_ref):
    y1 = g_ref[0, 0] - p1_ref[0][None, :, :]
    h1 = jnp.maximum(y1 * sc1_ref[...][None] + sh1_ref[...][None], 0.0)
    h1_2d = h1.reshape(NS * _TB, 128).astype(jnp.bfloat16)
    y2 = lax.dot_general(h1_2d, w_ref[...].astype(jnp.bfloat16),
                         (((1,), (1,)), ((), ())),
                         preferred_element_type=jnp.float32)

    @pl.when((pl.program_id(0) == 0) & (pl.program_id(1) == 0))
    def _():
        s_ref[...] = jnp.zeros_like(s_ref)
        q_ref[...] = jnp.zeros_like(q_ref)

    s_ref[...] += jnp.sum(y2, axis=0, keepdims=True)
    q_ref[...] += jnp.sum(y2 * y2, axis=0, keepdims=True)
    m_ref[0] = jnp.max(y2.reshape(NS, _TB, 128), axis=0)


def _layer2(g5, p1proj, sc1, sh1, w1_1):
    B, nt, _, _, _ = g5.shape
    N = nt * _TB
    return pl.pallas_call(
        _layer2_body,
        grid=(B, nt),
        in_specs=[
            pl.BlockSpec((1, 1, NS, _TB, 128), lambda b, i: (b, i, 0, 0, 0)),
            pl.BlockSpec((1, _TB, 128), lambda b, i: (b, i, 0)),
            pl.BlockSpec((1, 128), lambda b, i: (0, 0)),
            pl.BlockSpec((1, 128), lambda b, i: (0, 0)),
            pl.BlockSpec((128, 128), lambda b, i: (0, 0)),
        ],
        out_specs=[
            pl.BlockSpec((1, _TB, 128), lambda b, i: (b, i, 0)),
            pl.BlockSpec((1, 128), lambda b, i: (0, 0)),
            pl.BlockSpec((1, 128), lambda b, i: (0, 0)),
        ],
        out_shape=[
            jax.ShapeDtypeStruct((B, N, 128), jnp.float32),
            jax.ShapeDtypeStruct((1, 128), jnp.float32),
            jax.ShapeDtypeStruct((1, 128), jnp.float32),
        ],
    )(g5, p1proj, sc1, sh1, w1_1)


_TQ = 512


def _final_body(m_ref, f1_ref, sc2_ref, sh2_ref, wa_ref, wb_ref,
                y3_ref, s_ref, q_ref):
    h2 = jnp.maximum(m_ref[0] * sc2_ref[...] + sh2_ref[...], 0.0)
    y3 = lax.dot_general(h2.astype(jnp.bfloat16),
                         wa_ref[...].astype(jnp.bfloat16),
                         (((1,), (1,)), ((), ())),
                         preferred_element_type=jnp.float32)
    y3 = y3 + lax.dot_general(f1_ref[0].astype(jnp.bfloat16),
                              wb_ref[...].astype(jnp.bfloat16),
                              (((0,), (1,)), ((), ())),
                              preferred_element_type=jnp.float32)
    y3_ref[0] = y3

    @pl.when((pl.program_id(0) == 0) & (pl.program_id(1) == 0))
    def _():
        s_ref[...] = jnp.zeros_like(s_ref)
        q_ref[...] = jnp.zeros_like(q_ref)

    s_ref[...] += jnp.sum(y3, axis=0, keepdims=True)
    q_ref[...] += jnp.sum(y3 * y3, axis=0, keepdims=True)


def _final(mx, feature1, sc2, sh2, wa, wb):
    B, C1, N = feature1.shape
    return pl.pallas_call(
        _final_body,
        grid=(B, N // _TQ),
        in_specs=[
            pl.BlockSpec((1, _TQ, 128), lambda b, i: (b, i, 0)),
            pl.BlockSpec((1, C1, _TQ), lambda b, i: (b, 0, i)),
            pl.BlockSpec((1, 128), lambda b, i: (0, 0)),
            pl.BlockSpec((1, 128), lambda b, i: (0, 0)),
            pl.BlockSpec((128, 128), lambda b, i: (0, 0)),
            pl.BlockSpec((128, C1), lambda b, i: (0, 0)),
        ],
        out_specs=[
            pl.BlockSpec((1, _TQ, 128), lambda b, i: (b, i, 0)),
            pl.BlockSpec((1, 128), lambda b, i: (0, 0)),
            pl.BlockSpec((1, 128), lambda b, i: (0, 0)),
        ],
        out_shape=[
            jax.ShapeDtypeStruct((B, N, 128), jnp.float32),
            jax.ShapeDtypeStruct((1, 128), jnp.float32),
            jax.ShapeDtypeStruct((1, 128), jnp.float32),
        ],
    )(mx, feature1, sc2, sh2, wa, wb)


def _bn3_body(y3_ref, sc3_ref, sh3_ref, o_ref):
    h = jnp.maximum(y3_ref[0] * sc3_ref[...] + sh3_ref[...], 0.0)
    o_ref[0] = jnp.transpose(h, (1, 0))


def _bn3(y3, sc3, sh3):
    B, N, _ = y3.shape
    return pl.pallas_call(
        _bn3_body,
        grid=(B,),
        in_specs=[
            pl.BlockSpec((1, N, 128), lambda b: (b, 0, 0)),
            pl.BlockSpec((1, 128), lambda b: (0, 0)),
            pl.BlockSpec((1, 128), lambda b: (0, 0)),
        ],
        out_specs=pl.BlockSpec((1, 128, N), lambda b: (b, 0, 0)),
        out_shape=jax.ShapeDtypeStruct((B, 128, N), jnp.float32),
    )(y3, sc3, sh3)


def _affine(s, q, cnt, g, b):
    m = s / cnt
    v = q / cnt - m * m
    inv = lax.rsqrt(v + EPS)
    sc = g[None, :] * inv
    sh = b[None, :] - m * sc
    return sc, sh


def kernel(pos1, pos2, feature1, feature2,
           w1_0, g1_0, b1_0, w1_1, g1_1, b1_1, w2_0, g2_0, b2_0):
    B, _, N = pos1.shape
    S = pos2.shape[2]
    C2 = feature2.shape[1]

    p2t = jnp.transpose(pos2, (0, 2, 1))
    p1t = jnp.transpose(pos1, (0, 2, 1))
    wf2 = w1_0[:, :C2]
    wposT = jnp.transpose(w1_0[:, C2:])

    table, p1proj = _prep(feature2, p2t, p1t, wf2, wposT)
    tab_flat = table.reshape(B * S, 128)

    H = B // 2
    nt = N // _TB
    halves = []
    for h in range(2):
        sl = slice(h * H, (h + 1) * H)
        idx = _knn(pos1[sl], p2t[sl], base=h * H)
        g = _sc_gather(tab_flat, idx.reshape(1, H * NS * N))
        halves.append((g.reshape(H, nt, NS, _TB, 128), p1proj[h]))

    cnt1 = float(B * N * NS)
    st1 = [_stats1(g4, p1h) for g4, p1h in halves]
    sc1, sh1 = _affine(st1[0][0] + st1[1][0], st1[0][1] + st1[1][1],
                       cnt1, g1_0, b1_0)

    l2 = [_layer2(g4, p1h, sc1, sh1, w1_1) for g4, p1h in halves]
    sc2, sh2 = _affine(l2[0][1] + l2[1][1], l2[0][2] + l2[1][2],
                       cnt1, g1_1, b1_1)

    wa = w2_0[:, :128]
    wb = w2_0[:, 128:]
    fin = [_final(l2[h][0], feature1[h * H:(h + 1) * H], sc2, sh2, wa, wb)
           for h in range(2)]
    sc3, sh3 = _affine(fin[0][1] + fin[1][1], fin[0][2] + fin[1][2],
                       float(B * N), g2_0, b2_0)

    return jnp.concatenate([_bn3(fin[0][0], sc3, sh3),
                            _bn3(fin[1][0], sc3, sh3)], axis=0)

# --- scband reference (transcript-rebuilt; emitter-appended) ---
"""Pipeline reference for scband-point-net-set-up-conv-11450382811200 (READ-ONLY COPY).

The authoritative reference and input builder live on the scoring server;
editing this copy changes nothing except your own understanding.
"""

import jax, jax.numpy as jnp
import numpy as np

N_SAMPLE = 8
EPS = 1e-5


def _group(points, idx):
    # points: [B, C, S], idx: [B, N, ns] -> [B, C, N, ns]
    return jax.vmap(lambda p, i: p[:, i])(points, idx)


def _bn_relu_2d(x, g, b):
    m = jnp.mean(x, axis=(0, 2, 3), keepdims=True)
    v = jnp.var(x, axis=(0, 2, 3), keepdims=True)
    x = (x - m) / jnp.sqrt(v + EPS) * g[None, :, None, None] + b[None, :, None, None]
    return jax.nn.relu(x)


def _bn_relu_1d(x, g, b):
    m = jnp.mean(x, axis=(0, 2), keepdims=True)
    v = jnp.var(x, axis=(0, 2), keepdims=True)
    x = (x - m) / jnp.sqrt(v + EPS) * g[None, :, None] + b[None, :, None]
    return jax.nn.relu(x)


def setup_inputs(seed: int = 0) -> dict:
    key = jax.random.key(seed)
    ks = jax.random.split(key, 10)
    B, N, S = 4, 8192, 2048
    f1, f2 = 64, 128
    inp = {}
    inp["pos1"] = jax.random.normal(ks[0], (B, 3, N), dtype=jnp.float32)
    inp["pos2"] = jax.random.normal(ks[1], (B, 3, S), dtype=jnp.float32)
    inp["feature1"] = jax.random.normal(ks[2], (B, f1, N), dtype=jnp.float32)
    inp["feature2"] = jax.random.normal(ks[3], (B, f2, S), dtype=jnp.float32)
    # mlp1: Conv2d(f2+3 -> 128), Conv2d(128 -> 128), each with BN gamma/beta
    inp["w1_0"] = jax.random.normal(ks[4], (128, f2 + 3), dtype=jnp.float32) * 0.05
    inp["g1_0"] = jnp.ones((128,), jnp.float32)
    inp["b1_0"] = jnp.zeros((128,), jnp.float32)
    inp["w1_1"] = jax.random.normal(ks[5], (128, 128), dtype=jnp.float32) * 0.05
    inp["g1_1"] = jnp.ones((128,), jnp.float32)
    inp["b1_1"] = jnp.zeros((128,), jnp.float32)
    # mlp2: Conv1d(128 + f1 -> 128) with BN gamma/beta
    inp["w2_0"] = jax.random.normal(ks[6], (128, 128 + f1), dtype=jnp.float32) * 0.05
    inp["g2_0"] = jnp.ones((128,), jnp.float32)
    inp["b2_0"] = jnp.zeros((128,), jnp.float32)
    return inp


def reference(pos1, pos2, feature1, feature2, w1_0, g1_0, b1_0, w1_1, g1_1, b1_1, w2_0, g2_0, b2_0):
    B = pos1.shape[0]
    N = pos1.shape[2]
    pos1_t = jnp.transpose(pos1, (0, 2, 1))  # [B, N, 3]
    pos2_t = jnp.transpose(pos2, (0, 2, 1))  # [B, S, 3]
    # knn: for each point in pos1, find N_SAMPLE nearest in pos2
    dist = (-2.0 * jnp.einsum('bnc,bmc->bnm', pos1_t, pos2_t)
            + jnp.sum(pos1_t ** 2, axis=-1)[:, :, None]
            + jnp.sum(pos2_t ** 2, axis=-1)[:, None, :])  # [B, N, S]
    _, idx = jax.lax.top_k(-dist, N_SAMPLE)  # [B, N, ns]
    pos2_grouped = _group(pos2, idx)                 # [B, 3, N, ns]
    pos_diff = pos2_grouped - pos1[:, :, :, None]    # [B, 3, N, ns]
    feature2_grouped = _group(feature2, idx)         # [B, f2, N, ns]
    feature_new = jnp.concatenate([feature2_grouped, pos_diff], axis=1)
    for w, g, b in ((w1_0, g1_0, b1_0), (w1_1, g1_1, b1_1)):
        feature_new = jnp.einsum('oc,bcns->bons', w, feature_new)
        feature_new = _bn_relu_2d(feature_new, g, b)
    feature_new = jnp.max(feature_new, axis=-1)      # [B, 128, N]
    feature_new = jnp.concatenate([feature_new, feature1], axis=1)
    feature_new = jnp.einsum('oc,bcn->bon', w2_0, feature_new)
    feature_new = _bn_relu_1d(feature_new, g2_0, b2_0)
    return feature_new

if __name__ == "__main__":
    import jax
    _d = setup_inputs()
    print(jax.jit(kernel)(*tuple(_d.values())))

</pallas_src>

<mosaic_0001>
#map = affine_map<(d0, d1) -> (0, 0)>
module attributes {stable_mosaic.version = 14 : i64} {
  func.func @k(%arg0: i32, %arg1: i32, %arg2: memref<8192x128xf32, #tpu.memory_space<hbm>>, %arg3: memref<1x131072xi32, #tpu.memory_space<hbm>>, %arg4: memref<131072x128xf32, #tpu.memory_space<hbm>>) attributes {dimension_semantics = [#tpu.dimension_semantics<core_parallel>, #tpu.dimension_semantics<subcore_parallel>], iteration_bounds = array<i64: 2, 16>, scalar_prefetch = 0 : i64, scratch_operands = 0 : i64, tpu.core_type = #tpu.core_type<sc_vector_subcore>, window_params = [{transform_indices = #map}, {transform_indices = #map}, {transform_indices = #map}]} {
    %mul3A = arith.constant 1 : i32
    %mul3A_0 = arith.muli %arg1, %mul3A : i32
    %add3A = arith.constant 0 : i32
    %add3A_1 = arith.addi %add3A, %mul3A_0 : i32
    %mul3A_2 = arith.constant 16 : i32
    %mul3A_3 = arith.muli %arg0, %mul3A_2 : i32
    %add3A_4 = arith.addi %add3A_1, %mul3A_3 : i32
    %mul3A_5 = arith.constant 32 : i32
    %mul3A_6 = arith.muli %add3A_4, %mul3A_5 : i32
    "tpu.region"() ({
      %run_scoped3A = memref.alloca() : memref<2x1x128xi32, #tpu.memory_space<vmem>>
      %run_scoped3A_7 = tpu.sem_alloc : memref<2x!tpu.dma_semaphore, #tpu.memory_space<semaphore_mem>>
      %run_scoped3A_8 = memref.alloca() : memref<2x128x128xf32, #tpu.memory_space<vmem>>
      %run_scoped3A_9 = tpu.sem_alloc : memref<2x!tpu.dma_semaphore, #tpu.memory_space<semaphore_mem>>
      %add3A_10 = arith.constant 0 : i32
      %add3A_11 = arith.addi %add3A_10, %mul3A_6 : i32
      %select_n3A = arith.constant true
      %select_n3A_12 = arith.constant 0 : i32
      %select_n3A_13 = arith.constant -1 : i32
      %select_n3A_14 = arith.select %select_n3A, %select_n3A_13, %select_n3A_12 : i32
      %eq3A = arith.constant -1 : i32
      %eq3A_15 = arith.cmpi eq, %select_n3A_14, %eq3A : i32
      %select_n3A_16 = arith.constant 31 : i32
      %select_n3A_17 = arith.select %eq3A_15, %select_n3A_16, %select_n3A_14 : i32
      %add3A_18 = arith.addi %select_n3A_17, %mul3A_6 : i32
      %select_n3A_19 = arith.constant true
      %select_n3A_20 = arith.constant 0 : i32
      %select_n3A_21 = arith.constant 1 : i32
      %select_n3A_22 = arith.select %select_n3A_19, %select_n3A_21, %select_n3A_20 : i32
      %eq3A_23 = arith.constant 32 : i32
      %eq3A_24 = arith.cmpi eq, %select_n3A_22, %eq3A_23 : i32
      %select_n3A_25 = arith.constant 0 : i32
      %select_n3A_26 = arith.select %eq3A_24, %select_n3A_25, %select_n3A_22 : i32
      %add3A_27 = arith.addi %select_n3A_26, %mul3A_6 : i32
      %add3A_28 = arith.constant 1 : i32
      %add3A_29 = arith.addi %select_n3A_26, %add3A_28 : i32
      %select_n3A_30 = arith.constant true
      %select_n3A_31 = arith.select %select_n3A_30, %add3A_29, %select_n3A_26 : i32
      %eq3A_32 = arith.constant 32 : i32
      %eq3A_33 = arith.cmpi eq, %select_n3A_31, %eq3A_32 : i32
      %select_n3A_34 = arith.constant 0 : i32
      %select_n3A_35 = arith.select %eq3A_33, %select_n3A_34, %select_n3A_31 : i32
      %add3A_36 = arith.addi %select_n3A_35, %mul3A_6 : i32
      "tpu.trace_start"() <{level = 10 : i32, message = "ep_initialize_0"}> : () -> ()
      %rem3A = arith.constant 0 : i32
      %rem3A_37 = arith.constant 2 : i32
      %rem3A_38 = arith.remui %rem3A, %rem3A_37 : i32
      %mul3A_39 = arith.constant 128 : i32
      %mul3A_40 = arith.muli %mul3A_39, %add3A_11 : i32
      %dma_start3A = arith.constant 0 : i32
      %dma_start3A_41 = arith.constant 0 : i32
      %dma_start3A_42 = tpu.memref_slice %run_scoped3A[%rem3A_38, %dma_start3A, %dma_start3A_41] : memref<2x1x128xi32, #tpu.memory_space<vmem>> -> memref<1x1x128xi32, #tpu.memory_space<vmem>>
      %dma_start3A_43 = tpu.memref_squeeze %dma_start3A_42 : memref<1x1x128xi32, #tpu.memory_space<vmem>> -> memref<1x128xi32, #tpu.memory_space<vmem>>
      %dma_start3A_44 = arith.constant 0 : i32
      %dma_start3A_45 = tpu.memref_slice %arg3[%dma_start3A_44, %mul3A_40] : memref<1x131072xi32, #tpu.memory_space<hbm>> -> memref<1x128xi32, #tpu.memory_space<hbm>>
      %dma_start3A_46 = tpu.memref_slice %run_scoped3A_7[%rem3A_38] : memref<2x!tpu.dma_semaphore, #tpu.memory_space<semaphore_mem>> -> memref<1x!tpu.dma_semaphore, #tpu.memory_space<semaphore_mem>>
      %dma_start3A_47 = tpu.memref_squeeze %dma_start3A_46 : memref<1x!tpu.dma_semaphore, #tpu.memory_space<semaphore_mem>> -> memref<!tpu.dma_semaphore, #tpu.memory_space<semaphore_mem>>
      %dma_start3A_48 = arith.constant 0 : i32
      %dma_start3A_49 = arith.constant 0 : i32
      %dma_start3A_50 = tpu.memref_slice %run_scoped3A[%rem3A_38, %dma_start3A_48, %dma_start3A_49] : memref<2x1x128xi32, #tpu.memory_space<vmem>> -> memref<1x1x128xi32, #tpu.memory_space<vmem>>
      %dma_start3A_51 = tpu.memref_squeeze %dma_start3A_50 : memref<1x1x128xi32, #tpu.memory_space<vmem>> -> memref<1x128xi32, #tpu.memory_space<vmem>>
      %dma_start3A_52 = arith.constant 0 : i32
      %dma_start3A_53 = tpu.memref_slice %arg3[%dma_start3A_52, %mul3A_40] : memref<1x131072xi32, #tpu.memory_space<hbm>> -> memref<1x128xi32, #tpu.memory_space<hbm>>
      tpu.enqueue_dma source(%dma_start3A_53 : memref<1x128xi32, #tpu.memory_space<hbm>>) target(%dma_start3A_51 : memref<1x128xi32, #tpu.memory_space<vmem>>) target_semaphore(%dma_start3A_47 : memref<!tpu.dma_semaphore, #tpu.memory_space<semaphore_mem>>)
      %add3A_54 = arith.constant 0 : i32
      %add3A_55 = arith.constant 1 : i32
      %add3A_56 = arith.addi %add3A_54, %add3A_55 : i32
      %select_n3A_57 = arith.constant true
      %select_n3A_58 = arith.constant 0 : i32
      %select_n3A_59 = arith.select %select_n3A_57, %add3A_56, %select_n3A_58 : i32
      "tpu.trace_stop"() : () -> ()
      %scan3A = arith.constant 0 : i32
      %scan3A_60 = arith.constant 0 : i32
      %scan3A_61 = arith.constant 0 : i32
      %scan3A_62 = arith.constant 0 : i32
      %scan3A_63 = arith.constant 0 : i32
      %scan3A_64 = arith.constant 32 : i32
      %scan3A_65 = arith.addi %scan3A_63, %scan3A_64 : i32
      %scan3A_66 = arith.constant 1 : i32
      %scan3A_67:5 = scf.for %scan3A_121 = %scan3A_63 to %scan3A_65 step %scan3A_66 iter_args(%scan3A_122 = %select_n3A_59, %scan3A_123 = %scan3A, %scan3A_124 = %scan3A_60, %scan3A_125 = %scan3A_61, %scan3A_126 = %scan3A_62) -> (i32, i32, i32, i32, i32)  : i32 {
        %eq3A_127 = arith.constant 0 : i32
        %eq3A_128 = arith.cmpi eq, %scan3A_121, %eq3A_127 : i32
        %eq3A_129 = arith.constant 31 : i32
        %eq3A_130 = arith.cmpi eq, %scan3A_121, %eq3A_129 : i32
        %add3A_131 = arith.addi %scan3A_126, %mul3A_6 : i32
        %sub3A_132 = arith.constant 1 : i32
        %sub3A_133 = arith.subi %scan3A_126, %sub3A_132 : i32
        %select_n3A_134 = arith.constant true
        %select_n3A_135 = arith.select %select_n3A_134, %sub3A_133, %scan3A_126 : i32
        %eq3A_136 = arith.constant -1 : i32
        %eq3A_137 = arith.cmpi eq, %select_n3A_135, %eq3A_136 : i32
        %select_n3A_138 = arith.constant 31 : i32
        %select_n3A_139 = arith.select %eq3A_137, %select_n3A_138, %select_n3A_135 : i32
        %add3A_140 = arith.addi %select_n3A_139, %mul3A_6 : i32
        %add3A_141 = arith.constant 1 : i32
        %add3A_142 = arith.addi %scan3A_126, %add3A_141 : i32
        %select_n3A_143 = arith.constant true
        %select_n3A_144 = arith.select %select_n3A_143, %add3A_142, %scan3A_126 : i32
        %eq3A_145 = arith.constant 32 : i32
        %eq3A_146 = arith.cmpi eq, %select_n3A_144, %eq3A_145 : i32
        %select_n3A_147 = arith.constant 0 : i32
        %select_n3A_148 = arith.select %eq3A_146, %select_n3A_147, %select_n3A_144 : i32
        %add3A_149 = arith.addi %select_n3A_148, %mul3A_6 : i32
        %add3A_150 = arith.constant 1 : i32
        %add3A_151 = arith.addi %select_n3A_148, %add3A_150 : i32
        %select_n3A_152 = arith.constant true
        %select_n3A_153 = arith.select %select_n3A_152, %add3A_151, %select_n3A_148 : i32
        %eq3A_154 = arith.constant 32 : i32
        %eq3A_155 = arith.cmpi eq, %select_n3A_153, %eq3A_154 : i32
        %select_n3A_156 = arith.constant 0 : i32
        %select_n3A_157 = arith.select %eq3A_155, %select_n3A_156, %select_n3A_153 : i32
        %add3A_158 = arith.addi %select_n3A_157, %mul3A_6 : i32
        %ne3A = arith.cmpi ne, %add3A_131, %add3A_149 : i32
        %or3A = arith.constant false
        %or3A_159 = arith.ori %or3A, %ne3A : i1
        %ge3A = arith.constant 31 : i32
        %ge3A_160 = arith.cmpi sge, %scan3A_121, %ge3A : i32
        %not3A = arith.constant true
        %not3A_161 = arith.xori %ge3A_160, %not3A : i1
        %and3A = arith.andi %or3A_159, %not3A_161 : i1
        %convert_element_type3A = arith.extui %and3A : i1 to i32
        %cond3A = arith.constant 0 : i32
        %cond3A_162 = arith.cmpi ne, %convert_element_type3A, %cond3A : i32
        scf.if %cond3A_162 {
          "tpu.trace_start"() <{level = 10 : i32, message = "ep_copy_in"}> : () -> ()
          %rem3A_264 = arith.constant 2 : i32
          %rem3A_265 = arith.remui %scan3A_122, %rem3A_264 : i32
          %mul3A_266 = arith.constant 128 : i32
          %mul3A_267 = arith.muli %mul3A_266, %add3A_149 : i32
          %dma_start3A_268 = arith.constant 0 : i32
          %dma_start3A_269 = arith.constant 0 : i32
          %dma_start3A_270 = tpu.memref_slice %run_scoped3A[%rem3A_265, %dma_start3A_268, %dma_start3A_269] : memref<2x1x128xi32, #tpu.memory_space<vmem>> -> memref<1x1x128xi32, #tpu.memory_space<vmem>>
          %dma_start3A_271 = tpu.memref_squeeze %dma_start3A_270 : memref<1x1x128xi32, #tpu.memory_space<vmem>> -> memref<1x128xi32, #tpu.memory_space<vmem>>
          %dma_start3A_272 = arith.constant 0 : i32
          %dma_start3A_273 = tpu.memref_slice %arg3[%dma_start3A_272, %mul3A_267] : memref<1x131072xi32, #tpu.memory_space<hbm>> -> memref<1x128xi32, #tpu.memory_space<hbm>>
          %dma_start3A_274 = tpu.memref_slice %run_scoped3A_7[%rem3A_265] : memref<2x!tpu.dma_semaphore, #tpu.memory_space<semaphore_mem>> -> memref<1x!tpu.dma_semaphore, #tpu.memory_space<semaphore_mem>>
          %dma_start3A_275 = tpu.memref_squeeze %dma_start3A_274 : memref<1x!tpu.dma_semaphore, #tpu.memory_space<semaphore_mem>> -> memref<!tpu.dma_semaphore, #tpu.memory_space<semaphore_mem>>
          %dma_start3A_276 = arith.constant 0 : i32
          %dma_start3A_277 = arith.constant 0 : i32
          %dma_start3A_278 = tpu.memref_slice %run_scoped3A[%rem3A_265, %dma_start3A_276, %dma_start3A_277] : memref<2x1x128xi32, #tpu.memory_space<vmem>> -> memref<1x1x128xi32, #tpu.memory_space<vmem>>
          %dma_start3A_279 = tpu.memref_squeeze %dma_start3A_278 : memref<1x1x128xi32, #tpu.memory_space<vmem>> -> memref<1x128xi32, #tpu.memory_space<vmem>>
          %dma_start3A_280 = arith.constant 0 : i32
          %dma_start3A_281 = tpu.memref_slice %arg3[%dma_start3A_280, %mul3A_267] : memref<1x131072xi32, #tpu.memory_space<hbm>> -> memref<1x128xi32, #tpu.memory_space<hbm>>
          tpu.enqueue_dma source(%dma_start3A_281 : memref<1x128xi32, #tpu.memory_space<hbm>>) target(%dma_start3A_279 : memref<1x128xi32, #tpu.memory_space<vmem>>) target_semaphore(%dma_start3A_275 : memref<!tpu.dma_semaphore, #tpu.memory_space<semaphore_mem>>)
          "tpu.trace_stop"() : () -> ()
        } else {
        }
        %and3A_163 = arith.constant true
        %and3A_164 = arith.andi %and3A, %and3A_163 : i1
        %add3A_165 = arith.constant 1 : i32
        %add3A_166 = arith.addi %scan3A_122, %add3A_165 : i32
        %select_n3A_167 = arith.select %and3A_164, %add3A_166, %scan3A_122 : i32
        %ne3A_168 = arith.cmpi ne, %add3A_131, %add3A_149 : i32
        %or3A_169 = arith.constant false
        %or3A_170 = arith.ori %or3A_169, %ne3A_168 : i1
        %or3A_171 = arith.constant false
        %or3A_172 = arith.ori %or3A_170, %or3A_171 : i1
        %ge3A_173 = arith.constant 31 : i32
        %ge3A_174 = arith.cmpi sge, %scan3A_121, %ge3A_173 : i32
        %not3A_175 = arith.constant true
        %not3A_176 = arith.xori %ge3A_174, %not3A_175 : i1
        %and3A_177 = arith.andi %or3A_172, %not3A_176 : i1
        %ne3A_178 = arith.cmpi ne, %add3A_131, %add3A_140 : i32
        %or3A_179 = arith.constant false
        %or3A_180 = arith.ori %or3A_179, %ne3A_178 : i1
        %or3A_181 = arith.ori %or3A_180, %eq3A_128 : i1
        %convert_element_type3A_182 = arith.extui %or3A_181 : i1 to i32
        %cond3A_183 = arith.constant 0 : i32
        %cond3A_184 = arith.cmpi ne, %convert_element_type3A_182, %cond3A_183 : i32
        scf.if %cond3A_184 {
          "tpu.trace_start"() <{level = 10 : i32, message = "ep_wait_in"}> : () -> ()
          %mul3A_264 = arith.constant 128 : i32
          %mul3A_265 = arith.muli %mul3A_264, %add3A_131 : i32
          %rem3A_266 = arith.constant 2 : i32
          %rem3A_267 = arith.remui %scan3A_123, %rem3A_266 : i32
          %dma_wait3A_268 = arith.constant 0 : i32
          %dma_wait3A_269 = arith.constant 0 : i32
          %dma_wait3A_270 = tpu.memref_slice %run_scoped3A[%rem3A_267, %dma_wait3A_268, %dma_wait3A_269] : memref<2x1x128xi32, #tpu.memory_space<vmem>> -> memref<1x1x128xi32, #tpu.memory_space<vmem>>
          %dma_wait3A_271 = tpu.memref_squeeze %dma_wait3A_270 : memref<1x1x128xi32, #tpu.memory_space<vmem>> -> memref<1x128xi32, #tpu.memory_space<vmem>>
          %dma_wait3A_272 = arith.constant 0 : i32
          %dma_wait3A_273 = tpu.memref_slice %arg3[%dma_wait3A_272, %mul3A_265] : memref<1x131072xi32, #tpu.memory_space<hbm>> -> memref<1x128xi32, #tpu.memory_space<hbm>>
          %dma_wait3A_274 = tpu.memref_slice %run_scoped3A_7[%rem3A_267] : memref<2x!tpu.dma_semaphore, #tpu.memory_space<semaphore_mem>> -> memref<1x!tpu.dma_semaphore, #tpu.memory_space<semaphore_mem>>
          %dma_wait3A_275 = tpu.memref_squeeze %dma_wait3A_274 : memref<1x!tpu.dma_semaphore, #tpu.memory_space<semaphore_mem>> -> memref<!tpu.dma_semaphore, #tpu.memory_space<semaphore_mem>>
          %dma_wait3A_276 = arith.constant 0 : i32
          %dma_wait3A_277 = arith.constant 0 : i32
          %dma_wait3A_278 = tpu.memref_slice %run_scoped3A[%rem3A_267, %dma_wait3A_276, %dma_wait3A_277] : memref<2x1x128xi32, #tpu.memory_space<vmem>> -> memref<1x1x128xi32, #tpu.memory_space<vmem>>
          %dma_wait3A_279 = tpu.memref_squeeze %dma_wait3A_278 : memref<1x1x128xi32, #tpu.memory_space<vmem>> -> memref<1x128xi32, #tpu.memory_space<vmem>>
          %dma_wait3A_280 = arith.constant 0 : i32
          %dma_wait3A_281 = tpu.memref_slice %arg3[%dma_wait3A_280, %mul3A_265] : memref<1x131072xi32, #tpu.memory_space<hbm>> -> memref<1x128xi32, #tpu.memory_space<hbm>>
          tpu.wait_dma2 semaphore(%dma_wait3A_275 : memref<!tpu.dma_semaphore, #tpu.memory_space<semaphore_mem>>) src(%dma_wait3A_281 : memref<1x128xi32, #tpu.memory_space<hbm>>) dst(%dma_wait3A_279 : memref<1x128xi32, #tpu.memory_space<vmem>>)
          "tpu.trace_stop"() : () -> ()
        } else {
        }
        %ne3A_185 = arith.cmpi ne, %add3A_131, %add3A_140 : i32
        %or3A_186 = arith.constant false
        %or3A_187 = arith.ori %or3A_186, %ne3A_185 : i1
        %or3A_188 = arith.constant false
        %or3A_189 = arith.ori %or3A_187, %or3A_188 : i1
        %or3A_190 = arith.ori %or3A_189, %eq3A_128 : i1
        %convert_element_type3A_191 = arith.extui %or3A_190 : i1 to i32
        %cond3A_192 = arith.constant 0 : i32
        %cond3A_193 = arith.cmpi ne, %convert_element_type3A_191, %cond3A_192 : i32
        scf.if %cond3A_193 {
        } else {
        }
        %rem3A_194 = arith.constant 2 : i32
        %rem3A_195 = arith.remui %scan3A_123, %rem3A_194 : i32
        %rem3A_196 = arith.constant 2 : i32
        %rem3A_197 = arith.remui %scan3A_124, %rem3A_196 : i32
        %run_scoped3A_198 = arith.constant 0 : i32
        "tpu.trace_start"() <{level = 10 : i32, message = "ep_run_kernel"}> : () -> ()
        "tpu.region"() ({
          %run_scoped3A_264 = tpu.sem_alloc : memref<!tpu.dma_semaphore, #tpu.memory_space<semaphore_mem>>
          %dma_start3A_265 = arith.constant 0 : i32
          %dma_start3A_266 = arith.constant 0 : i32
          %dma_start3A_267 = tpu.memref_slice %run_scoped3A_8[%rem3A_197, %dma_start3A_265, %dma_start3A_266] : memref<2x128x128xf32, #tpu.memory_space<vmem>> -> memref<1x128x128xf32, #tpu.memory_space<vmem>>
          %dma_start3A_268 = tpu.memref_squeeze %dma_start3A_267 : memref<1x128x128xf32, #tpu.memory_space<vmem>> -> memref<128x128xf32, #tpu.memory_space<vmem>>
          %dma_start3A_269 = arith.constant 0 : i32
          %dma_start3A_270 = arith.constant 0 : i32
          %dma_start3A_271 = tpu.memref_slice %run_scoped3A[%rem3A_195, %dma_start3A_269, %dma_start3A_270] : memref<2x1x128xi32, #tpu.memory_space<vmem>> -> memref<1x1x128xi32, #tpu.memory_space<vmem>>
          %dma_start3A_272 = tpu.memref_squeeze %dma_start3A_271 : memref<1x1x128xi32, #tpu.memory_space<vmem>> -> memref<1x128xi32, #tpu.memory_space<vmem>>
          %dma_start3A_273 = arith.constant 0 : i32
          %dma_start3A_274 = tpu.memref_slice %dma_start3A_272[%run_scoped3A_198, %dma_start3A_273] : memref<1x128xi32, #tpu.memory_space<vmem>> -> memref<1x128xi32, #tpu.memory_space<vmem>>
          %dma_start3A_275 = tpu.memref_squeeze %dma_start3A_274 : memref<1x128xi32, #tpu.memory_space<vmem>> -> memref<128xi32, #tpu.memory_space<vmem>>
          %dma_start3A_276 = arith.constant 0 : i32
          %dma_start3A_277 = arith.constant 0 : i32
          %dma_start3A_278 = tpu.memref_slice %arg2[%dma_start3A_276, %dma_start3A_277] : memref<8192x128xf32, #tpu.memory_space<hbm>> -> memref<8192x128xf32, #tpu.memory_space<hbm>>
          tpu.enqueue_indirect_dma source(%dma_start3A_278 : memref<8192x128xf32, #tpu.memory_space<hbm>>) target(%dma_start3A_268 : memref<128x128xf32, #tpu.memory_space<vmem>>) offsets(%dma_start3A_275 : memref<128xi32, #tpu.memory_space<vmem>>) semaphore(%run_scoped3A_264 : memref<!tpu.dma_semaphore, #tpu.memory_space<semaphore_mem>>)
          %dma_wait3A_279 = arith.constant 0 : i32
          %dma_wait3A_280 = arith.constant 0 : i32
          %dma_wait3A_281 = tpu.memref_slice %run_scoped3A_8[%rem3A_197, %dma_wait3A_279, %dma_wait3A_280] : memref<2x128x128xf32, #tpu.memory_space<vmem>> -> memref<1x128x128xf32, #tpu.memory_space<vmem>>
          %dma_wait3A_282 = tpu.memref_squeeze %dma_wait3A_281 : memref<1x128x128xf32, #tpu.memory_space<vmem>> -> memref<128x128xf32, #tpu.memory_space<vmem>>
          %dma_wait3A_283 = arith.constant 0 : i32
          %dma_wait3A_284 = arith.constant 0 : i32
          %dma_wait3A_285 = tpu.memref_slice %run_scoped3A[%rem3A_195, %dma_wait3A_283, %dma_wait3A_284] : memref<2x1x128xi32, #tpu.memory_space<vmem>> -> memref<1x1x128xi32, #tpu.memory_space<vmem>>
          %dma_wait3A_286 = tpu.memref_squeeze %dma_wait3A_285 : memref<1x1x128xi32, #tpu.memory_space<vmem>> -> memref<1x128xi32, #tpu.memory_space<vmem>>
          %dma_wait3A_287 = arith.constant 0 : i32
          %dma_wait3A_288 = tpu.memref_slice %dma_wait3A_286[%run_scoped3A_198, %dma_wait3A_287] : memref<1x128xi32, #tpu.memory_space<vmem>> -> memref<1x128xi32, #tpu.memory_space<vmem>>
          %dma_wait3A_289 = tpu.memref_squeeze %dma_wait3A_288 : memref<1x128xi32, #tpu.memory_space<vmem>> -> memref<128xi32, #tpu.memory_space<vmem>>
          %dma_wait3A_290 = arith.constant 0 : i32
          %dma_wait3A_291 = arith.constant 0 : i32
          %dma_wait3A_292 = tpu.memref_slice %arg2[%dma_wait3A_290, %dma_wait3A_291] : memref<8192x128xf32, #tpu.memory_space<hbm>> -> memref<8192x128xf32, #tpu.memory_space<hbm>>
          tpu.wait_indirect_dma semaphore(%run_scoped3A_264 : memref<!tpu.dma_semaphore, #tpu.memory_space<semaphore_mem>>) src(%dma_wait3A_292 : memref<8192x128xf32, #tpu.memory_space<hbm>>) dst(%dma_wait3A_282 : memref<128x128xf32, #tpu.memory_space<vmem>>)
          tpu.yield
        }) : () -> ()
        "tpu.trace_stop"() : () -> ()
        %ne3A_199 = arith.cmpi ne, %add3A_131, %add3A_149 : i32
        %or3A_200 = arith.constant false
        %or3A_201 = arith.ori %or3A_200, %ne3A_199 : i1
        %or3A_202 = arith.ori %or3A_201, %eq3A_130 : i1
        %convert_element_type3A_203 = arith.extui %or3A_202 : i1 to i32
        %cond3A_204 = arith.constant 0 : i32
        %cond3A_205 = arith.cmpi ne, %convert_element_type3A_203, %cond3A_204 : i32
        scf.if %cond3A_205 {
        } else {
        }
        %and3A_206 = arith.constant false
        %and3A_207 = arith.andi %or3A_202, %and3A_206 : i1
        %ne3A_208 = arith.cmpi ne, %add3A_131, %add3A_149 : i32
        %or3A_209 = arith.constant false
        %or3A_210 = arith.ori %or3A_209, %ne3A_208 : i1
        %or3A_211 = arith.constant false
        %or3A_212 = arith.ori %or3A_210, %or3A_211 : i1
        %or3A_213 = arith.ori %or3A_212, %eq3A_130 : i1
        %convert_element_type3A_214 = arith.extui %or3A_213 : i1 to i32
        %cond3A_215 = arith.constant 0 : i32
        %cond3A_216 = arith.cmpi ne, %convert_element_type3A_214, %cond3A_215 : i32
        scf.if %cond3A_216 {
          "tpu.trace_start"() <{level = 10 : i32, message = "ep_copy_out"}> : () -> ()
          %rem3A_264 = arith.constant 2 : i32
          %rem3A_265 = arith.remui %scan3A_124, %rem3A_264 : i32
          %mul3A_266 = arith.constant 128 : i32
          %mul3A_267 = arith.muli %mul3A_266, %add3A_131 : i32
          %dma_start3A_268 = arith.constant 0 : i32
          %dma_start3A_269 = arith.constant 0 : i32
          %dma_start3A_270 = tpu.memref_slice %run_scoped3A_8[%rem3A_265, %dma_start3A_268, %dma_start3A_269] : memref<2x128x128xf32, #tpu.memory_space<vmem>> -> memref<1x128x128xf32, #tpu.memory_space<vmem>>
          %dma_start3A_271 = tpu.memref_squeeze %dma_start3A_270 : memref<1x128x128xf32, #tpu.memory_space<vmem>> -> memref<128x128xf32, #tpu.memory_space<vmem>>
          %dma_start3A_272 = arith.constant 0 : i32
          %dma_start3A_273 = tpu.memref_slice %arg4[%mul3A_267, %dma_start3A_272] : memref<131072x128xf32, #tpu.memory_space<hbm>> -> memref<128x128xf32, #tpu.memory_space<hbm>>
          %dma_start3A_274 = tpu.memref_slice %run_scoped3A_9[%rem3A_265] : memref<2x!tpu.dma_semaphore, #tpu.memory_space<semaphore_mem>> -> memref<1x!tpu.dma_semaphore, #tpu.memory_space<semaphore_mem>>
          %dma_start3A_275 = tpu.memref_squeeze %dma_start3A_274 : memref<1x!tpu.dma_semaphore, #tpu.memory_space<semaphore_mem>> -> memref<!tpu.dma_semaphore, #tpu.memory_space<semaphore_mem>>
          %dma_start3A_276 = arith.constant 0 : i32
          %dma_start3A_277 = tpu.memref_slice %arg4[%mul3A_267, %dma_start3A_276] : memref<131072x128xf32, #tpu.memory_space<hbm>> -> memref<128x128xf32, #tpu.memory_space<hbm>>
          %dma_start3A_278 = arith.constant 0 : i32
          %dma_start3A_279 = arith.constant 0 : i32
          %dma_start3A_280 = tpu.memref_slice %run_scoped3A_8[%rem3A_265, %dma_start3A_278, %dma_start3A_279] : memref<2x128x128xf32, #tpu.memory_space<vmem>> -> memref<1x128x128xf32, #tpu.memory_space<vmem>>
          %dma_start3A_281 = tpu.memref_squeeze %dma_start3A_280 : memref<1x128x128xf32, #tpu.memory_space<vmem>> -> memref<128x128xf32, #tpu.memory_space<vmem>>
          tpu.enqueue_dma source(%dma_start3A_281 : memref<128x128xf32, #tpu.memory_space<vmem>>) target(%dma_start3A_277 : memref<128x128xf32, #tpu.memory_space<hbm>>) target_semaphore(%dma_start3A_275 : memref<!tpu.dma_semaphore, #tpu.memory_space<semaphore_mem>>)
          "tpu.trace_stop"() : () -> ()
        } else {
        }
        %and3A_217 = arith.constant true
        %and3A_218 = arith.andi %or3A_213, %and3A_217 : i1
        %add3A_219 = arith.constant 1 : i32
        %add3A_220 = arith.addi %scan3A_124, %add3A_219 : i32
        %select_n3A_221 = arith.select %and3A_218, %add3A_220, %scan3A_124 : i32
        %ne3A_222 = arith.cmpi ne, %add3A_131, %add3A_140 : i32
        %or3A_223 = arith.constant false
        %or3A_224 = arith.ori %or3A_223, %ne3A_222 : i1
        %not3A_225 = arith.constant true
        %not3A_226 = arith.xori %eq3A_128, %not3A_225 : i1
        %and3A_227 = arith.andi %or3A_224, %not3A_226 : i1
        %convert_element_type3A_228 = arith.extui %and3A_227 : i1 to i32
        %cond3A_229 = arith.constant 0 : i32
        %cond3A_230 = arith.cmpi ne, %convert_element_type3A_228, %cond3A_229 : i32
        scf.if %cond3A_230 {
        } else {
        }
        %and3A_231 = arith.constant false
        %and3A_232 = arith.andi %and3A_227, %and3A_231 : i1
        %ne3A_233 = arith.cmpi ne, %add3A_131, %add3A_140 : i32
        %or3A_234 = arith.constant false
        %or3A_235 = arith.ori %or3A_234, %ne3A_233 : i1
        %or3A_236 = arith.constant false
        %or3A_237 = arith.ori %or3A_235, %or3A_236 : i1
        %not3A_238 = arith.constant true
        %not3A_239 = arith.xori %eq3A_128, %not3A_238 : i1
        %and3A_240 = arith.andi %or3A_237, %not3A_239 : i1
        %convert_element_type3A_241 = arith.extui %and3A_240 : i1 to i32
        %cond3A_242 = arith.constant 0 : i32
        %cond3A_243 = arith.cmpi ne, %convert_element_type3A_241, %cond3A_242 : i32
        scf.if %cond3A_243 {
          "tpu.trace_start"() <{level = 10 : i32, message = "ep_wait_out"}> : () -> ()
          %rem3A_264 = arith.constant 2 : i32
          %rem3A_265 = arith.remui %scan3A_125, %rem3A_264 : i32
          %mul3A_266 = arith.constant 128 : i32
          %mul3A_267 = arith.muli %mul3A_266, %add3A_140 : i32
          %dma_wait3A_268 = arith.constant 0 : i32
          %dma_wait3A_269 = arith.constant 0 : i32
          %dma_wait3A_270 = tpu.memref_slice %run_scoped3A_8[%rem3A_265, %dma_wait3A_268, %dma_wait3A_269] : memref<2x128x128xf32, #tpu.memory_space<vmem>> -> memref<1x128x128xf32, #tpu.memory_space<vmem>>
          %dma_wait3A_271 = tpu.memref_squeeze %dma_wait3A_270 : memref<1x128x128xf32, #tpu.memory_space<vmem>> -> memref<128x128xf32, #tpu.memory_space<vmem>>
          %dma_wait3A_272 = arith.constant 0 : i32
          %dma_wait3A_273 = tpu.memref_slice %arg4[%mul3A_267, %dma_wait3A_272] : memref<131072x128xf32, #tpu.memory_space<hbm>> -> memref<128x128xf32, #tpu.memory_space<hbm>>
          %dma_wait3A_274 = tpu.memref_slice %run_scoped3A_9[%rem3A_265] : memref<2x!tpu.dma_semaphore, #tpu.memory_space<semaphore_mem>> -> memref<1x!tpu.dma_semaphore, #tpu.memory_space<semaphore_mem>>
          %dma_wait3A_275 = tpu.memref_squeeze %dma_wait3A_274 : memref<1x!tpu.dma_semaphore, #tpu.memory_space<semaphore_mem>> -> memref<!tpu.dma_semaphore, #tpu.memory_space<semaphore_mem>>
          %dma_wait3A_276 = arith.constant 0 : i32
          %dma_wait3A_277 = tpu.memref_slice %arg4[%mul3A_267, %dma_wait3A_276] : memref<131072x128xf32, #tpu.memory_space<hbm>> -> memref<128x128xf32, #tpu.memory_space<hbm>>
          %dma_wait3A_278 = arith.constant 0 : i32
          %dma_wait3A_279 = arith.constant 0 : i32
          %dma_wait3A_280 = tpu.memref_slice %run_scoped3A_8[%rem3A_265, %dma_wait3A_278, %dma_wait3A_279] : memref<2x128x128xf32, #tpu.memory_space<vmem>> -> memref<1x128x128xf32, #tpu.memory_space<vmem>>
          %dma_wait3A_281 = tpu.memref_squeeze %dma_wait3A_280 : memref<1x128x128xf32, #tpu.memory_space<vmem>> -> memref<128x128xf32, #tpu.memory_space<vmem>>
          tpu.wait_dma2 semaphore(%dma_wait3A_275 : memref<!tpu.dma_semaphore, #tpu.memory_space<semaphore_mem>>) src(%dma_wait3A_281 : memref<128x128xf32, #tpu.memory_space<vmem>>) dst(%dma_wait3A_277 : memref<128x128xf32, #tpu.memory_space<hbm>>)
          "tpu.trace_stop"() : () -> ()
        } else {
        }
        %and3A_244 = arith.constant true
        %and3A_245 = arith.andi %and3A_240, %and3A_244 : i1
        %add3A_246 = arith.constant 1 : i32
        %add3A_247 = arith.addi %scan3A_125, %add3A_246 : i32
        %select_n3A_248 = arith.select %and3A_245, %add3A_247, %scan3A_125 : i32
        %ne3A_249 = arith.cmpi ne, %add3A_131, %add3A_149 : i32
        %or3A_250 = arith.constant false
        %or3A_251 = arith.ori %or3A_250, %ne3A_249 : i1
        %or3A_252 = arith.ori %or3A_251, %eq3A_130 : i1
        %add3A_253 = arith.constant 1 : i32
        %add3A_254 = arith.addi %scan3A_123, %add3A_253 : i32
        %select_n3A_255 = arith.select %or3A_252, %add3A_254, %scan3A_123 : i32
        %add3A_256 = arith.constant 1 : i32
        %add3A_257 = arith.addi %scan3A_126, %add3A_256 : i32
        %select_n3A_258 = arith.constant true
        %select_n3A_259 = arith.select %select_n3A_258, %add3A_257, %scan3A_126 : i32
        %eq3A_260 = arith.constant 32 : i32
        %eq3A_261 = arith.cmpi eq, %select_n3A_259, %eq3A_260 : i32
        %select_n3A_262 = arith.constant 0 : i32
        %select_n3A_263 = arith.select %eq3A_261, %select_n3A_262, %select_n3A_259 : i32
        scf.yield %select_n3A_167, %select_n3A_255, %select_n3A_221, %select_n3A_248, %select_n3A_263 : i32, i32, i32, i32, i32
      }
      %scan3A_68 = arith.constant 32 : i32
      %sub3A = arith.constant 1 : i32
      %sub3A_69 = arith.subi %scan3A_67#4, %sub3A : i32
      %select_n3A_70 = arith.constant true
      %select_n3A_71 = arith.select %select_n3A_70, %sub3A_69, %scan3A_67#4 : i32
      %eq3A_72 = arith.constant -1 : i32
      %eq3A_73 = arith.cmpi eq, %select_n3A_71, %eq3A_72 : i32
      %select_n3A_74 = arith.constant 31 : i32
      %select_n3A_75 = arith.select %eq3A_73, %select_n3A_74, %select_n3A_71 : i32
      %add3A_76 = arith.addi %select_n3A_75, %mul3A_6 : i32
      %sub3A_77 = arith.constant 1 : i32
      %sub3A_78 = arith.subi %select_n3A_75, %sub3A_77 : i32
      %select_n3A_79 = arith.constant true
      %select_n3A_80 = arith.select %select_n3A_79, %sub3A_78, %select_n3A_75 : i32
      %eq3A_81 = arith.constant -1 : i32
      %eq3A_82 = arith.cmpi eq, %select_n3A_80, %eq3A_81 : i32
      %select_n3A_83 = arith.constant 31 : i32
      %select_n3A_84 = arith.select %eq3A_82, %select_n3A_83, %select_n3A_80 : i32
      %add3A_85 = arith.addi %select_n3A_84, %mul3A_6 : i32
      %add3A_86 = arith.constant 1 : i32
      %add3A_87 = arith.addi %select_n3A_75, %add3A_86 : i32
      %select_n3A_88 = arith.constant true
      %select_n3A_89 = arith.select %select_n3A_88, %add3A_87, %select_n3A_75 : i32
      %eq3A_90 = arith.constant 32 : i32
      %eq3A_91 = arith.cmpi eq, %select_n3A_89, %eq3A_90 : i32
      %select_n3A_92 = arith.constant 0 : i32
      %select_n3A_93 = arith.select %eq3A_91, %select_n3A_92, %select_n3A_89 : i32
      %add3A_94 = arith.addi %select_n3A_93, %mul3A_6 : i32
      %add3A_95 = arith.constant 1 : i32
      %add3A_96 = arith.addi %select_n3A_93, %add3A_95 : i32
      %select_n3A_97 = arith.constant true
      %select_n3A_98 = arith.select %select_n3A_97, %add3A_96, %select_n3A_93 : i32
      %eq3A_99 = arith.constant 32 : i32
      %eq3A_100 = arith.cmpi eq, %select_n3A_98, %eq3A_99 : i32
      %select_n3A_101 = arith.constant 0 : i32
      %select_n3A_102 = arith.select %eq3A_100, %select_n3A_101, %select_n3A_98 : i32
      %add3A_103 = arith.addi %select_n3A_102, %mul3A_6 : i32
      "tpu.trace_start"() <{level = 10 : i32, message = "ep_finalize"}> : () -> ()
      %rem3A_104 = arith.constant 2 : i32
      %rem3A_105 = arith.remui %scan3A_67#3, %rem3A_104 : i32
      %mul3A_106 = arith.constant 128 : i32
      %mul3A_107 = arith.muli %mul3A_106, %add3A_76 : i32
      %dma_wait3A = arith.constant 0 : i32
      %dma_wait3A_108 = arith.constant 0 : i32
      %dma_wait3A_109 = tpu.memref_slice %run_scoped3A_8[%rem3A_105, %dma_wait3A, %dma_wait3A_108] : memref<2x128x128xf32, #tpu.memory_space<vmem>> -> memref<1x128x128xf32, #tpu.memory_space<vmem>>
      %dma_wait3A_110 = tpu.memref_squeeze %dma_wait3A_109 : memref<1x128x128xf32, #tpu.memory_space<vmem>> -> memref<128x128xf32, #tpu.memory_space<vmem>>
      %dma_wait3A_111 = arith.constant 0 : i32
      %dma_wait3A_112 = tpu.memref_slice %arg4[%mul3A_107, %dma_wait3A_111] : memref<131072x128xf32, #tpu.memory_space<hbm>> -> memref<128x128xf32, #tpu.memory_space<hbm>>
      %dma_wait3A_113 = tpu.memref_slice %run_scoped3A_9[%rem3A_105] : memref<2x!tpu.dma_semaphore, #tpu.memory_space<semaphore_mem>> -> memref<1x!tpu.dma_semaphore, #tpu.memory_space<semaphore_mem>>
      %dma_wait3A_114 = tpu.memref_squeeze %dma_wait3A_113 : memref<1x!tpu.dma_semaphore, #tpu.memory_space<semaphore_mem>> -> memref<!tpu.dma_semaphore, #tpu.memory_space<semaphore_mem>>
      %dma_wait3A_115 = arith.constant 0 : i32
      %dma_wait3A_116 = tpu.memref_slice %arg4[%mul3A_107, %dma_wait3A_115] : memref<131072x128xf32, #tpu.memory_space<hbm>> -> memref<128x128xf32, #tpu.memory_space<hbm>>
      %dma_wait3A_117 = arith.constant 0 : i32
      %dma_wait3A_118 = arith.constant 0 : i32
      %dma_wait3A_119 = tpu.memref_slice %run_scoped3A_8[%rem3A_105, %dma_wait3A_117, %dma_wait3A_118] : memref<2x128x128xf32, #tpu.memory_space<vmem>> -> memref<1x128x128xf32, #tpu.memory_space<vmem>>
      %dma_wait3A_120 = tpu.memref_squeeze %dma_wait3A_119 : memref<1x128x128xf32, #tpu.memory_space<vmem>> -> memref<128x128xf32, #tpu.memory_space<vmem>>
      tpu.wait_dma2 semaphore(%dma_wait3A_114 : memref<!tpu.dma_semaphore, #tpu.memory_space<semaphore_mem>>) src(%dma_wait3A_120 : memref<128x128xf32, #tpu.memory_space<vmem>>) dst(%dma_wait3A_116 : memref<128x128xf32, #tpu.memory_space<hbm>>)
      "tpu.trace_stop"() : () -> ()
      tpu.yield
    }) : () -> ()
    return
  }
}

#map = affine_map<(d0, d1) -> (0, 0)>
module attributes {stable_mosaic.version = 14 : i64} {
  func.func @k(%arg0: i32, %arg1: i32, %arg2: memref<8192x128xf32, #tpu.memory_space<hbm>>, %arg3: memref<1x131072xi32, #tpu.memory_space<hbm>>, %arg4: memref<131072x128xf32, #tpu.memory_space<hbm>>) attributes {dimension_semantics = [#tpu.dimension_semantics<core_parallel>, #tpu.dimension_semantics<subcore_parallel>], iteration_bounds = array<i64: 2, 16>, scalar_prefetch = 0 : i64, scratch_operands = 0 : i64, tpu.core_type = #tpu.core_type<sc_vector_subcore>, window_params = [{transform_indices = #map}, {transform_indices = #map}, {transform_indices = #map}]} {
    %mul3A = arith.constant 1 : i32
    %mul3A_0 = arith.muli %arg1, %mul3A : i32
    %add3A = arith.constant 0 : i32
    %add3A_1 = arith.addi %add3A, %mul3A_0 : i32
    %mul3A_2 = arith.constant 16 : i32
    %mul3A_3 = arith.muli %arg0, %mul3A_2 : i32
    %add3A_4 = arith.addi %add3A_1, %mul3A_3 : i32
    %mul3A_5 = arith.constant 32 : i32
    %mul3A_6 = arith.muli %add3A_4, %mul3A_5 : i32
    "tpu.region"() ({
      %run_scoped3A = memref.alloca() : memref<2x1x128xi32, #tpu.memory_space<vmem>>
      %run_scoped3A_7 = tpu.sem_alloc : memref<2x!tpu.dma_semaphore, #tpu.memory_space<semaphore_mem>>
      %run_scoped3A_8 = memref.alloca() : memref<2x128x128xf32, #tpu.memory_space<vmem>>
      %run_scoped3A_9 = tpu.sem_alloc : memref<2x!tpu.dma_semaphore, #tpu.memory_space<semaphore_mem>>
      %add3A_10 = arith.constant 0 : i32
      %add3A_11 = arith.addi %add3A_10, %mul3A_6 : i32
      %select_n3A = arith.constant true
      %select_n3A_12 = arith.constant 0 : i32
      %select_n3A_13 = arith.constant -1 : i32
      %select_n3A_14 = arith.select %select_n3A, %select_n3A_13, %select_n3A_12 : i32
      %eq3A = arith.constant -1 : i32
      %eq3A_15 = arith.cmpi eq, %select_n3A_14, %eq3A : i32
      %select_n3A_16 = arith.constant 31 : i32
      %select_n3A_17 = arith.select %eq3A_15, %select_n3A_16, %select_n3A_14 : i32
      %add3A_18 = arith.addi %select_n3A_17, %mul3A_6 : i32
      %select_n3A_19 = arith.constant true
      %select_n3A_20 = arith.constant 0 : i32
      %select_n3A_21 = arith.constant 1 : i32
      %select_n3A_22 = arith.select %select_n3A_19, %select_n3A_21, %select_n3A_20 : i32
      %eq3A_23 = arith.constant 32 : i32
      %eq3A_24 = arith.cmpi eq, %select_n3A_22, %eq3A_23 : i32
      %select_n3A_25 = arith.constant 0 : i32
      %select_n3A_26 = arith.select %eq3A_24, %select_n3A_25, %select_n3A_22 : i32
      %add3A_27 = arith.addi %select_n3A_26, %mul3A_6 : i32
      %add3A_28 = arith.constant 1 : i32
      %add3A_29 = arith.addi %select_n3A_26, %add3A_28 : i32
      %select_n3A_30 = arith.constant true
      %select_n3A_31 = arith.select %select_n3A_30, %add3A_29, %select_n3A_26 : i32
      %eq3A_32 = arith.constant 32 : i32
      %eq3A_33 = arith.cmpi eq, %select_n3A_31, %eq3A_32 : i32
      %select_n3A_34 = arith.constant 0 : i32
      %select_n3A_35 = arith.select %eq3A_33, %select_n3A_34, %select_n3A_31 : i32
      %add3A_36 = arith.addi %select_n3A_35, %mul3A_6 : i32
      "tpu.trace_start"() <{level = 10 : i32, message = "ep_initialize_0"}> : () -> ()
      %rem3A = arith.constant 0 : i32
      %rem3A_37 = arith.constant 2 : i32
      %rem3A_38 = arith.remui %rem3A, %rem3A_37 : i32
      %mul3A_39 = arith.constant 128 : i32
      %mul3A_40 = arith.muli %mul3A_39, %add3A_11 : i32
      %dma_start3A = arith.constant 0 : i32
      %dma_start3A_41 = arith.constant 0 : i32
      %dma_start3A_42 = tpu.memref_slice %run_scoped3A[%rem3A_38, %dma_start3A, %dma_start3A_41] : memref<2x1x128xi32, #tpu.memory_space<vmem>> -> memref<1x1x128xi32, #tpu.memory_space<vmem>>
      %dma_start3A_43 = tpu.memref_squeeze %dma_start3A_42 : memref<1x1x128xi32, #tpu.memory_space<vmem>> -> memref<1x128xi32, #tpu.memory_space<vmem>>
      %dma_start3A_44 = arith.constant 0 : i32
      %dma_start3A_45 = tpu.memref_slice %arg3[%dma_start3A_44, %mul3A_40] : memref<1x131072xi32, #tpu.memory_space<hbm>> -> memref<1x128xi32, #tpu.memory_space<hbm>>
      %dma_start3A_46 = tpu.memref_slice %run_scoped3A_7[%rem3A_38] : memref<2x!tpu.dma_semaphore, #tpu.memory_space<semaphore_mem>> -> memref<1x!tpu.dma_semaphore, #tpu.memory_space<semaphore_mem>>
      %dma_start3A_47 = tpu.memref_squeeze %dma_start3A_46 : memref<1x!tpu.dma_semaphore, #tpu.memory_space<semaphore_mem>> -> memref<!tpu.dma_semaphore, #tpu.memory_space<semaphore_mem>>
      %dma_start3A_48 = arith.constant 0 : i32
      %dma_start3A_49 = arith.constant 0 : i32
      %dma_start3A_50 = tpu.memref_slice %run_scoped3A[%rem3A_38, %dma_start3A_48, %dma_start3A_49] : memref<2x1x128xi32, #tpu.memory_space<vmem>> -> memref<1x1x128xi32, #tpu.memory_space<vmem>>
      %dma_start3A_51 = tpu.memref_squeeze %dma_start3A_50 : memref<1x1x128xi32, #tpu.memory_space<vmem>> -> memref<1x128xi32, #tpu.memory_space<vmem>>
      %dma_start3A_52 = arith.constant 0 : i32
      %dma_start3A_53 = tpu.memref_slice %arg3[%dma_start3A_52, %mul3A_40] : memref<1x131072xi32, #tpu.memory_space<hbm>> -> memref<1x128xi32, #tpu.memory_space<hbm>>
      tpu.enqueue_dma source(%dma_start3A_53 : memref<1x128xi32, #tpu.memory_space<hbm>>) target(%dma_start3A_51 : memref<1x128xi32, #tpu.memory_space<vmem>>) target_semaphore(%dma_start3A_47 : memref<!tpu.dma_semaphore, #tpu.memory_space<semaphore_mem>>)
      %add3A_54 = arith.constant 0 : i32
      %add3A_55 = arith.constant 1 : i32
      %add3A_56 = arith.addi %add3A_54, %add3A_55 : i32
      %select_n3A_57 = arith.constant true
      %select_n3A_58 = arith.constant 0 : i32
      %select_n3A_59 = arith.select %select_n3A_57, %add3A_56, %select_n3A_58 : i32
      "tpu.trace_stop"() : () -> ()
      %scan3A = arith.constant 0 : i32
      %scan3A_60 = arith.constant 0 : i32
      %scan3A_61 = arith.constant 0 : i32
      %scan3A_62 = arith.constant 0 : i32
      %scan3A_63 = arith.constant 0 : i32
      %scan3A_64 = arith.constant 32 : i32
      %scan3A_65 = arith.addi %scan3A_63, %scan3A_64 : i32
      %scan3A_66 = arith.constant 1 : i32
      %scan3A_67:5 = scf.for %scan3A_121 = %scan3A_63 to %scan3A_65 step %scan3A_66 iter_args(%scan3A_122 = %select_n3A_59, %scan3A_123 = %scan3A, %scan3A_124 = %scan3A_60, %scan3A_125 = %scan3A_61, %scan3A_126 = %scan3A_62) -> (i32, i32, i32, i32, i32)  : i32 {
        %eq3A_127 = arith.constant 0 : i32
        %eq3A_128 = arith.cmpi eq, %scan3A_121, %eq3A_127 : i32
        %eq3A_129 = arith.constant 31 : i32
        %eq3A_130 = arith.cmpi eq, %scan3A_121, %eq3A_129 : i32
        %add3A_131 = arith.addi %scan3A_126, %mul3A_6 : i32
        %sub3A_132 = arith.constant 1 : i32
        %sub3A_133 = arith.subi %scan3A_126, %sub3A_132 : i32
        %select_n3A_134 = arith.constant true
        %select_n3A_135 = arith.select %select_n3A_134, %sub3A_133, %scan3A_126 : i32
        %eq3A_136 = arith.constant -1 : i32
        %eq3A_137 = arith.cmpi eq, %select_n3A_135, %eq3A_136 : i32
        %select_n3A_138 = arith.constant 31 : i32
        %select_n3A_139 = arith.select %eq3A_137, %select_n3A_138, %select_n3A_135 : i32
        %add3A_140 = arith.addi %select_n3A_139, %mul3A_6 : i32
        %add3A_141 = arith.constant 1 : i32
        %add3A_142 = arith.addi %scan3A_126, %add3A_141 : i32
        %select_n3A_143 = arith.constant true
        %select_n3A_144 = arith.select %select_n3A_143, %add3A_142, %scan3A_126 : i32
        %eq3A_145 = arith.constant 32 : i32
        %eq3A_146 = arith.cmpi eq, %select_n3A_144, %eq3A_145 : i32
        %select_n3A_147 = arith.constant 0 : i32
        %select_n3A_148 = arith.select %eq3A_146, %select_n3A_147, %select_n3A_144 : i32
        %add3A_149 = arith.addi %select_n3A_148, %mul3A_6 : i32
        %add3A_150 = arith.constant 1 : i32
        %add3A_151 = arith.addi %select_n3A_148, %add3A_150 : i32
        %select_n3A_152 = arith.constant true
        %select_n3A_153 = arith.select %select_n3A_152, %add3A_151, %select_n3A_148 : i32
        %eq3A_154 = arith.constant 32 : i32
        %eq3A_155 = arith.cmpi eq, %select_n3A_153, %eq3A_154 : i32
        %select_n3A_156 = arith.constant 0 : i32
        %select_n3A_157 = arith.select %eq3A_155, %select_n3A_156, %select_n3A_153 : i32
        %add3A_158 = arith.addi %select_n3A_157, %mul3A_6 : i32
        %ne3A = arith.cmpi ne, %add3A_131, %add3A_149 : i32
        %or3A = arith.constant false
        %or3A_159 = arith.ori %or3A, %ne3A : i1
        %ge3A = arith.constant 31 : i32
        %ge3A_160 = arith.cmpi sge, %scan3A_121, %ge3A : i32
        %not3A = arith.constant true
        %not3A_161 = arith.xori %ge3A_160, %not3A : i1
        %and3A = arith.andi %or3A_159, %not3A_161 : i1
        %convert_element_type3A = arith.extui %and3A : i1 to i32
        %cond3A = arith.constant 0 : i32
        %cond3A_162 = arith.cmpi ne, %convert_element_type3A, %cond3A : i32
        scf.if %cond3A_162 {
          "tpu.trace_start"() <{level = 10 : i32, message = "ep_copy_in"}> : () -> ()
          %rem3A_264 = arith.constant 2 : i32
          %rem3A_265 = arith.remui %scan3A_122, %rem3A_264 : i32
          %mul3A_266 = arith.constant 128 : i32
          %mul3A_267 = arith.muli %mul3A_266, %add3A_149 : i32
          %dma_start3A_268 = arith.constant 0 : i32
          %dma_start3A_269 = arith.constant 0 : i32
          %dma_start3A_270 = tpu.memref_slice %run_scoped3A[%rem3A_265, %dma_start3A_268, %dma_start3A_269] : memref<2x1x128xi32, #tpu.memory_space<vmem>> -> memref<1x1x128xi32, #tpu.memory_space<vmem>>
          %dma_start3A_271 = tpu.memref_squeeze %dma_start3A_270 : memref<1x1x128xi32, #tpu.memory_space<vmem>> -> memref<1x128xi32, #tpu.memory_space<vmem>>
          %dma_start3A_272 = arith.constant 0 : i32
          %dma_start3A_273 = tpu.memref_slice %arg3[%dma_start3A_272, %mul3A_267] : memref<1x131072xi32, #tpu.memory_space<hbm>> -> memref<1x128xi32, #tpu.memory_space<hbm>>
          %dma_start3A_274 = tpu.memref_slice %run_scoped3A_7[%rem3A_265] : memref<2x!tpu.dma_semaphore, #tpu.memory_space<semaphore_mem>> -> memref<1x!tpu.dma_semaphore, #tpu.memory_space<semaphore_mem>>
          %dma_start3A_275 = tpu.memref_squeeze %dma_start3A_274 : memref<1x!tpu.dma_semaphore, #tpu.memory_space<semaphore_mem>> -> memref<!tpu.dma_semaphore, #tpu.memory_space<semaphore_mem>>
          %dma_start3A_276 = arith.constant 0 : i32
          %dma_start3A_277 = arith.constant 0 : i32
          %dma_start3A_278 = tpu.memref_slice %run_scoped3A[%rem3A_265, %dma_start3A_276, %dma_start3A_277] : memref<2x1x128xi32, #tpu.memory_space<vmem>> -> memref<1x1x128xi32, #tpu.memory_space<vmem>>
          %dma_start3A_279 = tpu.memref_squeeze %dma_start3A_278 : memref<1x1x128xi32, #tpu.memory_space<vmem>> -> memref<1x128xi32, #tpu.memory_space<vmem>>
          %dma_start3A_280 = arith.constant 0 : i32
          %dma_start3A_281 = tpu.memref_slice %arg3[%dma_start3A_280, %mul3A_267] : memref<1x131072xi32, #tpu.memory_space<hbm>> -> memref<1x128xi32, #tpu.memory_space<hbm>>
          tpu.enqueue_dma source(%dma_start3A_281 : memref<1x128xi32, #tpu.memory_space<hbm>>) target(%dma_start3A_279 : memref<1x128xi32, #tpu.memory_space<vmem>>) target_semaphore(%dma_start3A_275 : memref<!tpu.dma_semaphore, #tpu.memory_space<semaphore_mem>>)
          "tpu.trace_stop"() : () -> ()
        } else {
        }
        %and3A_163 = arith.constant true
        %and3A_164 = arith.andi %and3A, %and3A_163 : i1
        %add3A_165 = arith.constant 1 : i32
        %add3A_166 = arith.addi %scan3A_122, %add3A_165 : i32
        %select_n3A_167 = arith.select %and3A_164, %add3A_166, %scan3A_122 : i32
        %ne3A_168 = arith.cmpi ne, %add3A_131, %add3A_149 : i32
        %or3A_169 = arith.constant false
        %or3A_170 = arith.ori %or3A_169, %ne3A_168 : i1
        %or3A_171 = arith.constant false
        %or3A_172 = arith.ori %or3A_170, %or3A_171 : i1
        %ge3A_173 = arith.constant 31 : i32
        %ge3A_174 = arith.cmpi sge, %scan3A_121, %ge3A_173 : i32
        %not3A_175 = arith.constant true
        %not3A_176 = arith.xori %ge3A_174, %not3A_175 : i1
        %and3A_177 = arith.andi %or3A_172, %not3A_176 : i1
        %ne3A_178 = arith.cmpi ne, %add3A_131, %add3A_140 : i32
        %or3A_179 = arith.constant false
        %or3A_180 = arith.ori %or3A_179, %ne3A_178 : i1
        %or3A_181 = arith.ori %or3A_180, %eq3A_128 : i1
        %convert_element_type3A_182 = arith.extui %or3A_181 : i1 to i32
        %cond3A_183 = arith.constant 0 : i32
        %cond3A_184 = arith.cmpi ne, %convert_element_type3A_182, %cond3A_183 : i32
        scf.if %cond3A_184 {
          "tpu.trace_start"() <{level = 10 : i32, message = "ep_wait_in"}> : () -> ()
          %mul3A_264 = arith.constant 128 : i32
          %mul3A_265 = arith.muli %mul3A_264, %add3A_131 : i32
          %rem3A_266 = arith.constant 2 : i32
          %rem3A_267 = arith.remui %scan3A_123, %rem3A_266 : i32
          %dma_wait3A_268 = arith.constant 0 : i32
          %dma_wait3A_269 = arith.constant 0 : i32
          %dma_wait3A_270 = tpu.memref_slice %run_scoped3A[%rem3A_267, %dma_wait3A_268, %dma_wait3A_269] : memref<2x1x128xi32, #tpu.memory_space<vmem>> -> memref<1x1x128xi32, #tpu.memory_space<vmem>>
          %dma_wait3A_271 = tpu.memref_squeeze %dma_wait3A_270 : memref<1x1x128xi32, #tpu.memory_space<vmem>> -> memref<1x128xi32, #tpu.memory_space<vmem>>
          %dma_wait3A_272 = arith.constant 0 : i32
          %dma_wait3A_273 = tpu.memref_slice %arg3[%dma_wait3A_272, %mul3A_265] : memref<1x131072xi32, #tpu.memory_space<hbm>> -> memref<1x128xi32, #tpu.memory_space<hbm>>
          %dma_wait3A_274 = tpu.memref_slice %run_scoped3A_7[%rem3A_267] : memref<2x!tpu.dma_semaphore, #tpu.memory_space<semaphore_mem>> -> memref<1x!tpu.dma_semaphore, #tpu.memory_space<semaphore_mem>>
          %dma_wait3A_275 = tpu.memref_squeeze %dma_wait3A_274 : memref<1x!tpu.dma_semaphore, #tpu.memory_space<semaphore_mem>> -> memref<!tpu.dma_semaphore, #tpu.memory_space<semaphore_mem>>
          %dma_wait3A_276 = arith.constant 0 : i32
          %dma_wait3A_277 = arith.constant 0 : i32
          %dma_wait3A_278 = tpu.memref_slice %run_scoped3A[%rem3A_267, %dma_wait3A_276, %dma_wait3A_277] : memref<2x1x128xi32, #tpu.memory_space<vmem>> -> memref<1x1x128xi32, #tpu.memory_space<vmem>>
          %dma_wait3A_279 = tpu.memref_squeeze %dma_wait3A_278 : memref<1x1x128xi32, #tpu.memory_space<vmem>> -> memref<1x128xi32, #tpu.memory_space<vmem>>
          %dma_wait3A_280 = arith.constant 0 : i32
          %dma_wait3A_281 = tpu.memref_slice %arg3[%dma_wait3A_280, %mul3A_265] : memref<1x131072xi32, #tpu.memory_space<hbm>> -> memref<1x128xi32, #tpu.memory_space<hbm>>
          tpu.wait_dma2 semaphore(%dma_wait3A_275 : memref<!tpu.dma_semaphore, #tpu.memory_space<semaphore_mem>>) src(%dma_wait3A_281 : memref<1x128xi32, #tpu.memory_space<hbm>>) dst(%dma_wait3A_279 : memref<1x128xi32, #tpu.memory_space<vmem>>)
          "tpu.trace_stop"() : () -> ()
        } else {
        }
        %ne3A_185 = arith.cmpi ne, %add3A_131, %add3A_140 : i32
        %or3A_186 = arith.constant false
        %or3A_187 = arith.ori %or3A_186, %ne3A_185 : i1
        %or3A_188 = arith.constant false
        %or3A_189 = arith.ori %or3A_187, %or3A_188 : i1
        %or3A_190 = arith.ori %or3A_189, %eq3A_128 : i1
        %convert_element_type3A_191 = arith.extui %or3A_190 : i1 to i32
        %cond3A_192 = arith.constant 0 : i32
        %cond3A_193 = arith.cmpi ne, %convert_element_type3A_191, %cond3A_192 : i32
        scf.if %cond3A_193 {
        } else {
        }
        %rem3A_194 = arith.constant 2 : i32
        %rem3A_195 = arith.remui %scan3A_123, %rem3A_194 : i32
        %rem3A_196 = arith.constant 2 : i32
        %rem3A_197 = arith.remui %scan3A_124, %rem3A_196 : i32
        %run_scoped3A_198 = arith.constant 0 : i32
        "tpu.trace_start"() <{level = 10 : i32, message = "ep_run_kernel"}> : () -> ()
        "tpu.region"() ({
          %run_scoped3A_264 = tpu.sem_alloc : memref<!tpu.dma_semaphore, #tpu.memory_space<semaphore_mem>>
          %dma_start3A_265 = arith.constant 0 : i32
          %dma_start3A_266 = arith.constant 0 : i32
          %dma_start3A_267 = tpu.memref_slice %run_scoped3A_8[%rem3A_197, %dma_start3A_265, %dma_start3A_266] : memref<2x128x128xf32, #tpu.memory_space<vmem>> -> memref<1x128x128xf32, #tpu.memory_space<vmem>>
          %dma_start3A_268 = tpu.memref_squeeze %dma_start3A_267 : memref<1x128x128xf32, #tpu.memory_space<vmem>> -> memref<128x128xf32, #tpu.memory_space<vmem>>
          %dma_start3A_269 = arith.constant 0 : i32
          %dma_start3A_270 = arith.constant 0 : i32
          %dma_start3A_271 = tpu.memref_slice %run_scoped3A[%rem3A_195, %dma_start3A_269, %dma_start3A_270] : memref<2x1x128xi32, #tpu.memory_space<vmem>> -> memref<1x1x128xi32, #tpu.memory_space<vmem>>
          %dma_start3A_272 = tpu.memref_squeeze %dma_start3A_271 : memref<1x1x128xi32, #tpu.memory_space<vmem>> -> memref<1x128xi32, #tpu.memory_space<vmem>>
          %dma_start3A_273 = arith.constant 0 : i32
          %dma_start3A_274 = tpu.memref_slice %dma_start3A_272[%run_scoped3A_198, %dma_start3A_273] : memref<1x128xi32, #tpu.memory_space<vmem>> -> memref<1x128xi32, #tpu.memory_space<vmem>>
          %dma_start3A_275 = tpu.memref_squeeze %dma_start3A_274 : memref<1x128xi32, #tpu.memory_space<vmem>> -> memref<128xi32, #tpu.memory_space<vmem>>
          %dma_start3A_276 = arith.constant 0 : i32
          %dma_start3A_277 = arith.constant 0 : i32
          %dma_start3A_278 = tpu.memref_slice %arg2[%dma_start3A_276, %dma_start3A_277] : memref<8192x128xf32, #tpu.memory_space<hbm>> -> memref<8192x128xf32, #tpu.memory_space<hbm>>
          tpu.enqueue_indirect_dma source(%dma_start3A_278 : memref<8192x128xf32, #tpu.memory_space<hbm>>) target(%dma_start3A_268 : memref<128x128xf32, #tpu.memory_space<vmem>>) offsets(%dma_start3A_275 : memref<128xi32, #tpu.memory_space<vmem>>) semaphore(%run_scoped3A_264 : memref<!tpu.dma_semaphore, #tpu.memory_space<semaphore_mem>>)
          %dma_wait3A_279 = arith.constant 0 : i32
          %dma_wait3A_280 = arith.constant 0 : i32
          %dma_wait3A_281 = tpu.memref_slice %run_scoped3A_8[%rem3A_197, %dma_wait3A_279, %dma_wait3A_280] : memref<2x128x128xf32, #tpu.memory_space<vmem>> -> memref<1x128x128xf32, #tpu.memory_space<vmem>>
          %dma_wait3A_282 = tpu.memref_squeeze %dma_wait3A_281 : memref<1x128x128xf32, #tpu.memory_space<vmem>> -> memref<128x128xf32, #tpu.memory_space<vmem>>
          %dma_wait3A_283 = arith.constant 0 : i32
          %dma_wait3A_284 = arith.constant 0 : i32
          %dma_wait3A_285 = tpu.memref_slice %run_scoped3A[%rem3A_195, %dma_wait3A_283, %dma_wait3A_284] : memref<2x1x128xi32, #tpu.memory_space<vmem>> -> memref<1x1x128xi32, #tpu.memory_space<vmem>>
          %dma_wait3A_286 = tpu.memref_squeeze %dma_wait3A_285 : memref<1x1x128xi32, #tpu.memory_space<vmem>> -> memref<1x128xi32, #tpu.memory_space<vmem>>
          %dma_wait3A_287 = arith.constant 0 : i32
          %dma_wait3A_288 = tpu.memref_slice %dma_wait3A_286[%run_scoped3A_198, %dma_wait3A_287] : memref<1x128xi32, #tpu.memory_space<vmem>> -> memref<1x128xi32, #tpu.memory_space<vmem>>
          %dma_wait3A_289 = tpu.memref_squeeze %dma_wait3A_288 : memref<1x128xi32, #tpu.memory_space<vmem>> -> memref<128xi32, #tpu.memory_space<vmem>>
          %dma_wait3A_290 = arith.constant 0 : i32
          %dma_wait3A_291 = arith.constant 0 : i32
          %dma_wait3A_292 = tpu.memref_slice %arg2[%dma_wait3A_290, %dma_wait3A_291] : memref<8192x128xf32, #tpu.memory_space<hbm>> -> memref<8192x128xf32, #tpu.memory_space<hbm>>
          tpu.wait_indirect_dma semaphore(%run_scoped3A_264 : memref<!tpu.dma_semaphore, #tpu.memory_space<semaphore_mem>>) src(%dma_wait3A_292 : memref<8192x128xf32, #tpu.memory_space<hbm>>) dst(%dma_wait3A_282 : memref<128x128xf32, #tpu.memory_space<vmem>>)
          tpu.yield
        }) : () -> ()
        "tpu.trace_stop"() : () -> ()
        %ne3A_199 = arith.cmpi ne, %add3A_131, %add3A_149 : i32
        %or3A_200 = arith.constant false
        %or3A_201 = arith.ori %or3A_200, %ne3A_199 : i1
        %or3A_202 = arith.ori %or3A_201, %eq3A_130 : i1
        %convert_element_type3A_203 = arith.extui %or3A_202 : i1 to i32
        %cond3A_204 = arith.constant 0 : i32
        %cond3A_205 = arith.cmpi ne, %convert_element_type3A_203, %cond3A_204 : i32
        scf.if %cond3A_205 {
        } else {
        }
        %and3A_206 = arith.constant false
        %and3A_207 = arith.andi %or3A_202, %and3A_206 : i1
        %ne3A_208 = arith.cmpi ne, %add3A_131, %add3A_149 : i32
        %or3A_209 = arith.constant false
        %or3A_210 = arith.ori %or3A_209, %ne3A_208 : i1
        %or3A_211 = arith.constant false
        %or3A_212 = arith.ori %or3A_210, %or3A_211 : i1
        %or3A_213 = arith.ori %or3A_212, %eq3A_130 : i1
        %convert_element_type3A_214 = arith.extui %or3A_213 : i1 to i32
        %cond3A_215 = arith.constant 0 : i32
        %cond3A_216 = arith.cmpi ne, %convert_element_type3A_214, %cond3A_215 : i32
        scf.if %cond3A_216 {
          "tpu.trace_start"() <{level = 10 : i32, message = "ep_copy_out"}> : () -> ()
          %rem3A_264 = arith.constant 2 : i32
          %rem3A_265 = arith.remui %scan3A_124, %rem3A_264 : i32
          %mul3A_266 = arith.constant 128 : i32
          %mul3A_267 = arith.muli %mul3A_266, %add3A_131 : i32
          %dma_start3A_268 = arith.constant 0 : i32
          %dma_start3A_269 = arith.constant 0 : i32
          %dma_start3A_270 = tpu.memref_slice %run_scoped3A_8[%rem3A_265, %dma_start3A_268, %dma_start3A_269] : memref<2x128x128xf32, #tpu.memory_space<vmem>> -> memref<1x128x128xf32, #tpu.memory_space<vmem>>
          %dma_start3A_271 = tpu.memref_squeeze %dma_start3A_270 : memref<1x128x128xf32, #tpu.memory_space<vmem>> -> memref<128x128xf32, #tpu.memory_space<vmem>>
          %dma_start3A_272 = arith.constant 0 : i32
          %dma_start3A_273 = tpu.memref_slice %arg4[%mul3A_267, %dma_start3A_272] : memref<131072x128xf32, #tpu.memory_space<hbm>> -> memref<128x128xf32, #tpu.memory_space<hbm>>
          %dma_start3A_274 = tpu.memref_slice %run_scoped3A_9[%rem3A_265] : memref<2x!tpu.dma_semaphore, #tpu.memory_space<semaphore_mem>> -> memref<1x!tpu.dma_semaphore, #tpu.memory_space<semaphore_mem>>
          %dma_start3A_275 = tpu.memref_squeeze %dma_start3A_274 : memref<1x!tpu.dma_semaphore, #tpu.memory_space<semaphore_mem>> -> memref<!tpu.dma_semaphore, #tpu.memory_space<semaphore_mem>>
          %dma_start3A_276 = arith.constant 0 : i32
          %dma_start3A_277 = tpu.memref_slice %arg4[%mul3A_267, %dma_start3A_276] : memref<131072x128xf32, #tpu.memory_space<hbm>> -> memref<128x128xf32, #tpu.memory_space<hbm>>
          %dma_start3A_278 = arith.constant 0 : i32
          %dma_start3A_279 = arith.constant 0 : i32
          %dma_start3A_280 = tpu.memref_slice %run_scoped3A_8[%rem3A_265, %dma_start3A_278, %dma_start3A_279] : memref<2x128x128xf32, #tpu.memory_space<vmem>> -> memref<1x128x128xf32, #tpu.memory_space<vmem>>
          %dma_start3A_281 = tpu.memref_squeeze %dma_start3A_280 : memref<1x128x128xf32, #tpu.memory_space<vmem>> -> memref<128x128xf32, #tpu.memory_space<vmem>>
          tpu.enqueue_dma source(%dma_start3A_281 : memref<128x128xf32, #tpu.memory_space<vmem>>) target(%dma_start3A_277 : memref<128x128xf32, #tpu.memory_space<hbm>>) target_semaphore(%dma_start3A_275 : memref<!tpu.dma_semaphore, #tpu.memory_space<semaphore_mem>>)
          "tpu.trace_stop"() : () -> ()
        } else {
        }
        %and3A_217 = arith.constant true
        %and3A_218 = arith.andi %or3A_213, %and3A_217 : i1
        %add3A_219 = arith.constant 1 : i32
        %add3A_220 = arith.addi %scan3A_124, %add3A_219 : i32
        %select_n3A_221 = arith.select %and3A_218, %add3A_220, %scan3A_124 : i32
        %ne3A_222 = arith.cmpi ne, %add3A_131, %add3A_140 : i32
        %or3A_223 = arith.constant false
        %or3A_224 = arith.ori %or3A_223, %ne3A_222 : i1
        %not3A_225 = arith.constant true
        %not3A_226 = arith.xori %eq3A_128, %not3A_225 : i1
        %and3A_227 = arith.andi %or3A_224, %not3A_226 : i1
        %convert_element_type3A_228 = arith.extui %and3A_227 : i1 to i32
        %cond3A_229 = arith.constant 0 : i32
        %cond3A_230 = arith.cmpi ne, %convert_element_type3A_228, %cond3A_229 : i32
        scf.if %cond3A_230 {
        } else {
        }
        %and3A_231 = arith.constant false
        %and3A_232 = arith.andi %and3A_227, %and3A_231 : i1
        %ne3A_233 = arith.cmpi ne, %add3A_131, %add3A_140 : i32
        %or3A_234 = arith.constant false
        %or3A_235 = arith.ori %or3A_234, %ne3A_233 : i1
        %or3A_236 = arith.constant false
        %or3A_237 = arith.ori %or3A_235, %or3A_236 : i1
        %not3A_238 = arith.constant true
        %not3A_239 = arith.xori %eq3A_128, %not3A_238 : i1
        %and3A_240 = arith.andi %or3A_237, %not3A_239 : i1
        %convert_element_type3A_241 = arith.extui %and3A_240 : i1 to i32
        %cond3A_242 = arith.constant 0 : i32
        %cond3A_243 = arith.cmpi ne, %convert_element_type3A_241, %cond3A_242 : i32
        scf.if %cond3A_243 {
          "tpu.trace_start"() <{level = 10 : i32, message = "ep_wait_out"}> : () -> ()
          %rem3A_264 = arith.constant 2 : i32
          %rem3A_265 = arith.remui %scan3A_125, %rem3A_264 : i32
          %mul3A_266 = arith.constant 128 : i32
          %mul3A_267 = arith.muli %mul3A_266, %add3A_140 : i32
          %dma_wait3A_268 = arith.constant 0 : i32
          %dma_wait3A_269 = arith.constant 0 : i32
          %dma_wait3A_270 = tpu.memref_slice %run_scoped3A_8[%rem3A_265, %dma_wait3A_268, %dma_wait3A_269] : memref<2x128x128xf32, #tpu.memory_space<vmem>> -> memref<1x128x128xf32, #tpu.memory_space<vmem>>
          %dma_wait3A_271 = tpu.memref_squeeze %dma_wait3A_270 : memref<1x128x128xf32, #tpu.memory_space<vmem>> -> memref<128x128xf32, #tpu.memory_space<vmem>>
          %dma_wait3A_272 = arith.constant 0 : i32
          %dma_wait3A_273 = tpu.memref_slice %arg4[%mul3A_267, %dma_wait3A_272] : memref<131072x128xf32, #tpu.memory_space<hbm>> -> memref<128x128xf32, #tpu.memory_space<hbm>>
          %dma_wait3A_274 = tpu.memref_slice %run_scoped3A_9[%rem3A_265] : memref<2x!tpu.dma_semaphore, #tpu.memory_space<semaphore_mem>> -> memref<1x!tpu.dma_semaphore, #tpu.memory_space<semaphore_mem>>
          %dma_wait3A_275 = tpu.memref_squeeze %dma_wait3A_274 : memref<1x!tpu.dma_semaphore, #tpu.memory_space<semaphore_mem>> -> memref<!tpu.dma_semaphore, #tpu.memory_space<semaphore_mem>>
          %dma_wait3A_276 = arith.constant 0 : i32
          %dma_wait3A_277 = tpu.memref_slice %arg4[%mul3A_267, %dma_wait3A_276] : memref<131072x128xf32, #tpu.memory_space<hbm>> -> memref<128x128xf32, #tpu.memory_space<hbm>>
          %dma_wait3A_278 = arith.constant 0 : i32
          %dma_wait3A_279 = arith.constant 0 : i32
          %dma_wait3A_280 = tpu.memref_slice %run_scoped3A_8[%rem3A_265, %dma_wait3A_278, %dma_wait3A_279] : memref<2x128x128xf32, #tpu.memory_space<vmem>> -> memref<1x128x128xf32, #tpu.memory_space<vmem>>
          %dma_wait3A_281 = tpu.memref_squeeze %dma_wait3A_280 : memref<1x128x128xf32, #tpu.memory_space<vmem>> -> memref<128x128xf32, #tpu.memory_space<vmem>>
          tpu.wait_dma2 semaphore(%dma_wait3A_275 : memref<!tpu.dma_semaphore, #tpu.memory_space<semaphore_mem>>) src(%dma_wait3A_281 : memref<128x128xf32, #tpu.memory_space<vmem>>) dst(%dma_wait3A_277 : memref<128x128xf32, #tpu.memory_space<hbm>>)
          "tpu.trace_stop"() : () -> ()
        } else {
        }
        %and3A_244 = arith.constant true
        %and3A_245 = arith.andi %and3A_240, %and3A_244 : i1
        %add3A_246 = arith.constant 1 : i32
        %add3A_247 = arith.addi %scan3A_125, %add3A_246 : i32
        %select_n3A_248 = arith.select %and3A_245, %add3A_247, %scan3A_125 : i32
        %ne3A_249 = arith.cmpi ne, %add3A_131, %add3A_149 : i32
        %or3A_250 = arith.constant false
        %or3A_251 = arith.ori %or3A_250, %ne3A_249 : i1
        %or3A_252 = arith.ori %or3A_251, %eq3A_130 : i1
        %add3A_253 = arith.constant 1 : i32
        %add3A_254 = arith.addi %scan3A_123, %add3A_253 : i32
        %select_n3A_255 = arith.select %or3A_252, %add3A_254, %scan3A_123 : i32
        %add3A_256 = arith.constant 1 : i32
        %add3A_257 = arith.addi %scan3A_126, %add3A_256 : i32
        %select_n3A_258 = arith.constant true
        %select_n3A_259 = arith.select %select_n3A_258, %add3A_257, %scan3A_126 : i32
        %eq3A_260 = arith.constant 32 : i32
        %eq3A_261 = arith.cmpi eq, %select_n3A_259, %eq3A_260 : i32
        %select_n3A_262 = arith.constant 0 : i32
        %select_n3A_263 = arith.select %eq3A_261, %select_n3A_262, %select_n3A_259 : i32
        scf.yield %select_n3A_167, %select_n3A_255, %select_n3A_221, %select_n3A_248, %select_n3A_263 : i32, i32, i32, i32, i32
      }
      %scan3A_68 = arith.constant 32 : i32
      %sub3A = arith.constant 1 : i32
      %sub3A_69 = arith.subi %scan3A_67#4, %sub3A : i32
      %select_n3A_70 = arith.constant true
      %select_n3A_71 = arith.select %select_n3A_70, %sub3A_69, %scan3A_67#4 : i32
      %eq3A_72 = arith.constant -1 : i32
      %eq3A_73 = arith.cmpi eq, %select_n3A_71, %eq3A_72 : i32
      %select_n3A_74 = arith.constant 31 : i32
      %select_n3A_75 = arith.select %eq3A_73, %select_n3A_74, %select_n3A_71 : i32
      %add3A_76 = arith.addi %select_n3A_75, %mul3A_6 : i32
      %sub3A_77 = arith.constant 1 : i32
      %sub3A_78 = arith.subi %select_n3A_75, %sub3A_77 : i32
      %select_n3A_79 = arith.constant true
      %select_n3A_80 = arith.select %select_n3A_79, %sub3A_78, %select_n3A_75 : i32
      %eq3A_81 = arith.constant -1 : i32
      %eq3A_82 = arith.cmpi eq, %select_n3A_80, %eq3A_81 : i32
      %select_n3A_83 = arith.constant 31 : i32
      %select_n3A_84 = arith.select %eq3A_82, %select_n3A_83, %select_n3A_80 : i32
      %add3A_85 = arith.addi %select_n3A_84, %mul3A_6 : i32
      %add3A_86 = arith.constant 1 : i32
      %add3A_87 = arith.addi %select_n3A_75, %add3A_86 : i32
      %select_n3A_88 = arith.constant true
      %select_n3A_89 = arith.select %select_n3A_88, %add3A_87, %select_n3A_75 : i32
      %eq3A_90 = arith.constant 32 : i32
      %eq3A_91 = arith.cmpi eq, %select_n3A_89, %eq3A_90 : i32
      %select_n3A_92 = arith.constant 0 : i32
      %select_n3A_93 = arith.select %eq3A_91, %select_n3A_92, %select_n3A_89 : i32
      %add3A_94 = arith.addi %select_n3A_93, %mul3A_6 : i32
      %add3A_95 = arith.constant 1 : i32
      %add3A_96 = arith.addi %select_n3A_93, %add3A_95 : i32
      %select_n3A_97 = arith.constant true
      %select_n3A_98 = arith.select %select_n3A_97, %add3A_96, %select_n3A_93 : i32
      %eq3A_99 = arith.constant 32 : i32
      %eq3A_100 = arith.cmpi eq, %select_n3A_98, %eq3A_99 : i32
      %select_n3A_101 = arith.constant 0 : i32
      %select_n3A_102 = arith.select %eq3A_100, %select_n3A_101, %select_n3A_98 : i32
      %add3A_103 = arith.addi %select_n3A_102, %mul3A_6 : i32
      "tpu.trace_start"() <{level = 10 : i32, message = "ep_finalize"}> : () -> ()
      %rem3A_104 = arith.constant 2 : i32
      %rem3A_105 = arith.remui %scan3A_67#3, %rem3A_104 : i32
      %mul3A_106 = arith.constant 128 : i32
      %mul3A_107 = arith.muli %mul3A_106, %add3A_76 : i32
      %dma_wait3A = arith.constant 0 : i32
      %dma_wait3A_108 = arith.constant 0 : i32
      %dma_wait3A_109 = tpu.memref_slice %run_scoped3A_8[%rem3A_105, %dma_wait3A, %dma_wait3A_108] : memref<2x128x128xf32, #tpu.memory_space<vmem>> -> memref<1x128x128xf32, #tpu.memory_space<vmem>>
      %dma_wait3A_110 = tpu.memref_squeeze %dma_wait3A_109 : memref<1x128x128xf32, #tpu.memory_space<vmem>> -> memref<128x128xf32, #tpu.memory_space<vmem>>
      %dma_wait3A_111 = arith.constant 0 : i32
      %dma_wait3A_112 = tpu.memref_slice %arg4[%mul3A_107, %dma_wait3A_111] : memref<131072x128xf32, #tpu.memory_space<hbm>> -> memref<128x128xf32, #tpu.memory_space<hbm>>
      %dma_wait3A_113 = tpu.memref_slice %run_scoped3A_9[%rem3A_105] : memref<2x!tpu.dma_semaphore, #tpu.memory_space<semaphore_mem>> -> memref<1x!tpu.dma_semaphore, #tpu.memory_space<semaphore_mem>>
      %dma_wait3A_114 = tpu.memref_squeeze %dma_wait3A_113 : memref<1x!tpu.dma_semaphore, #tpu.memory_space<semaphore_mem>> -> memref<!tpu.dma_semaphore, #tpu.memory_space<semaphore_mem>>
      %dma_wait3A_115 = arith.constant 0 : i32
      %dma_wait3A_116 = tpu.memref_slice %arg4[%mul3A_107, %dma_wait3A_115] : memref<131072x128xf32, #tpu.memory_space<hbm>> -> memref<128x128xf32, #tpu.memory_space<hbm>>
      %dma_wait3A_117 = arith.constant 0 : i32
      %dma_wait3A_118 = arith.constant 0 : i32
      %dma_wait3A_119 = tpu.memref_slice %run_scoped3A_8[%rem3A_105, %dma_wait3A_117, %dma_wait3A_118] : memref<2x128x128xf32, #tpu.memory_space<vmem>> -> memref<1x128x128xf32, #tpu.memory_space<vmem>>
      %dma_wait3A_120 = tpu.memref_squeeze %dma_wait3A_119 : memref<1x128x128xf32, #tpu.memory_space<vmem>> -> memref<128x128xf32, #tpu.memory_space<vmem>>
      tpu.wait_dma2 semaphore(%dma_wait3A_114 : memref<!tpu.dma_semaphore, #tpu.memory_space<semaphore_mem>>) src(%dma_wait3A_120 : memref<128x128xf32, #tpu.memory_space<vmem>>) dst(%dma_wait3A_116 : memref<128x128xf32, #tpu.memory_space<hbm>>)
      "tpu.trace_stop"() : () -> ()
      tpu.yield
    }) : () -> ()
    return
  }
}

module attributes {stable_mosaic.version = 14 : i64} {
  func.func @_knn_body(%arg0: i32, %arg1: i32, %arg2: memref<1x3x1024xf32, #tpu.memory_space<vmem>>, %arg3: memref<1x2048x3xf32, #tpu.memory_space<vmem>>, %arg4: memref<1x4x8x256xi32, #tpu.memory_space<vmem>>) attributes {dimension_semantics = [#tpu.dimension_semantics<arbitrary>, #tpu.dimension_semantics<arbitrary>], iteration_bounds = array<i64: 2, 8>, scalar_prefetch = 0 : i64, scratch_operands = 0 : i64, tpu.core_type = #tpu.core_type<tc>, window_params = [{transform_indices = @transform_0, window_bounds = array<i64: 1, 3, 1024>}, {transform_indices = @transform_1, window_bounds = array<i64: 1, 2048, 3>}, {transform_indices = @transform_2, window_bounds = array<i64: 1, 4, 8, 256>}]} {
    %add3A = arith.constant 2 : i32
    %add3A_0 = arith.addi %arg0, %add3A : i32
    %get3A = arith.constant 0 : index
    %get3A_1 = arith.constant 0 : index
    %get3A_2 = arith.constant 0 : index
    %get3A_3 = vector.load %arg3[%get3A, %get3A_1, %get3A_2] : memref<1x2048x3xf32, #tpu.memory_space<vmem>>, vector<1x2048x3xf32>
    %get3A_4 = vector.shape_cast %get3A_3 : vector<1x2048x3xf32> to vector<2048x3xf32>
    %get3A_5 = arith.constant 0 : index
    %get3A_6 = arith.constant 0 : index
    %get3A_7 = arith.constant 0 : index
    %get3A_8 = vector.load %arg2[%get3A_5, %get3A_6, %get3A_7] : memref<1x3x1024xf32, #tpu.memory_space<vmem>>, vector<1x3x1024xf32>
    %get3A_9 = vector.shape_cast %get3A_8 : vector<1x3x1024xf32> to vector<3x1024xf32>
    %convert_element_type3A = arith.truncf %get3A_4 : vector<2048x3xf32> to vector<2048x3xbf16>
    %convert_element_type3A_10 = arith.truncf %get3A_9 : vector<3x1024xf32> to vector<3x1024xbf16>
    %dot_general3A = arith.constant dense<0.000000e+00> : vector<2048x1024xf32>
    %dot_general3A_11 = tpu.matmul %convert_element_type3A, %convert_element_type3A_10, %dot_general3A {dimension_numbers = #tpu.dot_dimension_numbers<[1], [0], [0], [1], [0, 0, 1, 1], [], []>, transpose_lhs_hint = false} : vector<2048x3xbf16>, vector<3x1024xbf16>, vector<2048x1024xf32> -> vector<2048x1024xf32>
    %slice3A = vector.extract_strided_slice %get3A_9 {offsets = [0, 0], sizes = [1, 1024], strides = [1, 1]} : vector<3x1024xf32> to vector<1x1024xf32>
    %slice3A_12 = vector.extract_strided_slice %get3A_9 {offsets = [0, 0], sizes = [1, 1024], strides = [1, 1]} : vector<3x1024xf32> to vector<1x1024xf32>
    %mul3A = arith.mulf %slice3A, %slice3A_12 : vector<1x1024xf32>
    %slice3A_13 = vector.extract_strided_slice %get3A_9 {offsets = [1, 0], sizes = [1, 1024], strides = [1, 1]} : vector<3x1024xf32> to vector<1x1024xf32>
    %slice3A_14 = vector.extract_strided_slice %get3A_9 {offsets = [1, 0], sizes = [1, 1024], strides = [1, 1]} : vector<3x1024xf32> to vector<1x1024xf32>
    %mul3A_15 = arith.mulf %slice3A_13, %slice3A_14 : vector<1x1024xf32>
    %add3A_16 = arith.addf %mul3A, %mul3A_15 : vector<1x1024xf32>
    %slice3A_17 = vector.extract_strided_slice %get3A_9 {offsets = [2, 0], sizes = [1, 1024], strides = [1, 1]} : vector<3x1024xf32> to vector<1x1024xf32>
    %slice3A_18 = vector.extract_strided_slice %get3A_9 {offsets = [2, 0], sizes = [1, 1024], strides = [1, 1]} : vector<3x1024xf32> to vector<1x1024xf32>
    %mul3A_19 = arith.mulf %slice3A_17, %slice3A_18 : vector<1x1024xf32>
    %add3A_20 = arith.addf %add3A_16, %mul3A_19 : vector<1x1024xf32>
    %slice3A_21 = vector.extract_strided_slice %get3A_4 {offsets = [0, 0], sizes = [2048, 1], strides = [1, 1]} : vector<2048x3xf32> to vector<2048x1xf32>
    %slice3A_22 = vector.extract_strided_slice %get3A_4 {offsets = [0, 0], sizes = [2048, 1], strides = [1, 1]} : vector<2048x3xf32> to vector<2048x1xf32>
    %mul3A_23 = arith.mulf %slice3A_21, %slice3A_22 : vector<2048x1xf32>
    %slice3A_24 = vector.extract_strided_slice %get3A_4 {offsets = [0, 1], sizes = [2048, 1], strides = [1, 1]} : vector<2048x3xf32> to vector<2048x1xf32>
    %slice3A_25 = vector.extract_strided_slice %get3A_4 {offsets = [0, 1], sizes = [2048, 1], strides = [1, 1]} : vector<2048x3xf32> to vector<2048x1xf32>
    %mul3A_26 = arith.mulf %slice3A_24, %slice3A_25 : vector<2048x1xf32>
    %add3A_27 = arith.addf %mul3A_23, %mul3A_26 : vector<2048x1xf32>
    %slice3A_28 = vector.extract_strided_slice %get3A_4 {offsets = [0, 2], sizes = [2048, 1], strides = [1, 1]} : vector<2048x3xf32> to vector<2048x1xf32>
    %slice3A_29 = vector.extract_strided_slice %get3A_4 {offsets = [0, 2], sizes = [2048, 1], strides = [1, 1]} : vector<2048x3xf32> to vector<2048x1xf32>
    %mul3A_30 = arith.mulf %slice3A_28, %slice3A_29 : vector<2048x1xf32>
    %add3A_31 = arith.addf %add3A_27, %mul3A_30 : vector<2048x1xf32>
    %mul3A_32 = arith.constant -2.000000e+00 : f32
    %mul3A_33 = vector.broadcast %mul3A_32 : f32 to vector<2048x1024xf32>
    %mul3A_34 = arith.mulf %mul3A_33, %dot_general3A_11 : vector<2048x1024xf32>
    %add3A_35 = vector.broadcast %add3A_20 : vector<1x1024xf32> to vector<2048x1024xf32>
    %add3A_36 = arith.addf %mul3A_34, %add3A_35 : vector<2048x1024xf32>
    %add3A_37 = vector.broadcast %add3A_31 : vector<2048x1xf32> to vector<2048x1024xf32>
    %add3A_38 = arith.addf %add3A_36, %add3A_37 : vector<2048x1024xf32>
    %iota3A = tpu.iota {dimensions = array<i32: 0>} : vector<2048x1024xi32>
    %iota3A_39 = tpu.iota {dimensions = array<i32: 0>} : vector<8x1024xi32>
    %broadcast_in_dim3A = arith.constant 0 : i32
    %broadcast_in_dim3A_40 = vector.broadcast %broadcast_in_dim3A : i32 to vector<8x1024xi32>
    %reduce_min3A = arith.constant dense<0x7F800000> : vector<1024xf32>
    %reduce_min3A_41 = vector.multi_reduction <minimumf>, %add3A_38, %reduce_min3A [0] : vector<2048x1024xf32> to vector<1024xf32>
    %broadcast_in_dim3A_42 = vector.shape_cast %reduce_min3A_41 : vector<1024xf32> to vector<1x1024xf32>
    %eq3A = vector.broadcast %broadcast_in_dim3A_42 : vector<1x1024xf32> to vector<2048x1024xf32>
    %eq3A_43 = arith.cmpf oeq, %add3A_38, %eq3A : vector<2048x1024xf32>
    %jit3A = arith.constant 2048 : i32
    %broadcast_in_dim3A_44 = vector.broadcast %jit3A : i32 to vector<2048x1024xi32>
    %select_n3A = arith.select %eq3A_43, %iota3A, %broadcast_in_dim3A_44 : vector<2048x1024xi1>, vector<2048x1024xi32>
    %reduce_min3A_45 = arith.constant dense<2147483647> : vector<1024xi32>
    %reduce_min3A_46 = vector.multi_reduction <minsi>, %select_n3A, %reduce_min3A_45 [0] : vector<2048x1024xi32> to vector<1024xi32>
    %broadcast_in_dim3A_47 = vector.shape_cast %reduce_min3A_46 : vector<1024xi32> to vector<1x1024xi32>
    %jit3A_48 = arith.constant 3.000000e+38 : f32
    %broadcast_in_dim3A_49 = vector.broadcast %jit3A_48 : f32 to vector<2048x1024xf32>
    %select_n3A_50 = arith.select %eq3A_43, %broadcast_in_dim3A_49, %add3A_38 : vector<2048x1024xi1>, vector<2048x1024xf32>
    %eq3A_51 = arith.constant 0 : i32
    %eq3A_52 = vector.broadcast %eq3A_51 : i32 to vector<8x1024xi32>
    %eq3A_53 = arith.cmpi eq, %iota3A_39, %eq3A_52 : vector<8x1024xi32>
    %broadcast_in_dim3A_54 = vector.shape_cast %broadcast_in_dim3A_47 : vector<1x1024xi32> to vector<1x1024xi32>
    %broadcast_in_dim3A_55 = vector.broadcast %broadcast_in_dim3A_54 : vector<1x1024xi32> to vector<8x1024xi32>
    %select_n3A_56 = arith.select %eq3A_53, %broadcast_in_dim3A_55, %broadcast_in_dim3A_40 : vector<8x1024xi1>, vector<8x1024xi32>
    %reduce_min3A_57 = arith.constant dense<0x7F800000> : vector<1024xf32>
    %reduce_min3A_58 = vector.multi_reduction <minimumf>, %select_n3A_50, %reduce_min3A_57 [0] : vector<2048x1024xf32> to vector<1024xf32>
    %broadcast_in_dim3A_59 = vector.shape_cast %reduce_min3A_58 : vector<1024xf32> to vector<1x1024xf32>
    %eq3A_60 = vector.broadcast %broadcast_in_dim3A_59 : vector<1x1024xf32> to vector<2048x1024xf32>
    %eq3A_61 = arith.cmpf oeq, %select_n3A_50, %eq3A_60 : vector<2048x1024xf32>
    %jit3A_62 = arith.constant 2048 : i32
    %broadcast_in_dim3A_63 = vector.broadcast %jit3A_62 : i32 to vector<2048x1024xi32>
    %select_n3A_64 = arith.select %eq3A_61, %iota3A, %broadcast_in_dim3A_63 : vector<2048x1024xi1>, vector<2048x1024xi32>
    %reduce_min3A_65 = arith.constant dense<2147483647> : vector<1024xi32>
    %reduce_min3A_66 = vector.multi_reduction <minsi>, %select_n3A_64, %reduce_min3A_65 [0] : vector<2048x1024xi32> to vector<1024xi32>
    %broadcast_in_dim3A_67 = vector.shape_cast %reduce_min3A_66 : vector<1024xi32> to vector<1x1024xi32>
    %jit3A_68 = arith.constant 3.000000e+38 : f32
    %broadcast_in_dim3A_69 = vector.broadcast %jit3A_68 : f32 to vector<2048x1024xf32>
    %select_n3A_70 = arith.select %eq3A_61, %broadcast_in_dim3A_69, %select_n3A_50 : vector<2048x1024xi1>, vector<2048x1024xf32>
    %eq3A_71 = arith.constant 1 : i32
    %eq3A_72 = vector.broadcast %eq3A_71 : i32 to vector<8x1024xi32>
    %eq3A_73 = arith.cmpi eq, %iota3A_39, %eq3A_72 : vector<8x1024xi32>
    %broadcast_in_dim3A_74 = vector.shape_cast %broadcast_in_dim3A_67 : vector<1x1024xi32> to vector<1x1024xi32>
    %broadcast_in_dim3A_75 = vector.broadcast %broadcast_in_dim3A_74 : vector<1x1024xi32> to vector<8x1024xi32>
    %select_n3A_76 = arith.select %eq3A_73, %broadcast_in_dim3A_75, %select_n3A_56 : vector<8x1024xi1>, vector<8x1024xi32>
    %reduce_min3A_77 = arith.constant dense<0x7F800000> : vector<1024xf32>
    %reduce_min3A_78 = vector.multi_reduction <minimumf>, %select_n3A_70, %reduce_min3A_77 [0] : vector<2048x1024xf32> to vector<1024xf32>
    %broadcast_in_dim3A_79 = vector.shape_cast %reduce_min3A_78 : vector<1024xf32> to vector<1x1024xf32>
    %eq3A_80 = vector.broadcast %broadcast_in_dim3A_79 : vector<1x1024xf32> to vector<2048x1024xf32>
    %eq3A_81 = arith.cmpf oeq, %select_n3A_70, %eq3A_80 : vector<2048x1024xf32>
    %jit3A_82 = arith.constant 2048 : i32
    %broadcast_in_dim3A_83 = vector.broadcast %jit3A_82 : i32 to vector<2048x1024xi32>
    %select_n3A_84 = arith.select %eq3A_81, %iota3A, %broadcast_in_dim3A_83 : vector<2048x1024xi1>, vector<2048x1024xi32>
    %reduce_min3A_85 = arith.constant dense<2147483647> : vector<1024xi32>
    %reduce_min3A_86 = vector.multi_reduction <minsi>, %select_n3A_84, %reduce_min3A_85 [0] : vector<2048x1024xi32> to vector<1024xi32>
    %broadcast_in_dim3A_87 = vector.shape_cast %reduce_min3A_86 : vector<1024xi32> to vector<1x1024xi32>
    %jit3A_88 = arith.constant 3.000000e+38 : f32
    %broadcast_in_dim3A_89 = vector.broadcast %jit3A_88 : f32 to vector<2048x1024xf32>
    %select_n3A_90 = arith.select %eq3A_81, %broadcast_in_dim3A_89, %select_n3A_70 : vector<2048x1024xi1>, vector<2048x1024xf32>
    %eq3A_91 = arith.constant 2 : i32
    %eq3A_92 = vector.broadcast %eq3A_91 : i32 to vector<8x1024xi32>
    %eq3A_93 = arith.cmpi eq, %iota3A_39, %eq3A_92 : vector<8x1024xi32>
    %broadcast_in_dim3A_94 = vector.shape_cast %broadcast_in_dim3A_87 : vector<1x1024xi32> to vector<1x1024xi32>
    %broadcast_in_dim3A_95 = vector.broadcast %broadcast_in_dim3A_94 : vector<1x1024xi32> to vector<8x1024xi32>
    %select_n3A_96 = arith.select %eq3A_93, %broadcast_in_dim3A_95, %select_n3A_76 : vector<8x1024xi1>, vector<8x1024xi32>
    %reduce_min3A_97 = arith.constant dense<0x7F800000> : vector<1024xf32>
    %reduce_min3A_98 = vector.multi_reduction <minimumf>, %select_n3A_90, %reduce_min3A_97 [0] : vector<2048x1024xf32> to vector<1024xf32>
    %broadcast_in_dim3A_99 = vector.shape_cast %reduce_min3A_98 : vector<1024xf32> to vector<1x1024xf32>
    %eq3A_100 = vector.broadcast %broadcast_in_dim3A_99 : vector<1x1024xf32> to vector<2048x1024xf32>
    %eq3A_101 = arith.cmpf oeq, %select_n3A_90, %eq3A_100 : vector<2048x1024xf32>
    %jit3A_102 = arith.constant 2048 : i32
    %broadcast_in_dim3A_103 = vector.broadcast %jit3A_102 : i32 to vector<2048x1024xi32>
    %select_n3A_104 = arith.select %eq3A_101, %iota3A, %broadcast_in_dim3A_103 : vector<2048x1024xi1>, vector<2048x1024xi32>
    %reduce_min3A_105 = arith.constant dense<2147483647> : vector<1024xi32>
    %reduce_min3A_106 = vector.multi_reduction <minsi>, %select_n3A_104, %reduce_min3A_105 [0] : vector<2048x1024xi32> to vector<1024xi32>
    %broadcast_in_dim3A_107 = vector.shape_cast %reduce_min3A_106 : vector<1024xi32> to vector<1x1024xi32>
    %jit3A_108 = arith.constant 3.000000e+38 : f32
    %broadcast_in_dim3A_109 = vector.broadcast %jit3A_108 : f32 to vector<2048x1024xf32>
    %select_n3A_110 = arith.select %eq3A_101, %broadcast_in_dim3A_109, %select_n3A_90 : vector<2048x1024xi1>, vector<2048x1024xf32>
    %eq3A_111 = arith.constant 3 : i32
    %eq3A_112 = vector.broadcast %eq3A_111 : i32 to vector<8x1024xi32>
    %eq3A_113 = arith.cmpi eq, %iota3A_39, %eq3A_112 : vector<8x1024xi32>
    %broadcast_in_dim3A_114 = vector.shape_cast %broadcast_in_dim3A_107 : vector<1x1024xi32> to vector<1x1024xi32>
    %broadcast_in_dim3A_115 = vector.broadcast %broadcast_in_dim3A_114 : vector<1x1024xi32> to vector<8x1024xi32>
    %select_n3A_116 = arith.select %eq3A_113, %broadcast_in_dim3A_115, %select_n3A_96 : vector<8x1024xi1>, vector<8x1024xi32>
    %reduce_min3A_117 = arith.constant dense<0x7F800000> : vector<1024xf32>
    %reduce_min3A_118 = vector.multi_reduction <minimumf>, %select_n3A_110, %reduce_min3A_117 [0] : vector<2048x1024xf32> to vector<1024xf32>
    %broadcast_in_dim3A_119 = vector.shape_cast %reduce_min3A_118 : vector<1024xf32> to vector<1x1024xf32>
    %eq3A_120 = vector.broadcast %broadcast_in_dim3A_119 : vector<1x1024xf32> to vector<2048x1024xf32>
    %eq3A_121 = arith.cmpf oeq, %select_n3A_110, %eq3A_120 : vector<2048x1024xf32>
    %jit3A_122 = arith.constant 2048 : i32
    %broadcast_in_dim3A_123 = vector.broadcast %jit3A_122 : i32 to vector<2048x1024xi32>
    %select_n3A_124 = arith.select %eq3A_121, %iota3A, %broadcast_in_dim3A_123 : vector<2048x1024xi1>, vector<2048x1024xi32>
    %reduce_min3A_125 = arith.constant dense<2147483647> : vector<1024xi32>
    %reduce_min3A_126 = vector.multi_reduction <minsi>, %select_n3A_124, %reduce_min3A_125 [0] : vector<2048x1024xi32> to vector<1024xi32>
    %broadcast_in_dim3A_127 = vector.shape_cast %reduce_min3A_126 : vector<1024xi32> to vector<1x1024xi32>
    %jit3A_128 = arith.constant 3.000000e+38 : f32
    %broadcast_in_dim3A_129 = vector.broadcast %jit3A_128 : f32 to vector<2048x1024xf32>
    %select_n3A_130 = arith.select %eq3A_121, %broadcast_in_dim3A_129, %select_n3A_110 : vector<2048x1024xi1>, vector<2048x1024xf32>
    %eq3A_131 = arith.constant 4 : i32
    %eq3A_132 = vector.broadcast %eq3A_131 : i32 to vector<8x1024xi32>
    %eq3A_133 = arith.cmpi eq, %iota3A_39, %eq3A_132 : vector<8x1024xi32>
    %broadcast_in_dim3A_134 = vector.shape_cast %broadcast_in_dim3A_127 : vector<1x1024xi32> to vector<1x1024xi32>
    %broadcast_in_dim3A_135 = vector.broadcast %broadcast_in_dim3A_134 : vector<1x1024xi32> to vector<8x1024xi32>
    %select_n3A_136 = arith.select %eq3A_133, %broadcast_in_dim3A_135, %select_n3A_116 : vector<8x1024xi1>, vector<8x1024xi32>
    %reduce_min3A_137 = arith.constant dense<0x7F800000> : vector<1024xf32>
    %reduce_min3A_138 = vector.multi_reduction <minimumf>, %select_n3A_130, %reduce_min3A_137 [0] : vector<2048x1024xf32> to vector<1024xf32>
    %broadcast_in_dim3A_139 = vector.shape_cast %reduce_min3A_138 : vector<1024xf32> to vector<1x1024xf32>
    %eq3A_140 = vector.broadcast %broadcast_in_dim3A_139 : vector<1x1024xf32> to vector<2048x1024xf32>
    %eq3A_141 = arith.cmpf oeq, %select_n3A_130, %eq3A_140 : vector<2048x1024xf32>
    %jit3A_142 = arith.constant 2048 : i32
    %broadcast_in_dim3A_143 = vector.broadcast %jit3A_142 : i32 to vector<2048x1024xi32>
    %select_n3A_144 = arith.select %eq3A_141, %iota3A, %broadcast_in_dim3A_143 : vector<2048x1024xi1>, vector<2048x1024xi32>
    %reduce_min3A_145 = arith.constant dense<2147483647> : vector<1024xi32>
    %reduce_min3A_146 = vector.multi_reduction <minsi>, %select_n3A_144, %reduce_min3A_145 [0] : vector<2048x1024xi32> to vector<1024xi32>
    %broadcast_in_dim3A_147 = vector.shape_cast %reduce_min3A_146 : vector<1024xi32> to vector<1x1024xi32>
    %jit3A_148 = arith.constant 3.000000e+38 : f32
    %broadcast_in_dim3A_149 = vector.broadcast %jit3A_148 : f32 to vector<2048x1024xf32>
    %select_n3A_150 = arith.select %eq3A_141, %broadcast_in_dim3A_149, %select_n3A_130 : vector<2048x1024xi1>, vector<2048x1024xf32>
    %eq3A_151 = arith.constant 5 : i32
    %eq3A_152 = vector.broadcast %eq3A_151 : i32 to vector<8x1024xi32>
    %eq3A_153 = arith.cmpi eq, %iota3A_39, %eq3A_152 : vector<8x1024xi32>
    %broadcast_in_dim3A_154 = vector.shape_cast %broadcast_in_dim3A_147 : vector<1x1024xi32> to vector<1x1024xi32>
    %broadcast_in_dim3A_155 = vector.broadcast %broadcast_in_dim3A_154 : vector<1x1024xi32> to vector<8x1024xi32>
    %select_n3A_156 = arith.select %eq3A_153, %broadcast_in_dim3A_155, %select_n3A_136 : vector<8x1024xi1>, vector<8x1024xi32>
    %reduce_min3A_157 = arith.constant dense<0x7F800000> : vector<1024xf32>
    %reduce_min3A_158 = vector.multi_reduction <minimumf>, %select_n3A_150, %reduce_min3A_157 [0] : vector<2048x1024xf32> to vector<1024xf32>
    %broadcast_in_dim3A_159 = vector.shape_cast %reduce_min3A_158 : vector<1024xf32> to vector<1x1024xf32>
    %eq3A_160 = vector.broadcast %broadcast_in_dim3A_159 : vector<1x1024xf32> to vector<2048x1024xf32>
    %eq3A_161 = arith.cmpf oeq, %select_n3A_150, %eq3A_160 : vector<2048x1024xf32>
    %jit3A_162 = arith.constant 2048 : i32
    %broadcast_in_dim3A_163 = vector.broadcast %jit3A_162 : i32 to vector<2048x1024xi32>
    %select_n3A_164 = arith.select %eq3A_161, %iota3A, %broadcast_in_dim3A_163 : vector<2048x1024xi1>, vector<2048x1024xi32>
    %reduce_min3A_165 = arith.constant dense<2147483647> : vector<1024xi32>
    %reduce_min3A_166 = vector.multi_reduction <minsi>, %select_n3A_164, %reduce_min3A_165 [0] : vector<2048x1024xi32> to vector<1024xi32>
    %broadcast_in_dim3A_167 = vector.shape_cast %reduce_min3A_166 : vector<1024xi32> to vector<1x1024xi32>
    %jit3A_168 = arith.constant 3.000000e+38 : f32
    %broadcast_in_dim3A_169 = vector.broadcast %jit3A_168 : f32 to vector<2048x1024xf32>
    %select_n3A_170 = arith.select %eq3A_161, %broadcast_in_dim3A_169, %select_n3A_150 : vector<2048x1024xi1>, vector<2048x1024xf32>
    %eq3A_171 = arith.constant 6 : i32
    %eq3A_172 = vector.broadcast %eq3A_171 : i32 to vector<8x1024xi32>
    %eq3A_173 = arith.cmpi eq, %iota3A_39, %eq3A_172 : vector<8x1024xi32>
    %broadcast_in_dim3A_174 = vector.shape_cast %broadcast_in_dim3A_167 : vector<1x1024xi32> to vector<1x1024xi32>
    %broadcast_in_dim3A_175 = vector.broadcast %broadcast_in_dim3A_174 : vector<1x1024xi32> to vector<8x1024xi32>
    %select_n3A_176 = arith.select %eq3A_173, %broadcast_in_dim3A_175, %select_n3A_156 : vector<8x1024xi1>, vector<8x1024xi32>
    %reduce_min3A_177 = arith.constant dense<0x7F800000> : vector<1024xf32>
    %reduce_min3A_178 = vector.multi_reduction <minimumf>, %select_n3A_170, %reduce_min3A_177 [0] : vector<2048x1024xf32> to vector<1024xf32>
    %broadcast_in_dim3A_179 = vector.shape_cast %reduce_min3A_178 : vector<1024xf32> to vector<1x1024xf32>
    %eq3A_180 = vector.broadcast %broadcast_in_dim3A_179 : vector<1x1024xf32> to vector<2048x1024xf32>
    %eq3A_181 = arith.cmpf oeq, %select_n3A_170, %eq3A_180 : vector<2048x1024xf32>
    %jit3A_182 = arith.constant 2048 : i32
    %broadcast_in_dim3A_183 = vector.broadcast %jit3A_182 : i32 to vector<2048x1024xi32>
    %select_n3A_184 = arith.select %eq3A_181, %iota3A, %broadcast_in_dim3A_183 : vector<2048x1024xi1>, vector<2048x1024xi32>
    %reduce_min3A_185 = arith.constant dense<2147483647> : vector<1024xi32>
    %reduce_min3A_186 = vector.multi_reduction <minsi>, %select_n3A_184, %reduce_min3A_185 [0] : vector<2048x1024xi32> to vector<1024xi32>
    %broadcast_in_dim3A_187 = vector.shape_cast %reduce_min3A_186 : vector<1024xi32> to vector<1x1024xi32>
    %eq3A_188 = arith.constant 7 : i32
    %eq3A_189 = vector.broadcast %eq3A_188 : i32 to vector<8x1024xi32>
    %eq3A_190 = arith.cmpi eq, %iota3A_39, %eq3A_189 : vector<8x1024xi32>
    %broadcast_in_dim3A_191 = vector.shape_cast %broadcast_in_dim3A_187 : vector<1x1024xi32> to vector<1x1024xi32>
    %broadcast_in_dim3A_192 = vector.broadcast %broadcast_in_dim3A_191 : vector<1x1024xi32> to vector<8x1024xi32>
    %select_n3A_193 = arith.select %eq3A_190, %broadcast_in_dim3A_192, %select_n3A_176 : vector<8x1024xi1>, vector<8x1024xi32>
    %mul3A_194 = arith.constant 2048 : i32
    %mul3A_195 = arith.muli %add3A_0, %mul3A_194 : i32
    %add3A_196 = vector.broadcast %mul3A_195 : i32 to vector<8x1024xi32>
    %add3A_197 = arith.addi %select_n3A_193, %add3A_196 : vector<8x1024xi32>
    %reshape3A = vector.shape_cast %add3A_197 : vector<8x1024xi32> to vector<8x4x256xi32>
    %transpose3A = tpu.transpose %reshape3A, [1, 0, 2] : vector<8x4x256xi32> -> vector<4x8x256xi32>
    %swap3A = arith.constant 0 : index
    %swap3A_198 = arith.constant 0 : index
    %swap3A_199 = arith.constant 0 : index
    %swap3A_200 = arith.constant 0 : index
    %swap3A_201 = vector.load %arg4[%swap3A, %swap3A_198, %swap3A_199, %swap3A_200] : memref<1x4x8x256xi32, #tpu.memory_space<vmem>>, vector<1x4x8x256xi32>
    %swap3A_202 = vector.shape_cast %swap3A_201 : vector<1x4x8x256xi32> to vector<4x8x256xi32>
    %swap3A_203 = vector.shape_cast %transpose3A : vector<4x8x256xi32> to vector<1x4x8x256xi32>
    tpu.vector_store %arg4[%swap3A, %swap3A_198, %swap3A_199, %swap3A_200], %swap3A_203 {strides = array<i32>} : memref<1x4x8x256xi32, #tpu.memory_space<vmem>>, vector<1x4x8x256xi32>,
    return
  }
  func.func @transform_0(%arg0: i32, %arg1: i32) -> (i32, i32, i32) {
    %c0_i32 = arith.constant 0 : i32
    %c0_i32_0 = arith.constant 0 : i32
    return %arg0, %c0_i32, %arg1 : i32, i32, i32
  }
  func.func @transform_1(%arg0: i32, %arg1: i32) -> (i32, i32, i32) {
    %c0_i32 = arith.constant 0 : i32
    %c0_i32_0 = arith.constant 0 : i32
    %c0_i32_1 = arith.constant 0 : i32
    return %arg0, %c0_i32, %c0_i32_0 : i32, i32, i32
  }
  func.func @transform_2(%arg0: i32, %arg1: i32) -> (i32, i32, i32, i32) {
    %c0_i32 = arith.constant 0 : i32
    %c0_i32_0 = arith.constant 0 : i32
    %c0_i32_1 = arith.constant 0 : i32
    return %arg0, %arg1, %c0_i32, %c0_i32_0 : i32, i32, i32, i32
  }
}

module attributes {stable_mosaic.version = 14 : i64} {
  func.func @_prep_body(%arg0: i32, %arg1: memref<1x128x2048xf32, #tpu.memory_space<vmem>>, %arg2: memref<1x2048x3xf32, #tpu.memory_space<vmem>>, %arg3: memref<1x8192x3xf32, #tpu.memory_space<vmem>>, %arg4: memref<128x128xf32, #tpu.memory_space<vmem>>, %arg5: memref<3x128xf32, #tpu.memory_space<vmem>>, %arg6: memref<1x2048x128xf32, #tpu.memory_space<vmem>>, %arg7: memref<1x1x8192x128xf32, #tpu.memory_space<vmem>>) attributes {dimension_semantics = [#tpu.dimension_semantics<arbitrary>], iteration_bounds = array<i64: 4>, scalar_prefetch = 0 : i64, scratch_operands = 0 : i64, tpu.core_type = #tpu.core_type<tc>, window_params = [{transform_indices = @transform_0, window_bounds = array<i64: 1, 128, 2048>}, {transform_indices = @transform_1, window_bounds = array<i64: 1, 2048, 3>}, {transform_indices = @transform_2, window_bounds = array<i64: 1, 8192, 3>}, {pipeline_mode = #tpu.pipeline_mode<synchronous>, transform_indices = @transform_3, window_bounds = array<i64: 128, 128>}, {pipeline_mode = #tpu.pipeline_mode<synchronous>, transform_indices = @transform_4, window_bounds = array<i64: 3, 128>}, {transform_indices = @transform_5, window_bounds = array<i64: 1, 2048, 128>}, {transform_indices = @transform_6, window_bounds = array<i64: 1, 1, 8192, 128>}]} {
    %get3A = arith.constant 0 : index
    %get3A_0 = arith.constant 0 : index
    %get3A_1 = arith.constant 0 : index
    %get3A_2 = vector.load %arg1[%get3A, %get3A_0, %get3A_1] : memref<1x128x2048xf32, #tpu.memory_space<vmem>>, vector<1x128x2048xf32>
    %get3A_3 = vector.shape_cast %get3A_2 : vector<1x128x2048xf32> to vector<128x2048xf32>
    %convert_element_type3A = arith.truncf %get3A_3 : vector<128x2048xf32> to vector<128x2048xbf16>
    %get3A_4 = arith.constant 0 : index
    %get3A_5 = arith.constant 0 : index
    %get3A_6 = vector.load %arg4[%get3A_4, %get3A_5] : memref<128x128xf32, #tpu.memory_space<vmem>>, vector<128x128xf32>
    %convert_element_type3A_7 = arith.truncf %get3A_6 : vector<128x128xf32> to vector<128x128xbf16>
    %dot_general3A = arith.constant dense<0.000000e+00> : vector<2048x128xf32>
    %dot_general3A_8 = tpu.matmul %convert_element_type3A, %convert_element_type3A_7, %dot_general3A {dimension_numbers = #tpu.dot_dimension_numbers<[0], [1], [1], [0], [0, 1, 1, 0], [], []>, transpose_lhs_hint = false} : vector<128x2048xbf16>, vector<128x128xbf16>, vector<2048x128xf32> -> vector<2048x128xf32>
    %get3A_9 = arith.constant 0 : index
    %get3A_10 = arith.constant 0 : index
    %get3A_11 = arith.constant 0 : index
    %get3A_12 = vector.load %arg2[%get3A_9, %get3A_10, %get3A_11] : memref<1x2048x3xf32, #tpu.memory_space<vmem>>, vector<1x2048x3xf32>
    %get3A_13 = vector.shape_cast %get3A_12 : vector<1x2048x3xf32> to vector<2048x3xf32>
    %convert_element_type3A_14 = arith.truncf %get3A_13 : vector<2048x3xf32> to vector<2048x3xbf16>
    %convert_element_type3A_15 = arith.extf %convert_element_type3A_14 : vector<2048x3xbf16> to vector<2048x3xf32>
    %get3A_16 = arith.constant 0 : index
    %get3A_17 = arith.constant 0 : index
    %get3A_18 = vector.load %arg5[%get3A_16, %get3A_17] : memref<3x128xf32, #tpu.memory_space<vmem>>, vector<3x128xf32>
    %convert_element_type3A_19 = arith.truncf %get3A_18 : vector<3x128xf32> to vector<3x128xbf16>
    %convert_element_type3A_20 = arith.extf %convert_element_type3A_19 : vector<3x128xbf16> to vector<3x128xf32>
    %slice3A = vector.extract_strided_slice %convert_element_type3A_15 {offsets = [0, 0], sizes = [2048, 1], strides = [1, 1]} : vector<2048x3xf32> to vector<2048x1xf32>
    %slice3A_21 = vector.extract_strided_slice %convert_element_type3A_20 {offsets = [0, 0], sizes = [1, 128], strides = [1, 1]} : vector<3x128xf32> to vector<1x128xf32>
    %mul3A = vector.broadcast %slice3A : vector<2048x1xf32> to vector<2048x128xf32>
    %mul3A_22 = vector.broadcast %slice3A_21 : vector<1x128xf32> to vector<2048x128xf32>
    %mul3A_23 = arith.mulf %mul3A, %mul3A_22 : vector<2048x128xf32>
    %add3A = arith.addf %dot_general3A_8, %mul3A_23 : vector<2048x128xf32>
    %slice3A_24 = vector.extract_strided_slice %convert_element_type3A_15 {offsets = [0, 1], sizes = [2048, 1], strides = [1, 1]} : vector<2048x3xf32> to vector<2048x1xf32>
    %slice3A_25 = vector.extract_strided_slice %convert_element_type3A_20 {offsets = [1, 0], sizes = [1, 128], strides = [1, 1]} : vector<3x128xf32> to vector<1x128xf32>
    %mul3A_26 = vector.broadcast %slice3A_24 : vector<2048x1xf32> to vector<2048x128xf32>
    %mul3A_27 = vector.broadcast %slice3A_25 : vector<1x128xf32> to vector<2048x128xf32>
    %mul3A_28 = arith.mulf %mul3A_26, %mul3A_27 : vector<2048x128xf32>
    %add3A_29 = arith.addf %add3A, %mul3A_28 : vector<2048x128xf32>
    %slice3A_30 = vector.extract_strided_slice %convert_element_type3A_15 {offsets = [0, 2], sizes = [2048, 1], strides = [1, 1]} : vector<2048x3xf32> to vector<2048x1xf32>
    %slice3A_31 = vector.extract_strided_slice %convert_element_type3A_20 {offsets = [2, 0], sizes = [1, 128], strides = [1, 1]} : vector<3x128xf32> to vector<1x128xf32>
    %mul3A_32 = vector.broadcast %slice3A_30 : vector<2048x1xf32> to vector<2048x128xf32>
    %mul3A_33 = vector.broadcast %slice3A_31 : vector<1x128xf32> to vector<2048x128xf32>
    %mul3A_34 = arith.mulf %mul3A_32, %mul3A_33 : vector<2048x128xf32>
    %add3A_35 = arith.addf %add3A_29, %mul3A_34 : vector<2048x128xf32>
    %swap3A = arith.constant 0 : index
    %swap3A_36 = arith.constant 0 : index
    %swap3A_37 = arith.constant 0 : index
    %swap3A_38 = vector.load %arg6[%swap3A, %swap3A_36, %swap3A_37] : memref<1x2048x128xf32, #tpu.memory_space<vmem>>, vector<1x2048x128xf32>
    %swap3A_39 = vector.shape_cast %swap3A_38 : vector<1x2048x128xf32> to vector<2048x128xf32>
    %swap3A_40 = vector.shape_cast %add3A_35 : vector<2048x128xf32> to vector<1x2048x128xf32>
    tpu.vector_store %arg6[%swap3A, %swap3A_36, %swap3A_37], %swap3A_40 {strides = array<i32>} : memref<1x2048x128xf32, #tpu.memory_space<vmem>>, vector<1x2048x128xf32>,
    %get3A_41 = arith.constant 0 : index
    %get3A_42 = arith.constant 0 : index
    %get3A_43 = arith.constant 0 : index
    %get3A_44 = vector.load %arg3[%get3A_41, %get3A_42, %get3A_43] : memref<1x8192x3xf32, #tpu.memory_space<vmem>>, vector<1x8192x3xf32>
    %get3A_45 = vector.shape_cast %get3A_44 : vector<1x8192x3xf32> to vector<8192x3xf32>
    %convert_element_type3A_46 = arith.truncf %get3A_45 : vector<8192x3xf32> to vector<8192x3xbf16>
    %convert_element_type3A_47 = arith.extf %convert_element_type3A_46 : vector<8192x3xbf16> to vector<8192x3xf32>
    %slice3A_48 = vector.extract_strided_slice %convert_element_type3A_47 {offsets = [0, 0], sizes = [8192, 1], strides = [1, 1]} : vector<8192x3xf32> to vector<8192x1xf32>
    %slice3A_49 = vector.extract_strided_slice %convert_element_type3A_20 {offsets = [0, 0], sizes = [1, 128], strides = [1, 1]} : vector<3x128xf32> to vector<1x128xf32>
    %mul3A_50 = vector.broadcast %slice3A_48 : vector<8192x1xf32> to vector<8192x128xf32>
    %mul3A_51 = vector.broadcast %slice3A_49 : vector<1x128xf32> to vector<8192x128xf32>
    %mul3A_52 = arith.mulf %mul3A_50, %mul3A_51 : vector<8192x128xf32>
    %slice3A_53 = vector.extract_strided_slice %convert_element_type3A_47 {offsets = [0, 1], sizes = [8192, 1], strides = [1, 1]} : vector<8192x3xf32> to vector<8192x1xf32>
    %slice3A_54 = vector.extract_strided_slice %convert_element_type3A_20 {offsets = [1, 0], sizes = [1, 128], strides = [1, 1]} : vector<3x128xf32> to vector<1x128xf32>
    %mul3A_55 = vector.broadcast %slice3A_53 : vector<8192x1xf32> to vector<8192x128xf32>
    %mul3A_56 = vector.broadcast %slice3A_54 : vector<1x128xf32> to vector<8192x128xf32>
    %mul3A_57 = arith.mulf %mul3A_55, %mul3A_56 : vector<8192x128xf32>
    %add3A_58 = arith.addf %mul3A_52, %mul3A_57 : vector<8192x128xf32>
    %slice3A_59 = vector.extract_strided_slice %convert_element_type3A_47 {offsets = [0, 2], sizes = [8192, 1], strides = [1, 1]} : vector<8192x3xf32> to vector<8192x1xf32>
    %slice3A_60 = vector.extract_strided_slice %convert_element_type3A_20 {offsets = [2, 0], sizes = [1, 128], strides = [1, 1]} : vector<3x128xf32> to vector<1x128xf32>
    %mul3A_61 = vector.broadcast %slice3A_59 : vector<8192x1xf32> to vector<8192x128xf32>
    %mul3A_62 = vector.broadcast %slice3A_60 : vector<1x128xf32> to vector<8192x128xf32>
    %mul3A_63 = arith.mulf %mul3A_61, %mul3A_62 : vector<8192x128xf32>
    %add3A_64 = arith.addf %add3A_58, %mul3A_63 : vector<8192x128xf32>
    %swap3A_65 = arith.constant 0 : index
    %swap3A_66 = arith.constant 0 : index
    %swap3A_67 = arith.constant 0 : index
    %swap3A_68 = arith.constant 0 : index
    %swap3A_69 = vector.load %arg7[%swap3A_65, %swap3A_66, %swap3A_67, %swap3A_68] : memref<1x1x8192x128xf32, #tpu.memory_space<vmem>>, vector<1x1x8192x128xf32>
    %swap3A_70 = vector.shape_cast %swap3A_69 : vector<1x1x8192x128xf32> to vector<8192x128xf32>
    %swap3A_71 = vector.shape_cast %add3A_64 : vector<8192x128xf32> to vector<1x1x8192x128xf32>
    tpu.vector_store %arg7[%swap3A_65, %swap3A_66, %swap3A_67, %swap3A_68], %swap3A_71 {strides = array<i32>} : memref<1x1x8192x128xf32, #tpu.memory_space<vmem>>, vector<1x1x8192x128xf32>,
    return
  }
  func.func @transform_0(%arg0: i32) -> (i32, i32, i32) {
    %c0_i32 = arith.constant 0 : i32
    %c0_i32_0 = arith.constant 0 : i32
    %c0_i32_1 = arith.constant 0 : i32
    return %arg0, %c0_i32, %c0_i32_0 : i32, i32, i32
  }
  func.func @transform_1(%arg0: i32) -> (i32, i32, i32) {
    %c0_i32 = arith.constant 0 : i32
    %c0_i32_0 = arith.constant 0 : i32
    %c0_i32_1 = arith.constant 0 : i32
    return %arg0, %c0_i32, %c0_i32_0 : i32, i32, i32
  }
  func.func @transform_2(%arg0: i32) -> (i32, i32, i32) {
    %c0_i32 = arith.constant 0 : i32
    %c0_i32_0 = arith.constant 0 : i32
    %c0_i32_1 = arith.constant 0 : i32
    return %arg0, %c0_i32, %c0_i32_0 : i32, i32, i32
  }
  func.func @transform_3(%arg0: i32) -> (i32, i32) {
    %c0_i32 = arith.constant 0 : i32
    %c0_i32_0 = arith.constant 0 : i32
    %c0_i32_1 = arith.constant 0 : i32
    return %c0_i32, %c0_i32_0 : i32, i32
  }
  func.func @transform_4(%arg0: i32) -> (i32, i32) {
    %c0_i32 = arith.constant 0 : i32
    %c0_i32_0 = arith.constant 0 : i32
    %c0_i32_1 = arith.constant 0 : i32
    return %c0_i32, %c0_i32_0 : i32, i32
  }
  func.func @transform_5(%arg0: i32) -> (i32, i32, i32) {
    %c0_i32 = arith.constant 0 : i32
    %c0_i32_0 = arith.constant 0 : i32
    %c0_i32_1 = arith.constant 0 : i32
    return %arg0, %c0_i32, %c0_i32_0 : i32, i32, i32
  }
  func.func @transform_6(%arg0: i32) -> (i32, i32, i32, i32) {
    %jit3A = arith.constant 2 : i32
    %div3A = arith.divsi %arg0, %jit3A : i32
    %sign3A = arith.constant 0 : i32
    %sign3A_0 = arith.cmpi sgt, %arg0, %sign3A : i32
    %sign3A_1 = arith.extui %sign3A_0 : i1 to i32
    %sign3A_2 = arith.constant 0 : i32
    %sign3A_3 = arith.cmpi slt, %arg0, %sign3A_2 : i32
    %sign3A_4 = arith.extui %sign3A_3 : i1 to i32
    %sign3A_5 = arith.subi %sign3A_1, %sign3A_4 : i32
    %sign3A_6 = arith.constant 0 : i32
    %sign3A_7 = arith.cmpi sgt, %jit3A, %sign3A_6 : i32
    %sign3A_8 = arith.extui %sign3A_7 : i1 to i32
    %sign3A_9 = arith.constant 0 : i32
    %sign3A_10 = arith.cmpi slt, %jit3A, %sign3A_9 : i32
    %sign3A_11 = arith.extui %sign3A_10 : i1 to i32
    %sign3A_12 = arith.subi %sign3A_8, %sign3A_11 : i32
    %ne3A = arith.cmpi ne, %sign3A_5, %sign3A_12 : i32
    %rem3A = arith.remsi %arg0, %jit3A : i32
    %ne3A_13 = arith.constant 0 : i32
    %ne3A_14 = arith.cmpi ne, %rem3A, %ne3A_13 : i32
    %and3A = arith.andi %ne3A, %ne3A_14 : i1
    %sub3A = arith.constant 1 : i32
    %sub3A_15 = arith.subi %div3A, %sub3A : i32
    %select_n3A = arith.select %and3A, %sub3A_15, %div3A : i32
    %jit3A_16 = arith.constant 2 : i32
    %eq3A = arith.constant 0 : i32
    %eq3A_17 = arith.cmpi eq, %jit3A_16, %eq3A : i32
    %jit3A_18 = arith.constant 1 : i32
    %select_n3A_19 = arith.select %eq3A_17, %jit3A_18, %jit3A_16 : i32
    %rem3A_20 = arith.remsi %arg0, %select_n3A_19 : i32
    %ne3A_21 = arith.constant 0 : i32
    %ne3A_22 = arith.cmpi ne, %rem3A_20, %ne3A_21 : i32
    %lt3A = arith.constant 0 : i32
    %lt3A_23 = arith.cmpi slt, %rem3A_20, %lt3A : i32
    %lt3A_24 = arith.constant 0 : i32
    %lt3A_25 = arith.cmpi slt, %select_n3A_19, %lt3A_24 : i32
    %ne3A_26 = arith.xori %lt3A_23, %lt3A_25 : i1
    %and3A_27 = arith.andi %ne3A_26, %ne3A_22 : i1
    %add3A = arith.addi %rem3A_20, %select_n3A_19 : i32
    %select_n3A_28 = arith.select %and3A_27, %add3A, %rem3A_20 : i32
    %c0_i32 = arith.constant 0 : i32
    %c0_i32_29 = arith.constant 0 : i32
    %c0_i32_30 = arith.constant 0 : i32
    return %select_n3A, %select_n3A_28, %c0_i32, %c0_i32_29 : i32, i32, i32, i32
  }
}

module attributes {stable_mosaic.version = 14 : i64} {
  func.func @_knn_body(%arg0: i32, %arg1: i32, %arg2: memref<1x3x1024xf32, #tpu.memory_space<vmem>>, %arg3: memref<1x2048x3xf32, #tpu.memory_space<vmem>>, %arg4: memref<1x4x8x256xi32, #tpu.memory_space<vmem>>) attributes {dimension_semantics = [#tpu.dimension_semantics<arbitrary>, #tpu.dimension_semantics<arbitrary>], iteration_bounds = array<i64: 2, 8>, scalar_prefetch = 0 : i64, scratch_operands = 0 : i64, tpu.core_type = #tpu.core_type<tc>, window_params = [{transform_indices = @transform_0, window_bounds = array<i64: 1, 3, 1024>}, {transform_indices = @transform_1, window_bounds = array<i64: 1, 2048, 3>}, {transform_indices = @transform_2, window_bounds = array<i64: 1, 4, 8, 256>}]} {
    %add3A = arith.constant 0 : i32
    %add3A_0 = arith.addi %arg0, %add3A : i32
    %get3A = arith.constant 0 : index
    %get3A_1 = arith.constant 0 : index
    %get3A_2 = arith.constant 0 : index
    %get3A_3 = vector.load %arg3[%get3A, %get3A_1, %get3A_2] : memref<1x2048x3xf32, #tpu.memory_space<vmem>>, vector<1x2048x3xf32>
    %get3A_4 = vector.shape_cast %get3A_3 : vector<1x2048x3xf32> to vector<2048x3xf32>
    %get3A_5 = arith.constant 0 : index
    %get3A_6 = arith.constant 0 : index
    %get3A_7 = arith.constant 0 : index
    %get3A_8 = vector.load %arg2[%get3A_5, %get3A_6, %get3A_7] : memref<1x3x1024xf32, #tpu.memory_space<vmem>>, vector<1x3x1024xf32>
    %get3A_9 = vector.shape_cast %get3A_8 : vector<1x3x1024xf32> to vector<3x1024xf32>
    %convert_element_type3A = arith.truncf %get3A_4 : vector<2048x3xf32> to vector<2048x3xbf16>
    %convert_element_type3A_10 = arith.truncf %get3A_9 : vector<3x1024xf32> to vector<3x1024xbf16>
    %dot_general3A = arith.constant dense<0.000000e+00> : vector<2048x1024xf32>
    %dot_general3A_11 = tpu.matmul %convert_element_type3A, %convert_element_type3A_10, %dot_general3A {dimension_numbers = #tpu.dot_dimension_numbers<[1], [0], [0], [1], [0, 0, 1, 1], [], []>, transpose_lhs_hint = false} : vector<2048x3xbf16>, vector<3x1024xbf16>, vector<2048x1024xf32> -> vector<2048x1024xf32>
    %slice3A = vector.extract_strided_slice %get3A_9 {offsets = [0, 0], sizes = [1, 1024], strides = [1, 1]} : vector<3x1024xf32> to vector<1x1024xf32>
    %slice3A_12 = vector.extract_strided_slice %get3A_9 {offsets = [0, 0], sizes = [1, 1024], strides = [1, 1]} : vector<3x1024xf32> to vector<1x1024xf32>
    %mul3A = arith.mulf %slice3A, %slice3A_12 : vector<1x1024xf32>
    %slice3A_13 = vector.extract_strided_slice %get3A_9 {offsets = [1, 0], sizes = [1, 1024], strides = [1, 1]} : vector<3x1024xf32> to vector<1x1024xf32>
    %slice3A_14 = vector.extract_strided_slice %get3A_9 {offsets = [1, 0], sizes = [1, 1024], strides = [1, 1]} : vector<3x1024xf32> to vector<1x1024xf32>
    %mul3A_15 = arith.mulf %slice3A_13, %slice3A_14 : vector<1x1024xf32>
    %add3A_16 = arith.addf %mul3A, %mul3A_15 : vector<1x1024xf32>
    %slice3A_17 = vector.extract_strided_slice %get3A_9 {offsets = [2, 0], sizes = [1, 1024], strides = [1, 1]} : vector<3x1024xf32> to vector<1x1024xf32>
    %slice3A_18 = vector.extract_strided_slice %get3A_9 {offsets = [2, 0], sizes = [1, 1024], strides = [1, 1]} : vector<3x1024xf32> to vector<1x1024xf32>
    %mul3A_19 = arith.mulf %slice3A_17, %slice3A_18 : vector<1x1024xf32>
    %add3A_20 = arith.addf %add3A_16, %mul3A_19 : vector<1x1024xf32>
    %slice3A_21 = vector.extract_strided_slice %get3A_4 {offsets = [0, 0], sizes = [2048, 1], strides = [1, 1]} : vector<2048x3xf32> to vector<2048x1xf32>
    %slice3A_22 = vector.extract_strided_slice %get3A_4 {offsets = [0, 0], sizes = [2048, 1], strides = [1, 1]} : vector<2048x3xf32> to vector<2048x1xf32>
    %mul3A_23 = arith.mulf %slice3A_21, %slice3A_22 : vector<2048x1xf32>
    %slice3A_24 = vector.extract_strided_slice %get3A_4 {offsets = [0, 1], sizes = [2048, 1], strides = [1, 1]} : vector<2048x3xf32> to vector<2048x1xf32>
    %slice3A_25 = vector.extract_strided_slice %get3A_4 {offsets = [0, 1], sizes = [2048, 1], strides = [1, 1]} : vector<2048x3xf32> to vector<2048x1xf32>
    %mul3A_26 = arith.mulf %slice3A_24, %slice3A_25 : vector<2048x1xf32>
    %add3A_27 = arith.addf %mul3A_23, %mul3A_26 : vector<2048x1xf32>
    %slice3A_28 = vector.extract_strided_slice %get3A_4 {offsets = [0, 2], sizes = [2048, 1], strides = [1, 1]} : vector<2048x3xf32> to vector<2048x1xf32>
    %slice3A_29 = vector.extract_strided_slice %get3A_4 {offsets = [0, 2], sizes = [2048, 1], strides = [1, 1]} : vector<2048x3xf32> to vector<2048x1xf32>
    %mul3A_30 = arith.mulf %slice3A_28, %slice3A_29 : vector<2048x1xf32>
    %add3A_31 = arith.addf %add3A_27, %mul3A_30 : vector<2048x1xf32>
    %mul3A_32 = arith.constant -2.000000e+00 : f32
    %mul3A_33 = vector.broadcast %mul3A_32 : f32 to vector<2048x1024xf32>
    %mul3A_34 = arith.mulf %mul3A_33, %dot_general3A_11 : vector<2048x1024xf32>
    %add3A_35 = vector.broadcast %add3A_20 : vector<1x1024xf32> to vector<2048x1024xf32>
    %add3A_36 = arith.addf %mul3A_34, %add3A_35 : vector<2048x1024xf32>
    %add3A_37 = vector.broadcast %add3A_31 : vector<2048x1xf32> to vector<2048x1024xf32>
    %add3A_38 = arith.addf %add3A_36, %add3A_37 : vector<2048x1024xf32>
    %iota3A = tpu.iota {dimensions = array<i32: 0>} : vector<2048x1024xi32>
    %iota3A_39 = tpu.iota {dimensions = array<i32: 0>} : vector<8x1024xi32>
    %broadcast_in_dim3A = arith.constant 0 : i32
    %broadcast_in_dim3A_40 = vector.broadcast %broadcast_in_dim3A : i32 to vector<8x1024xi32>
    %reduce_min3A = arith.constant dense<0x7F800000> : vector<1024xf32>
    %reduce_min3A_41 = vector.multi_reduction <minimumf>, %add3A_38, %reduce_min3A [0] : vector<2048x1024xf32> to vector<1024xf32>
    %broadcast_in_dim3A_42 = vector.shape_cast %reduce_min3A_41 : vector<1024xf32> to vector<1x1024xf32>
    %eq3A = vector.broadcast %broadcast_in_dim3A_42 : vector<1x1024xf32> to vector<2048x1024xf32>
    %eq3A_43 = arith.cmpf oeq, %add3A_38, %eq3A : vector<2048x1024xf32>
    %jit3A = arith.constant 2048 : i32
    %broadcast_in_dim3A_44 = vector.broadcast %jit3A : i32 to vector<2048x1024xi32>
    %select_n3A = arith.select %eq3A_43, %iota3A, %broadcast_in_dim3A_44 : vector<2048x1024xi1>, vector<2048x1024xi32>
    %reduce_min3A_45 = arith.constant dense<2147483647> : vector<1024xi32>
    %reduce_min3A_46 = vector.multi_reduction <minsi>, %select_n3A, %reduce_min3A_45 [0] : vector<2048x1024xi32> to vector<1024xi32>
    %broadcast_in_dim3A_47 = vector.shape_cast %reduce_min3A_46 : vector<1024xi32> to vector<1x1024xi32>
    %jit3A_48 = arith.constant 3.000000e+38 : f32
    %broadcast_in_dim3A_49 = vector.broadcast %jit3A_48 : f32 to vector<2048x1024xf32>
    %select_n3A_50 = arith.select %eq3A_43, %broadcast_in_dim3A_49, %add3A_38 : vector<2048x1024xi1>, vector<2048x1024xf32>
    %eq3A_51 = arith.constant 0 : i32
    %eq3A_52 = vector.broadcast %eq3A_51 : i32 to vector<8x1024xi32>
    %eq3A_53 = arith.cmpi eq, %iota3A_39, %eq3A_52 : vector<8x1024xi32>
    %broadcast_in_dim3A_54 = vector.shape_cast %broadcast_in_dim3A_47 : vector<1x1024xi32> to vector<1x1024xi32>
    %broadcast_in_dim3A_55 = vector.broadcast %broadcast_in_dim3A_54 : vector<1x1024xi32> to vector<8x1024xi32>
    %select_n3A_56 = arith.select %eq3A_53, %broadcast_in_dim3A_55, %broadcast_in_dim3A_40 : vector<8x1024xi1>, vector<8x1024xi32>
    %reduce_min3A_57 = arith.constant dense<0x7F800000> : vector<1024xf32>
    %reduce_min3A_58 = vector.multi_reduction <minimumf>, %select_n3A_50, %reduce_min3A_57 [0] : vector<2048x1024xf32> to vector<1024xf32>
    %broadcast_in_dim3A_59 = vector.shape_cast %reduce_min3A_58 : vector<1024xf32> to vector<1x1024xf32>
    %eq3A_60 = vector.broadcast %broadcast_in_dim3A_59 : vector<1x1024xf32> to vector<2048x1024xf32>
    %eq3A_61 = arith.cmpf oeq, %select_n3A_50, %eq3A_60 : vector<2048x1024xf32>
    %jit3A_62 = arith.constant 2048 : i32
    %broadcast_in_dim3A_63 = vector.broadcast %jit3A_62 : i32 to vector<2048x1024xi32>
    %select_n3A_64 = arith.select %eq3A_61, %iota3A, %broadcast_in_dim3A_63 : vector<2048x1024xi1>, vector<2048x1024xi32>
    %reduce_min3A_65 = arith.constant dense<2147483647> : vector<1024xi32>
    %reduce_min3A_66 = vector.multi_reduction <minsi>, %select_n3A_64, %reduce_min3A_65 [0] : vector<2048x1024xi32> to vector<1024xi32>
    %broadcast_in_dim3A_67 = vector.shape_cast %reduce_min3A_66 : vector<1024xi32> to vector<1x1024xi32>
    %jit3A_68 = arith.constant 3.000000e+38 : f32
    %broadcast_in_dim3A_69 = vector.broadcast %jit3A_68 : f32 to vector<2048x1024xf32>
    %select_n3A_70 = arith.select %eq3A_61, %broadcast_in_dim3A_69, %select_n3A_50 : vector<2048x1024xi1>, vector<2048x1024xf32>
    %eq3A_71 = arith.constant 1 : i32
    %eq3A_72 = vector.broadcast %eq3A_71 : i32 to vector<8x1024xi32>
    %eq3A_73 = arith.cmpi eq, %iota3A_39, %eq3A_72 : vector<8x1024xi32>
    %broadcast_in_dim3A_74 = vector.shape_cast %broadcast_in_dim3A_67 : vector<1x1024xi32> to vector<1x1024xi32>
    %broadcast_in_dim3A_75 = vector.broadcast %broadcast_in_dim3A_74 : vector<1x1024xi32> to vector<8x1024xi32>
    %select_n3A_76 = arith.select %eq3A_73, %broadcast_in_dim3A_75, %select_n3A_56 : vector<8x1024xi1>, vector<8x1024xi32>
    %reduce_min3A_77 = arith.constant dense<0x7F800000> : vector<1024xf32>
    %reduce_min3A_78 = vector.multi_reduction <minimumf>, %select_n3A_70, %reduce_min3A_77 [0] : vector<2048x1024xf32> to vector<1024xf32>
    %broadcast_in_dim3A_79 = vector.shape_cast %reduce_min3A_78 : vector<1024xf32> to vector<1x1024xf32>
    %eq3A_80 = vector.broadcast %broadcast_in_dim3A_79 : vector<1x1024xf32> to vector<2048x1024xf32>
    %eq3A_81 = arith.cmpf oeq, %select_n3A_70, %eq3A_80 : vector<2048x1024xf32>
    %jit3A_82 = arith.constant 2048 : i32
    %broadcast_in_dim3A_83 = vector.broadcast %jit3A_82 : i32 to vector<2048x1024xi32>
    %select_n3A_84 = arith.select %eq3A_81, %iota3A, %broadcast_in_dim3A_83 : vector<2048x1024xi1>, vector<2048x1024xi32>
    %reduce_min3A_85 = arith.constant dense<2147483647> : vector<1024xi32>
    %reduce_min3A_86 = vector.multi_reduction <minsi>, %select_n3A_84, %reduce_min3A_85 [0] : vector<2048x1024xi32> to vector<1024xi32>
    %broadcast_in_dim3A_87 = vector.shape_cast %reduce_min3A_86 : vector<1024xi32> to vector<1x1024xi32>
    %jit3A_88 = arith.constant 3.000000e+38 : f32
    %broadcast_in_dim3A_89 = vector.broadcast %jit3A_88 : f32 to vector<2048x1024xf32>
    %select_n3A_90 = arith.select %eq3A_81, %broadcast_in_dim3A_89, %select_n3A_70 : vector<2048x1024xi1>, vector<2048x1024xf32>
    %eq3A_91 = arith.constant 2 : i32
    %eq3A_92 = vector.broadcast %eq3A_91 : i32 to vector<8x1024xi32>
    %eq3A_93 = arith.cmpi eq, %iota3A_39, %eq3A_92 : vector<8x1024xi32>
    %broadcast_in_dim3A_94 = vector.shape_cast %broadcast_in_dim3A_87 : vector<1x1024xi32> to vector<1x1024xi32>
    %broadcast_in_dim3A_95 = vector.broadcast %broadcast_in_dim3A_94 : vector<1x1024xi32> to vector<8x1024xi32>
    %select_n3A_96 = arith.select %eq3A_93, %broadcast_in_dim3A_95, %select_n3A_76 : vector<8x1024xi1>, vector<8x1024xi32>
    %reduce_min3A_97 = arith.constant dense<0x7F800000> : vector<1024xf32>
    %reduce_min3A_98 = vector.multi_reduction <minimumf>, %select_n3A_90, %reduce_min3A_97 [0] : vector<2048x1024xf32> to vector<1024xf32>
    %broadcast_in_dim3A_99 = vector.shape_cast %reduce_min3A_98 : vector<1024xf32> to vector<1x1024xf32>
    %eq3A_100 = vector.broadcast %broadcast_in_dim3A_99 : vector<1x1024xf32> to vector<2048x1024xf32>
    %eq3A_101 = arith.cmpf oeq, %select_n3A_90, %eq3A_100 : vector<2048x1024xf32>
    %jit3A_102 = arith.constant 2048 : i32
    %broadcast_in_dim3A_103 = vector.broadcast %jit3A_102 : i32 to vector<2048x1024xi32>
    %select_n3A_104 = arith.select %eq3A_101, %iota3A, %broadcast_in_dim3A_103 : vector<2048x1024xi1>, vector<2048x1024xi32>
    %reduce_min3A_105 = arith.constant dense<2147483647> : vector<1024xi32>
    %reduce_min3A_106 = vector.multi_reduction <minsi>, %select_n3A_104, %reduce_min3A_105 [0] : vector<2048x1024xi32> to vector<1024xi32>
    %broadcast_in_dim3A_107 = vector.shape_cast %reduce_min3A_106 : vector<1024xi32> to vector<1x1024xi32>
    %jit3A_108 = arith.constant 3.000000e+38 : f32
    %broadcast_in_dim3A_109 = vector.broadcast %jit3A_108 : f32 to vector<2048x1024xf32>
    %select_n3A_110 = arith.select %eq3A_101, %broadcast_in_dim3A_109, %select_n3A_90 : vector<2048x1024xi1>, vector<2048x1024xf32>
    %eq3A_111 = arith.constant 3 : i32
    %eq3A_112 = vector.broadcast %eq3A_111 : i32 to vector<8x1024xi32>
    %eq3A_113 = arith.cmpi eq, %iota3A_39, %eq3A_112 : vector<8x1024xi32>
    %broadcast_in_dim3A_114 = vector.shape_cast %broadcast_in_dim3A_107 : vector<1x1024xi32> to vector<1x1024xi32>
    %broadcast_in_dim3A_115 = vector.broadcast %broadcast_in_dim3A_114 : vector<1x1024xi32> to vector<8x1024xi32>
    %select_n3A_116 = arith.select %eq3A_113, %broadcast_in_dim3A_115, %select_n3A_96 : vector<8x1024xi1>, vector<8x1024xi32>
    %reduce_min3A_117 = arith.constant dense<0x7F800000> : vector<1024xf32>
    %reduce_min3A_118 = vector.multi_reduction <minimumf>, %select_n3A_110, %reduce_min3A_117 [0] : vector<2048x1024xf32> to vector<1024xf32>
    %broadcast_in_dim3A_119 = vector.shape_cast %reduce_min3A_118 : vector<1024xf32> to vector<1x1024xf32>
    %eq3A_120 = vector.broadcast %broadcast_in_dim3A_119 : vector<1x1024xf32> to vector<2048x1024xf32>
    %eq3A_121 = arith.cmpf oeq, %select_n3A_110, %eq3A_120 : vector<2048x1024xf32>
    %jit3A_122 = arith.constant 2048 : i32
    %broadcast_in_dim3A_123 = vector.broadcast %jit3A_122 : i32 to vector<2048x1024xi32>
    %select_n3A_124 = arith.select %eq3A_121, %iota3A, %broadcast_in_dim3A_123 : vector<2048x1024xi1>, vector<2048x1024xi32>
    %reduce_min3A_125 = arith.constant dense<2147483647> : vector<1024xi32>
    %reduce_min3A_126 = vector.multi_reduction <minsi>, %select_n3A_124, %reduce_min3A_125 [0] : vector<2048x1024xi32> to vector<1024xi32>
    %broadcast_in_dim3A_127 = vector.shape_cast %reduce_min3A_126 : vector<1024xi32> to vector<1x1024xi32>
    %jit3A_128 = arith.constant 3.000000e+38 : f32
    %broadcast_in_dim3A_129 = vector.broadcast %jit3A_128 : f32 to vector<2048x1024xf32>
    %select_n3A_130 = arith.select %eq3A_121, %broadcast_in_dim3A_129, %select_n3A_110 : vector<2048x1024xi1>, vector<2048x1024xf32>
    %eq3A_131 = arith.constant 4 : i32
    %eq3A_132 = vector.broadcast %eq3A_131 : i32 to vector<8x1024xi32>
    %eq3A_133 = arith.cmpi eq, %iota3A_39, %eq3A_132 : vector<8x1024xi32>
    %broadcast_in_dim3A_134 = vector.shape_cast %broadcast_in_dim3A_127 : vector<1x1024xi32> to vector<1x1024xi32>
    %broadcast_in_dim3A_135 = vector.broadcast %broadcast_in_dim3A_134 : vector<1x1024xi32> to vector<8x1024xi32>
    %select_n3A_136 = arith.select %eq3A_133, %broadcast_in_dim3A_135, %select_n3A_116 : vector<8x1024xi1>, vector<8x1024xi32>
    %reduce_min3A_137 = arith.constant dense<0x7F800000> : vector<1024xf32>
    %reduce_min3A_138 = vector.multi_reduction <minimumf>, %select_n3A_130, %reduce_min3A_137 [0] : vector<2048x1024xf32> to vector<1024xf32>
    %broadcast_in_dim3A_139 = vector.shape_cast %reduce_min3A_138 : vector<1024xf32> to vector<1x1024xf32>
    %eq3A_140 = vector.broadcast %broadcast_in_dim3A_139 : vector<1x1024xf32> to vector<2048x1024xf32>
    %eq3A_141 = arith.cmpf oeq, %select_n3A_130, %eq3A_140 : vector<2048x1024xf32>
    %jit3A_142 = arith.constant 2048 : i32
    %broadcast_in_dim3A_143 = vector.broadcast %jit3A_142 : i32 to vector<2048x1024xi32>
    %select_n3A_144 = arith.select %eq3A_141, %iota3A, %broadcast_in_dim3A_143 : vector<2048x1024xi1>, vector<2048x1024xi32>
    %reduce_min3A_145 = arith.constant dense<2147483647> : vector<1024xi32>
    %reduce_min3A_146 = vector.multi_reduction <minsi>, %select_n3A_144, %reduce_min3A_145 [0] : vector<2048x1024xi32> to vector<1024xi32>
    %broadcast_in_dim3A_147 = vector.shape_cast %reduce_min3A_146 : vector<1024xi32> to vector<1x1024xi32>
    %jit3A_148 = arith.constant 3.000000e+38 : f32
    %broadcast_in_dim3A_149 = vector.broadcast %jit3A_148 : f32 to vector<2048x1024xf32>
    %select_n3A_150 = arith.select %eq3A_141, %broadcast_in_dim3A_149, %select_n3A_130 : vector<2048x1024xi1>, vector<2048x1024xf32>
    %eq3A_151 = arith.constant 5 : i32
    %eq3A_152 = vector.broadcast %eq3A_151 : i32 to vector<8x1024xi32>
    %eq3A_153 = arith.cmpi eq, %iota3A_39, %eq3A_152 : vector<8x1024xi32>
    %broadcast_in_dim3A_154 = vector.shape_cast %broadcast_in_dim3A_147 : vector<1x1024xi32> to vector<1x1024xi32>
    %broadcast_in_dim3A_155 = vector.broadcast %broadcast_in_dim3A_154 : vector<1x1024xi32> to vector<8x1024xi32>
    %select_n3A_156 = arith.select %eq3A_153, %broadcast_in_dim3A_155, %select_n3A_136 : vector<8x1024xi1>, vector<8x1024xi32>
    %reduce_min3A_157 = arith.constant dense<0x7F800000> : vector<1024xf32>
    %reduce_min3A_158 = vector.multi_reduction <minimumf>, %select_n3A_150, %reduce_min3A_157 [0] : vector<2048x1024xf32> to vector<1024xf32>
    %broadcast_in_dim3A_159 = vector.shape_cast %reduce_min3A_158 : vector<1024xf32> to vector<1x1024xf32>
    %eq3A_160 = vector.broadcast %broadcast_in_dim3A_159 : vector<1x1024xf32> to vector<2048x1024xf32>
    %eq3A_161 = arith.cmpf oeq, %select_n3A_150, %eq3A_160 : vector<2048x1024xf32>
    %jit3A_162 = arith.constant 2048 : i32
    %broadcast_in_dim3A_163 = vector.broadcast %jit3A_162 : i32 to vector<2048x1024xi32>
    %select_n3A_164 = arith.select %eq3A_161, %iota3A, %broadcast_in_dim3A_163 : vector<2048x1024xi1>, vector<2048x1024xi32>
    %reduce_min3A_165 = arith.constant dense<2147483647> : vector<1024xi32>
    %reduce_min3A_166 = vector.multi_reduction <minsi>, %select_n3A_164, %reduce_min3A_165 [0] : vector<2048x1024xi32> to vector<1024xi32>
    %broadcast_in_dim3A_167 = vector.shape_cast %reduce_min3A_166 : vector<1024xi32> to vector<1x1024xi32>
    %jit3A_168 = arith.constant 3.000000e+38 : f32
    %broadcast_in_dim3A_169 = vector.broadcast %jit3A_168 : f32 to vector<2048x1024xf32>
    %select_n3A_170 = arith.select %eq3A_161, %broadcast_in_dim3A_169, %select_n3A_150 : vector<2048x1024xi1>, vector<2048x1024xf32>
    %eq3A_171 = arith.constant 6 : i32
    %eq3A_172 = vector.broadcast %eq3A_171 : i32 to vector<8x1024xi32>
    %eq3A_173 = arith.cmpi eq, %iota3A_39, %eq3A_172 : vector<8x1024xi32>
    %broadcast_in_dim3A_174 = vector.shape_cast %broadcast_in_dim3A_167 : vector<1x1024xi32> to vector<1x1024xi32>
    %broadcast_in_dim3A_175 = vector.broadcast %broadcast_in_dim3A_174 : vector<1x1024xi32> to vector<8x1024xi32>
    %select_n3A_176 = arith.select %eq3A_173, %broadcast_in_dim3A_175, %select_n3A_156 : vector<8x1024xi1>, vector<8x1024xi32>
    %reduce_min3A_177 = arith.constant dense<0x7F800000> : vector<1024xf32>
    %reduce_min3A_178 = vector.multi_reduction <minimumf>, %select_n3A_170, %reduce_min3A_177 [0] : vector<2048x1024xf32> to vector<1024xf32>
    %broadcast_in_dim3A_179 = vector.shape_cast %reduce_min3A_178 : vector<1024xf32> to vector<1x1024xf32>
    %eq3A_180 = vector.broadcast %broadcast_in_dim3A_179 : vector<1x1024xf32> to vector<2048x1024xf32>
    %eq3A_181 = arith.cmpf oeq, %select_n3A_170, %eq3A_180 : vector<2048x1024xf32>
    %jit3A_182 = arith.constant 2048 : i32
    %broadcast_in_dim3A_183 = vector.broadcast %jit3A_182 : i32 to vector<2048x1024xi32>
    %select_n3A_184 = arith.select %eq3A_181, %iota3A, %broadcast_in_dim3A_183 : vector<2048x1024xi1>, vector<2048x1024xi32>
    %reduce_min3A_185 = arith.constant dense<2147483647> : vector<1024xi32>
    %reduce_min3A_186 = vector.multi_reduction <minsi>, %select_n3A_184, %reduce_min3A_185 [0] : vector<2048x1024xi32> to vector<1024xi32>
    %broadcast_in_dim3A_187 = vector.shape_cast %reduce_min3A_186 : vector<1024xi32> to vector<1x1024xi32>
    %eq3A_188 = arith.constant 7 : i32
    %eq3A_189 = vector.broadcast %eq3A_188 : i32 to vector<8x1024xi32>
    %eq3A_190 = arith.cmpi eq, %iota3A_39, %eq3A_189 : vector<8x1024xi32>
    %broadcast_in_dim3A_191 = vector.shape_cast %broadcast_in_dim3A_187 : vector<1x1024xi32> to vector<1x1024xi32>
    %broadcast_in_dim3A_192 = vector.broadcast %broadcast_in_dim3A_191 : vector<1x1024xi32> to vector<8x1024xi32>
    %select_n3A_193 = arith.select %eq3A_190, %broadcast_in_dim3A_192, %select_n3A_176 : vector<8x1024xi1>, vector<8x1024xi32>
    %mul3A_194 = arith.constant 2048 : i32
    %mul3A_195 = arith.muli %add3A_0, %mul3A_194 : i32
    %add3A_196 = vector.broadcast %mul3A_195 : i32 to vector<8x1024xi32>
    %add3A_197 = arith.addi %select_n3A_193, %add3A_196 : vector<8x1024xi32>
    %reshape3A = vector.shape_cast %add3A_197 : vector<8x1024xi32> to vector<8x4x256xi32>
    %transpose3A = tpu.transpose %reshape3A, [1, 0, 2] : vector<8x4x256xi32> -> vector<4x8x256xi32>
    %swap3A = arith.constant 0 : index
    %swap3A_198 = arith.constant 0 : index
    %swap3A_199 = arith.constant 0 : index
    %swap3A_200 = arith.constant 0 : index
    %swap3A_201 = vector.load %arg4[%swap3A, %swap3A_198, %swap3A_199, %swap3A_200] : memref<1x4x8x256xi32, #tpu.memory_space<vmem>>, vector<1x4x8x256xi32>
    %swap3A_202 = vector.shape_cast %swap3A_201 : vector<1x4x8x256xi32> to vector<4x8x256xi32>
    %swap3A_203 = vector.shape_cast %transpose3A : vector<4x8x256xi32> to vector<1x4x8x256xi32>
    tpu.vector_store %arg4[%swap3A, %swap3A_198, %swap3A_199, %swap3A_200], %swap3A_203 {strides = array<i32>} : memref<1x4x8x256xi32, #tpu.memory_space<vmem>>, vector<1x4x8x256xi32>,
    return
  }
  func.func @transform_0(%arg0: i32, %arg1: i32) -> (i32, i32, i32) {
    %c0_i32 = arith.constant 0 : i32
    %c0_i32_0 = arith.constant 0 : i32
    return %arg0, %c0_i32, %arg1 : i32, i32, i32
  }
  func.func @transform_1(%arg0: i32, %arg1: i32) -> (i32, i32, i32) {
    %c0_i32 = arith.constant 0 : i32
    %c0_i32_0 = arith.constant 0 : i32
    %c0_i32_1 = arith.constant 0 : i32
    return %arg0, %c0_i32, %c0_i32_0 : i32, i32, i32
  }
  func.func @transform_2(%arg0: i32, %arg1: i32) -> (i32, i32, i32, i32) {
    %c0_i32 = arith.constant 0 : i32
    %c0_i32_0 = arith.constant 0 : i32
    %c0_i32_1 = arith.constant 0 : i32
    return %arg0, %arg1, %c0_i32, %c0_i32_0 : i32, i32, i32, i32
  }
}

module attributes {stable_mosaic.version = 14 : i64} {
  func.func @_stats1_body(%arg0: i32, %arg1: i32, %arg2: memref<1x1x8x256x128xf32, #tpu.memory_space<vmem>>, %arg3: memref<1x256x128xf32, #tpu.memory_space<vmem>>, %arg4: memref<1x128xf32, #tpu.memory_space<vmem>>, %arg5: memref<1x128xf32, #tpu.memory_space<vmem>>) attributes {dimension_semantics = [#tpu.dimension_semantics<arbitrary>, #tpu.dimension_semantics<arbitrary>], iteration_bounds = array<i64: 2, 32>, scalar_prefetch = 0 : i64, scratch_operands = 0 : i64, tpu.core_type = #tpu.core_type<tc>, window_params = [{transform_indices = @transform_0, window_bounds = array<i64: 1, 1, 8, 256, 128>}, {transform_indices = @transform_1, window_bounds = array<i64: 1, 256, 128>}, {pipeline_mode = #tpu.pipeline_mode<synchronous>, transform_indices = @transform_2, window_bounds = array<i64: 1, 128>}, {pipeline_mode = #tpu.pipeline_mode<synchronous>, transform_indices = @transform_3, window_bounds = array<i64: 1, 128>}]} {
    %get3A = arith.constant 0 : index
    %get3A_0 = arith.constant 0 : index
    %get3A_1 = arith.constant 0 : index
    %get3A_2 = arith.constant 0 : index
    %get3A_3 = arith.constant 0 : index
    %get3A_4 = vector.load %arg2[%get3A, %get3A_0, %get3A_1, %get3A_2, %get3A_3] : memref<1x1x8x256x128xf32, #tpu.memory_space<vmem>>, vector<1x1x8x256x128xf32>
    %get3A_5 = vector.shape_cast %get3A_4 : vector<1x1x8x256x128xf32> to vector<8x256x128xf32>
    %get3A_6 = arith.constant 0 : index
    %get3A_7 = arith.constant 0 : index
    %get3A_8 = arith.constant 0 : index
    %get3A_9 = vector.load %arg3[%get3A_6, %get3A_7, %get3A_8] : memref<1x256x128xf32, #tpu.memory_space<vmem>>, vector<1x256x128xf32>
    %get3A_10 = vector.shape_cast %get3A_9 : vector<1x256x128xf32> to vector<256x128xf32>
    %broadcast_in_dim3A = vector.shape_cast %get3A_10 : vector<256x128xf32> to vector<1x256x128xf32>
    %sub3A = vector.broadcast %broadcast_in_dim3A : vector<1x256x128xf32> to vector<8x256x128xf32>
    %sub3A_11 = arith.subf %get3A_5, %sub3A : vector<8x256x128xf32>
    %reduce_sum3A = arith.constant dense<0.000000e+00> : vector<256x128xf32>
    %reduce_sum3A_12 = vector.multi_reduction <add>, %sub3A_11, %reduce_sum3A [0] : vector<8x256x128xf32> to vector<256x128xf32>
    %mul3A = arith.mulf %sub3A_11, %sub3A_11 : vector<8x256x128xf32>
    %reduce_sum3A_13 = arith.constant dense<0.000000e+00> : vector<256x128xf32>
    %reduce_sum3A_14 = vector.multi_reduction <add>, %mul3A, %reduce_sum3A_13 [0] : vector<8x256x128xf32> to vector<256x128xf32>
    %eq3A = arith.constant 0 : i32
    %eq3A_15 = arith.cmpi eq, %arg0, %eq3A : i32
    %eq3A_16 = arith.constant 0 : i32
    %eq3A_17 = arith.cmpi eq, %arg1, %eq3A_16 : i32
    %and3A = arith.andi %eq3A_15, %eq3A_17 : i1
    %convert_element_type3A = arith.extui %and3A : i1 to i32
    %cond3A = arith.constant 0 : i32
    %cond3A_18 = arith.cmpi ne, %convert_element_type3A, %cond3A : i32
    scf.if %cond3A_18 {
      %broadcast_in_dim3A_37 = arith.constant 0.000000e+00 : f32
      %broadcast_in_dim3A_38 = vector.broadcast %broadcast_in_dim3A_37 : f32 to vector<1x128xf32>
      %swap3A_39 = arith.constant 0 : index
      %swap3A_40 = arith.constant 0 : index
      %swap3A_41 = vector.load %arg4[%swap3A_39, %swap3A_40] : memref<1x128xf32, #tpu.memory_space<vmem>>, vector<1x128xf32>
      tpu.vector_store %arg4[%swap3A_39, %swap3A_40], %broadcast_in_dim3A_38 {strides = array<i32>} : memref<1x128xf32, #tpu.memory_space<vmem>>, vector<1x128xf32>,
      %broadcast_in_dim3A_42 = arith.constant 0.000000e+00 : f32
      %broadcast_in_dim3A_43 = vector.broadcast %broadcast_in_dim3A_42 : f32 to vector<1x128xf32>
      %swap3A_44 = arith.constant 0 : index
      %swap3A_45 = arith.constant 0 : index
      %swap3A_46 = vector.load %arg5[%swap3A_44, %swap3A_45] : memref<1x128xf32, #tpu.memory_space<vmem>>, vector<1x128xf32>
      tpu.vector_store %arg5[%swap3A_44, %swap3A_45], %broadcast_in_dim3A_43 {strides = array<i32>} : memref<1x128xf32, #tpu.memory_space<vmem>>, vector<1x128xf32>,
    } else {
    }
    %get3A_19 = arith.constant 0 : index
    %get3A_20 = arith.constant 0 : index
    %get3A_21 = vector.load %arg4[%get3A_19, %get3A_20] : memref<1x128xf32, #tpu.memory_space<vmem>>, vector<1x128xf32>
    %reduce_sum3A_22 = arith.constant dense<0.000000e+00> : vector<128xf32>
    %reduce_sum3A_23 = vector.multi_reduction <add>, %reduce_sum3A_12, %reduce_sum3A_22 [0] : vector<256x128xf32> to vector<128xf32>
    %broadcast_in_dim3A_24 = vector.shape_cast %reduce_sum3A_23 : vector<128xf32> to vector<1x128xf32>
    %add3A = arith.addf %get3A_21, %broadcast_in_dim3A_24 : vector<1x128xf32>
    %swap3A = arith.constant 0 : index
    %swap3A_25 = arith.constant 0 : index
    %swap3A_26 = vector.load %arg4[%swap3A, %swap3A_25] : memref<1x128xf32, #tpu.memory_space<vmem>>, vector<1x128xf32>
    tpu.vector_store %arg4[%swap3A, %swap3A_25], %add3A {strides = array<i32>} : memref<1x128xf32, #tpu.memory_space<vmem>>, vector<1x128xf32>,
    %get3A_27 = arith.constant 0 : index
    %get3A_28 = arith.constant 0 : index
    %get3A_29 = vector.load %arg5[%get3A_27, %get3A_28] : memref<1x128xf32, #tpu.memory_space<vmem>>, vector<1x128xf32>
    %reduce_sum3A_30 = arith.constant dense<0.000000e+00> : vector<128xf32>
    %reduce_sum3A_31 = vector.multi_reduction <add>, %reduce_sum3A_14, %reduce_sum3A_30 [0] : vector<256x128xf32> to vector<128xf32>
    %broadcast_in_dim3A_32 = vector.shape_cast %reduce_sum3A_31 : vector<128xf32> to vector<1x128xf32>
    %add3A_33 = arith.addf %get3A_29, %broadcast_in_dim3A_32 : vector<1x128xf32>
    %swap3A_34 = arith.constant 0 : index
    %swap3A_35 = arith.constant 0 : index
    %swap3A_36 = vector.load %arg5[%swap3A_34, %swap3A_35] : memref<1x128xf32, #tpu.memory_space<vmem>>, vector<1x128xf32>
    tpu.vector_store %arg5[%swap3A_34, %swap3A_35], %add3A_33 {strides = array<i32>} : memref<1x128xf32, #tpu.memory_space<vmem>>, vector<1x128xf32>,
    return
  }
  func.func @transform_0(%arg0: i32, %arg1: i32) -> (i32, i32, i32, i32, i32) {
    %c0_i32 = arith.constant 0 : i32
    %c0_i32_0 = arith.constant 0 : i32
    %c0_i32_1 = arith.constant 0 : i32
    %c0_i32_2 = arith.constant 0 : i32
    return %arg0, %arg1, %c0_i32, %c0_i32_0, %c0_i32_1 : i32, i32, i32, i32, i32
  }
  func.func @transform_1(%arg0: i32, %arg1: i32) -> (i32, i32, i32) {
    %c0_i32 = arith.constant 0 : i32
    %c0_i32_0 = arith.constant 0 : i32
    return %arg0, %arg1, %c0_i32 : i32, i32, i32
  }
  func.func @transform_2(%arg0: i32, %arg1: i32) -> (i32, i32) {
    %c0_i32 = arith.constant 0 : i32
    %c0_i32_0 = arith.constant 0 : i32
    %c0_i32_1 = arith.constant 0 : i32
    return %c0_i32, %c0_i32_0 : i32, i32
  }
  func.func @transform_3(%arg0: i32, %arg1: i32) -> (i32, i32) {
    %c0_i32 = arith.constant 0 : i32
    %c0_i32_0 = arith.constant 0 : i32
    %c0_i32_1 = arith.constant 0 : i32
    return %c0_i32, %c0_i32_0 : i32, i32
  }
}

module attributes {stable_mosaic.version = 14 : i64} {
  func.func @_layer2_body(%arg0: i32, %arg1: i32, %arg2: memref<1x1x8x256x128xf32, #tpu.memory_space<vmem>>, %arg3: memref<1x256x128xf32, #tpu.memory_space<vmem>>, %arg4: memref<1x128xf32, #tpu.memory_space<vmem>>, %arg5: memref<1x128xf32, #tpu.memory_space<vmem>>, %arg6: memref<128x128xf32, #tpu.memory_space<vmem>>, %arg7: memref<1x256x128xf32, #tpu.memory_space<vmem>>, %arg8: memref<1x128xf32, #tpu.memory_space<vmem>>, %arg9: memref<1x128xf32, #tpu.memory_space<vmem>>) attributes {dimension_semantics = [#tpu.dimension_semantics<arbitrary>, #tpu.dimension_semantics<arbitrary>], iteration_bounds = array<i64: 2, 32>, scalar_prefetch = 0 : i64, scratch_operands = 0 : i64, tpu.core_type = #tpu.core_type<tc>, window_params = [{transform_indices = @transform_0, window_bounds = array<i64: 1, 1, 8, 256, 128>}, {transform_indices = @transform_1, window_bounds = array<i64: 1, 256, 128>}, {pipeline_mode = #tpu.pipeline_mode<synchronous>, transform_indices = @transform_2, window_bounds = array<i64: 1, 128>}, {pipeline_mode = #tpu.pipeline_mode<synchronous>, transform_indices = @transform_3, window_bounds = array<i64: 1, 128>}, {pipeline_mode = #tpu.pipeline_mode<synchronous>, transform_indices = @transform_4, window_bounds = array<i64: 128, 128>}, {transform_indices = @transform_5, window_bounds = array<i64: 1, 256, 128>}, {pipeline_mode = #tpu.pipeline_mode<synchronous>, transform_indices = @transform_6, window_bounds = array<i64: 1, 128>}, {pipeline_mode = #tpu.pipeline_mode<synchronous>, transform_indices = @transform_7, window_bounds = array<i64: 1, 128>}]} {
    %get3A = arith.constant 0 : index
    %get3A_0 = arith.constant 0 : index
    %get3A_1 = arith.constant 0 : index
    %get3A_2 = arith.constant 0 : index
    %get3A_3 = arith.constant 0 : index
    %get3A_4 = vector.load %arg2[%get3A, %get3A_0, %get3A_1, %get3A_2, %get3A_3] : memref<1x1x8x256x128xf32, #tpu.memory_space<vmem>>, vector<1x1x8x256x128xf32>
    %get3A_5 = vector.shape_cast %get3A_4 : vector<1x1x8x256x128xf32> to vector<8x256x128xf32>
    %get3A_6 = arith.constant 0 : index
    %get3A_7 = arith.constant 0 : index
    %get3A_8 = arith.constant 0 : index
    %get3A_9 = vector.load %arg3[%get3A_6, %get3A_7, %get3A_8] : memref<1x256x128xf32, #tpu.memory_space<vmem>>, vector<1x256x128xf32>
    %get3A_10 = vector.shape_cast %get3A_9 : vector<1x256x128xf32> to vector<256x128xf32>
    %broadcast_in_dim3A = vector.shape_cast %get3A_10 : vector<256x128xf32> to vector<1x256x128xf32>
    %sub3A = vector.broadcast %broadcast_in_dim3A : vector<1x256x128xf32> to vector<8x256x128xf32>
    %sub3A_11 = arith.subf %get3A_5, %sub3A : vector<8x256x128xf32>
    %get3A_12 = arith.constant 0 : index
    %get3A_13 = arith.constant 0 : index
    %get3A_14 = vector.load %arg4[%get3A_12, %get3A_13] : memref<1x128xf32, #tpu.memory_space<vmem>>, vector<1x128xf32>
    %broadcast_in_dim3A_15 = vector.shape_cast %get3A_14 : vector<1x128xf32> to vector<1x1x128xf32>
    %mul3A = vector.broadcast %broadcast_in_dim3A_15 : vector<1x1x128xf32> to vector<8x256x128xf32>
    %mul3A_16 = arith.mulf %sub3A_11, %mul3A : vector<8x256x128xf32>
    %get3A_17 = arith.constant 0 : index
    %get3A_18 = arith.constant 0 : index
    %get3A_19 = vector.load %arg5[%get3A_17, %get3A_18] : memref<1x128xf32, #tpu.memory_space<vmem>>, vector<1x128xf32>
    %broadcast_in_dim3A_20 = vector.shape_cast %get3A_19 : vector<1x128xf32> to vector<1x1x128xf32>
    %add3A = vector.broadcast %broadcast_in_dim3A_20 : vector<1x1x128xf32> to vector<8x256x128xf32>
    %add3A_21 = arith.addf %mul3A_16, %add3A : vector<8x256x128xf32>
    %max3A = arith.constant 0.000000e+00 : f32
    %max3A_22 = vector.broadcast %max3A : f32 to vector<8x256x128xf32>
    %max3A_23 = arith.maximumf %add3A_21, %max3A_22 : vector<8x256x128xf32>
    %reshape3A = vector.shape_cast %max3A_23 : vector<8x256x128xf32> to vector<2048x128xf32>
    %convert_element_type3A = arith.truncf %reshape3A : vector<2048x128xf32> to vector<2048x128xbf16>
    %get3A_24 = arith.constant 0 : index
    %get3A_25 = arith.constant 0 : index
    %get3A_26 = vector.load %arg6[%get3A_24, %get3A_25] : memref<128x128xf32, #tpu.memory_space<vmem>>, vector<128x128xf32>
    %convert_element_type3A_27 = arith.truncf %get3A_26 : vector<128x128xf32> to vector<128x128xbf16>
    %dot_general3A = arith.constant dense<0.000000e+00> : vector<2048x128xf32>
    %dot_general3A_28 = tpu.matmul %convert_element_type3A, %convert_element_type3A_27, %dot_general3A {dimension_numbers = #tpu.dot_dimension_numbers<[1], [1], [0], [0], [0, 0, 1, 0], [], []>, transpose_lhs_hint = false} : vector<2048x128xbf16>, vector<128x128xbf16>, vector<2048x128xf32> -> vector<2048x128xf32>
    %eq3A = arith.constant 0 : i32
    %eq3A_29 = arith.cmpi eq, %arg0, %eq3A : i32
    %eq3A_30 = arith.constant 0 : i32
    %eq3A_31 = arith.cmpi eq, %arg1, %eq3A_30 : i32
    %and3A = arith.andi %eq3A_29, %eq3A_31 : i1
    %convert_element_type3A_32 = arith.extui %and3A : i1 to i32
    %cond3A = arith.constant 0 : i32
    %cond3A_33 = arith.cmpi ne, %convert_element_type3A_32, %cond3A : i32
    scf.if %cond3A_33 {
      %broadcast_in_dim3A_61 = arith.constant 0.000000e+00 : f32
      %broadcast_in_dim3A_62 = vector.broadcast %broadcast_in_dim3A_61 : f32 to vector<1x128xf32>
      %swap3A_63 = arith.constant 0 : index
      %swap3A_64 = arith.constant 0 : index
      %swap3A_65 = vector.load %arg8[%swap3A_63, %swap3A_64] : memref<1x128xf32, #tpu.memory_space<vmem>>, vector<1x128xf32>
      tpu.vector_store %arg8[%swap3A_63, %swap3A_64], %broadcast_in_dim3A_62 {strides = array<i32>} : memref<1x128xf32, #tpu.memory_space<vmem>>, vector<1x128xf32>,
      %broadcast_in_dim3A_66 = arith.constant 0.000000e+00 : f32
      %broadcast_in_dim3A_67 = vector.broadcast %broadcast_in_dim3A_66 : f32 to vector<1x128xf32>
      %swap3A_68 = arith.constant 0 : index
      %swap3A_69 = arith.constant 0 : index
      %swap3A_70 = vector.load %arg9[%swap3A_68, %swap3A_69] : memref<1x128xf32, #tpu.memory_space<vmem>>, vector<1x128xf32>
      tpu.vector_store %arg9[%swap3A_68, %swap3A_69], %broadcast_in_dim3A_67 {strides = array<i32>} : memref<1x128xf32, #tpu.memory_space<vmem>>, vector<1x128xf32>,
    } else {
    }
    %get3A_34 = arith.constant 0 : index
    %get3A_35 = arith.constant 0 : index
    %get3A_36 = vector.load %arg8[%get3A_34, %get3A_35] : memref<1x128xf32, #tpu.memory_space<vmem>>, vector<1x128xf32>
    %reduce_sum3A = arith.constant dense<0.000000e+00> : vector<128xf32>
    %reduce_sum3A_37 = vector.multi_reduction <add>, %dot_general3A_28, %reduce_sum3A [0] : vector<2048x128xf32> to vector<128xf32>
    %broadcast_in_dim3A_38 = vector.shape_cast %reduce_sum3A_37 : vector<128xf32> to vector<1x128xf32>
    %add3A_39 = arith.addf %get3A_36, %broadcast_in_dim3A_38 : vector<1x128xf32>
    %swap3A = arith.constant 0 : index
    %swap3A_40 = arith.constant 0 : index
    %swap3A_41 = vector.load %arg8[%swap3A, %swap3A_40] : memref<1x128xf32, #tpu.memory_space<vmem>>, vector<1x128xf32>
    tpu.vector_store %arg8[%swap3A, %swap3A_40], %add3A_39 {strides = array<i32>} : memref<1x128xf32, #tpu.memory_space<vmem>>, vector<1x128xf32>,
    %get3A_42 = arith.constant 0 : index
    %get3A_43 = arith.constant 0 : index
    %get3A_44 = vector.load %arg9[%get3A_42, %get3A_43] : memref<1x128xf32, #tpu.memory_space<vmem>>, vector<1x128xf32>
    %mul3A_45 = arith.mulf %dot_general3A_28, %dot_general3A_28 : vector<2048x128xf32>
    %reduce_sum3A_46 = arith.constant dense<0.000000e+00> : vector<128xf32>
    %reduce_sum3A_47 = vector.multi_reduction <add>, %mul3A_45, %reduce_sum3A_46 [0] : vector<2048x128xf32> to vector<128xf32>
    %broadcast_in_dim3A_48 = vector.shape_cast %reduce_sum3A_47 : vector<128xf32> to vector<1x128xf32>
    %add3A_49 = arith.addf %get3A_44, %broadcast_in_dim3A_48 : vector<1x128xf32>
    %swap3A_50 = arith.constant 0 : index
    %swap3A_51 = arith.constant 0 : index
    %swap3A_52 = vector.load %arg9[%swap3A_50, %swap3A_51] : memref<1x128xf32, #tpu.memory_space<vmem>>, vector<1x128xf32>
    tpu.vector_store %arg9[%swap3A_50, %swap3A_51], %add3A_49 {strides = array<i32>} : memref<1x128xf32, #tpu.memory_space<vmem>>, vector<1x128xf32>,
    %reshape3A_53 = vector.shape_cast %dot_general3A_28 : vector<2048x128xf32> to vector<8x256x128xf32>
    %reduce_max3A = arith.constant dense<0xFF800000> : vector<256x128xf32>
    %reduce_max3A_54 = vector.multi_reduction <maximumf>, %reshape3A_53, %reduce_max3A [0] : vector<8x256x128xf32> to vector<256x128xf32>
    %swap3A_55 = arith.constant 0 : index
    %swap3A_56 = arith.constant 0 : index
    %swap3A_57 = arith.constant 0 : index
    %swap3A_58 = vector.load %arg7[%swap3A_55, %swap3A_56, %swap3A_57] : memref<1x256x128xf32, #tpu.memory_space<vmem>>, vector<1x256x128xf32>
    %swap3A_59 = vector.shape_cast %swap3A_58 : vector<1x256x128xf32> to vector<256x128xf32>
    %swap3A_60 = vector.shape_cast %reduce_max3A_54 : vector<256x128xf32> to vector<1x256x128xf32>
    tpu.vector_store %arg7[%swap3A_55, %swap3A_56, %swap3A_57], %swap3A_60 {strides = array<i32>} : memref<1x256x128xf32, #tpu.memory_space<vmem>>, vector<1x256x128xf32>,
    return
  }
  func.func @transform_0(%arg0: i32, %arg1: i32) -> (i32, i32, i32, i32, i32) {
    %c0_i32 = arith.constant 0 : i32
    %c0_i32_0 = arith.constant 0 : i32
    %c0_i32_1 = arith.constant 0 : i32
    %c0_i32_2 = arith.constant 0 : i32
    return %arg0, %arg1, %c0_i32, %c0_i32_0, %c0_i32_1 : i32, i32, i32, i32, i32
  }
  func.func @transform_1(%arg0: i32, %arg1: i32) -> (i32, i32, i32) {
    %c0_i32 = arith.constant 0 : i32
    %c0_i32_0 = arith.constant 0 : i32
    return %arg0, %arg1, %c0_i32 : i32, i32, i32
  }
  func.func @transform_2(%arg0: i32, %arg1: i32) -> (i32, i32) {
    %c0_i32 = arith.constant 0 : i32
    %c0_i32_0 = arith.constant 0 : i32
    %c0_i32_1 = arith.constant 0 : i32
    return %c0_i32, %c0_i32_0 : i32, i32
  }
  func.func @transform_3(%arg0: i32, %arg1: i32) -> (i32, i32) {
    %c0_i32 = arith.constant 0 : i32
    %c0_i32_0 = arith.constant 0 : i32
    %c0_i32_1 = arith.constant 0 : i32
    return %c0_i32, %c0_i32_0 : i32, i32
  }
  func.func @transform_4(%arg0: i32, %arg1: i32) -> (i32, i32) {
    %c0_i32 = arith.constant 0 : i32
    %c0_i32_0 = arith.constant 0 : i32
    %c0_i32_1 = arith.constant 0 : i32
    return %c0_i32, %c0_i32_0 : i32, i32
  }
  func.func @transform_5(%arg0: i32, %arg1: i32) -> (i32, i32, i32) {
    %c0_i32 = arith.constant 0 : i32
    %c0_i32_0 = arith.constant 0 : i32
    return %arg0, %arg1, %c0_i32 : i32, i32, i32
  }
  func.func @transform_6(%arg0: i32, %arg1: i32) -> (i32, i32) {
    %c0_i32 = arith.constant 0 : i32
    %c0_i32_0 = arith.constant 0 : i32
    %c0_i32_1 = arith.constant 0 : i32
    return %c0_i32, %c0_i32_0 : i32, i32
  }
  func.func @transform_7(%arg0: i32, %arg1: i32) -> (i32, i32) {
    %c0_i32 = arith.constant 0 : i32
    %c0_i32_0 = arith.constant 0 : i32
    %c0_i32_1 = arith.constant 0 : i32
    return %c0_i32, %c0_i32_0 : i32, i32
  }
}

module attributes {stable_mosaic.version = 14 : i64} {
  func.func @_final_body(%arg0: i32, %arg1: i32, %arg2: memref<1x512x128xf32, #tpu.memory_space<vmem>>, %arg3: memref<1x64x512xf32, #tpu.memory_space<vmem>>, %arg4: memref<1x128xf32, #tpu.memory_space<vmem>>, %arg5: memref<1x128xf32, #tpu.memory_space<vmem>>, %arg6: memref<128x128xf32, #tpu.memory_space<vmem>>, %arg7: memref<128x64xf32, #tpu.memory_space<vmem>>, %arg8: memref<1x512x128xf32, #tpu.memory_space<vmem>>, %arg9: memref<1x128xf32, #tpu.memory_space<vmem>>, %arg10: memref<1x128xf32, #tpu.memory_space<vmem>>) attributes {dimension_semantics = [#tpu.dimension_semantics<arbitrary>, #tpu.dimension_semantics<arbitrary>], iteration_bounds = array<i64: 2, 16>, scalar_prefetch = 0 : i64, scratch_operands = 0 : i64, tpu.core_type = #tpu.core_type<tc>, window_params = [{transform_indices = @transform_0, window_bounds = array<i64: 1, 512, 128>}, {transform_indices = @transform_1, window_bounds = array<i64: 1, 64, 512>}, {pipeline_mode = #tpu.pipeline_mode<synchronous>, transform_indices = @transform_2, window_bounds = array<i64: 1, 128>}, {pipeline_mode = #tpu.pipeline_mode<synchronous>, transform_indices = @transform_3, window_bounds = array<i64: 1, 128>}, {pipeline_mode = #tpu.pipeline_mode<synchronous>, transform_indices = @transform_4, window_bounds = array<i64: 128, 128>}, {pipeline_mode = #tpu.pipeline_mode<synchronous>, transform_indices = @transform_5, window_bounds = array<i64: 128, 64>}, {transform_indices = @transform_6, window_bounds = array<i64: 1, 512, 128>}, {pipeline_mode = #tpu.pipeline_mode<synchronous>, transform_indices = @transform_7, window_bounds = array<i64: 1, 128>}, {pipeline_mode = #tpu.pipeline_mode<synchronous>, transform_indices = @transform_8, window_bounds = array<i64: 1, 128>}]} {
    %get3A = arith.constant 0 : index
    %get3A_0 = arith.constant 0 : index
    %get3A_1 = arith.constant 0 : index
    %get3A_2 = vector.load %arg2[%get3A, %get3A_0, %get3A_1] : memref<1x512x128xf32, #tpu.memory_space<vmem>>, vector<1x512x128xf32>
    %get3A_3 = vector.shape_cast %get3A_2 : vector<1x512x128xf32> to vector<512x128xf32>
    %get3A_4 = arith.constant 0 : index
    %get3A_5 = arith.constant 0 : index
    %get3A_6 = vector.load %arg4[%get3A_4, %get3A_5] : memref<1x128xf32, #tpu.memory_space<vmem>>, vector<1x128xf32>
    %mul3A = vector.broadcast %get3A_6 : vector<1x128xf32> to vector<512x128xf32>
    %mul3A_7 = arith.mulf %get3A_3, %mul3A : vector<512x128xf32>
    %get3A_8 = arith.constant 0 : index
    %get3A_9 = arith.constant 0 : index
    %get3A_10 = vector.load %arg5[%get3A_8, %get3A_9] : memref<1x128xf32, #tpu.memory_space<vmem>>, vector<1x128xf32>
    %add3A = vector.broadcast %get3A_10 : vector<1x128xf32> to vector<512x128xf32>
    %add3A_11 = arith.addf %mul3A_7, %add3A : vector<512x128xf32>
    %max3A = arith.constant 0.000000e+00 : f32
    %max3A_12 = vector.broadcast %max3A : f32 to vector<512x128xf32>
    %max3A_13 = arith.maximumf %add3A_11, %max3A_12 : vector<512x128xf32>
    %convert_element_type3A = arith.truncf %max3A_13 : vector<512x128xf32> to vector<512x128xbf16>
    %get3A_14 = arith.constant 0 : index
    %get3A_15 = arith.constant 0 : index
    %get3A_16 = vector.load %arg6[%get3A_14, %get3A_15] : memref<128x128xf32, #tpu.memory_space<vmem>>, vector<128x128xf32>
    %convert_element_type3A_17 = arith.truncf %get3A_16 : vector<128x128xf32> to vector<128x128xbf16>
    %dot_general3A = arith.constant dense<0.000000e+00> : vector<512x128xf32>
    %dot_general3A_18 = tpu.matmul %convert_element_type3A, %convert_element_type3A_17, %dot_general3A {dimension_numbers = #tpu.dot_dimension_numbers<[1], [1], [0], [0], [0, 0, 1, 0], [], []>, transpose_lhs_hint = false} : vector<512x128xbf16>, vector<128x128xbf16>, vector<512x128xf32> -> vector<512x128xf32>
    %get3A_19 = arith.constant 0 : index
    %get3A_20 = arith.constant 0 : index
    %get3A_21 = arith.constant 0 : index
    %get3A_22 = vector.load %arg3[%get3A_19, %get3A_20, %get3A_21] : memref<1x64x512xf32, #tpu.memory_space<vmem>>, vector<1x64x512xf32>
    %get3A_23 = vector.shape_cast %get3A_22 : vector<1x64x512xf32> to vector<64x512xf32>
    %convert_element_type3A_24 = arith.truncf %get3A_23 : vector<64x512xf32> to vector<64x512xbf16>
    %get3A_25 = arith.constant 0 : index
    %get3A_26 = arith.constant 0 : index
    %get3A_27 = vector.load %arg7[%get3A_25, %get3A_26] : memref<128x64xf32, #tpu.memory_space<vmem>>, vector<128x64xf32>
    %convert_element_type3A_28 = arith.truncf %get3A_27 : vector<128x64xf32> to vector<128x64xbf16>
    %dot_general3A_29 = arith.constant dense<0.000000e+00> : vector<512x128xf32>
    %dot_general3A_30 = tpu.matmul %convert_element_type3A_24, %convert_element_type3A_28, %dot_general3A_29 {dimension_numbers = #tpu.dot_dimension_numbers<[0], [1], [1], [0], [0, 1, 1, 0], [], []>, transpose_lhs_hint = false} : vector<64x512xbf16>, vector<128x64xbf16>, vector<512x128xf32> -> vector<512x128xf32>
    %add3A_31 = arith.addf %dot_general3A_18, %dot_general3A_30 : vector<512x128xf32>
    %swap3A = arith.constant 0 : index
    %swap3A_32 = arith.constant 0 : index
    %swap3A_33 = arith.constant 0 : index
    %swap3A_34 = vector.load %arg8[%swap3A, %swap3A_32, %swap3A_33] : memref<1x512x128xf32, #tpu.memory_space<vmem>>, vector<1x512x128xf32>
    %swap3A_35 = vector.shape_cast %swap3A_34 : vector<1x512x128xf32> to vector<512x128xf32>
    %swap3A_36 = vector.shape_cast %add3A_31 : vector<512x128xf32> to vector<1x512x128xf32>
    tpu.vector_store %arg8[%swap3A, %swap3A_32, %swap3A_33], %swap3A_36 {strides = array<i32>} : memref<1x512x128xf32, #tpu.memory_space<vmem>>, vector<1x512x128xf32>,
    %eq3A = arith.constant 0 : i32
    %eq3A_37 = arith.cmpi eq, %arg0, %eq3A : i32
    %eq3A_38 = arith.constant 0 : i32
    %eq3A_39 = arith.cmpi eq, %arg1, %eq3A_38 : i32
    %and3A = arith.andi %eq3A_37, %eq3A_39 : i1
    %convert_element_type3A_40 = arith.extui %and3A : i1 to i32
    %cond3A = arith.constant 0 : i32
    %cond3A_41 = arith.cmpi ne, %convert_element_type3A_40, %cond3A : i32
    scf.if %cond3A_41 {
      %broadcast_in_dim3A_61 = arith.constant 0.000000e+00 : f32
      %broadcast_in_dim3A_62 = vector.broadcast %broadcast_in_dim3A_61 : f32 to vector<1x128xf32>
      %swap3A_63 = arith.constant 0 : index
      %swap3A_64 = arith.constant 0 : index
      %swap3A_65 = vector.load %arg9[%swap3A_63, %swap3A_64] : memref<1x128xf32, #tpu.memory_space<vmem>>, vector<1x128xf32>
      tpu.vector_store %arg9[%swap3A_63, %swap3A_64], %broadcast_in_dim3A_62 {strides = array<i32>} : memref<1x128xf32, #tpu.memory_space<vmem>>, vector<1x128xf32>,
      %broadcast_in_dim3A_66 = arith.constant 0.000000e+00 : f32
      %broadcast_in_dim3A_67 = vector.broadcast %broadcast_in_dim3A_66 : f32 to vector<1x128xf32>
      %swap3A_68 = arith.constant 0 : index
      %swap3A_69 = arith.constant 0 : index
      %swap3A_70 = vector.load %arg10[%swap3A_68, %swap3A_69] : memref<1x128xf32, #tpu.memory_space<vmem>>, vector<1x128xf32>
      tpu.vector_store %arg10[%swap3A_68, %swap3A_69], %broadcast_in_dim3A_67 {strides = array<i32>} : memref<1x128xf32, #tpu.memory_space<vmem>>, vector<1x128xf32>,
    } else {
    }
    %get3A_42 = arith.constant 0 : index
    %get3A_43 = arith.constant 0 : index
    %get3A_44 = vector.load %arg9[%get3A_42, %get3A_43] : memref<1x128xf32, #tpu.memory_space<vmem>>, vector<1x128xf32>
    %reduce_sum3A = arith.constant dense<0.000000e+00> : vector<128xf32>
    %reduce_sum3A_45 = vector.multi_reduction <add>, %add3A_31, %reduce_sum3A [0] : vector<512x128xf32> to vector<128xf32>
    %broadcast_in_dim3A = vector.shape_cast %reduce_sum3A_45 : vector<128xf32> to vector<1x128xf32>
    %add3A_46 = arith.addf %get3A_44, %broadcast_in_dim3A : vector<1x128xf32>
    %swap3A_47 = arith.constant 0 : index
    %swap3A_48 = arith.constant 0 : index
    %swap3A_49 = vector.load %arg9[%swap3A_47, %swap3A_48] : memref<1x128xf32, #tpu.memory_space<vmem>>, vector<1x128xf32>
    tpu.vector_store %arg9[%swap3A_47, %swap3A_48], %add3A_46 {strides = array<i32>} : memref<1x128xf32, #tpu.memory_space<vmem>>, vector<1x128xf32>,
    %get3A_50 = arith.constant 0 : index
    %get3A_51 = arith.constant 0 : index
    %get3A_52 = vector.load %arg10[%get3A_50, %get3A_51] : memref<1x128xf32, #tpu.memory_space<vmem>>, vector<1x128xf32>
    %mul3A_53 = arith.mulf %add3A_31, %add3A_31 : vector<512x128xf32>
    %reduce_sum3A_54 = arith.constant dense<0.000000e+00> : vector<128xf32>
    %reduce_sum3A_55 = vector.multi_reduction <add>, %mul3A_53, %reduce_sum3A_54 [0] : vector<512x128xf32> to vector<128xf32>
    %broadcast_in_dim3A_56 = vector.shape_cast %reduce_sum3A_55 : vector<128xf32> to vector<1x128xf32>
    %add3A_57 = arith.addf %get3A_52, %broadcast_in_dim3A_56 : vector<1x128xf32>
    %swap3A_58 = arith.constant 0 : index
    %swap3A_59 = arith.constant 0 : index
    %swap3A_60 = vector.load %arg10[%swap3A_58, %swap3A_59] : memref<1x128xf32, #tpu.memory_space<vmem>>, vector<1x128xf32>
    tpu.vector_store %arg10[%swap3A_58, %swap3A_59], %add3A_57 {strides = array<i32>} : memref<1x128xf32, #tpu.memory_space<vmem>>, vector<1x128xf32>,
    return
  }
  func.func @transform_0(%arg0: i32, %arg1: i32) -> (i32, i32, i32) {
    %c0_i32 = arith.constant 0 : i32
    %c0_i32_0 = arith.constant 0 : i32
    return %arg0, %arg1, %c0_i32 : i32, i32, i32
  }
  func.func @transform_1(%arg0: i32, %arg1: i32) -> (i32, i32, i32) {
    %c0_i32 = arith.constant 0 : i32
    %c0_i32_0 = arith.constant 0 : i32
    return %arg0, %c0_i32, %arg1 : i32, i32, i32
  }
  func.func @transform_2(%arg0: i32, %arg1: i32) -> (i32, i32) {
    %c0_i32 = arith.constant 0 : i32
    %c0_i32_0 = arith.constant 0 : i32
    %c0_i32_1 = arith.constant 0 : i32
    return %c0_i32, %c0_i32_0 : i32, i32
  }
  func.func @transform_3(%arg0: i32, %arg1: i32) -> (i32, i32) {
    %c0_i32 = arith.constant 0 : i32
    %c0_i32_0 = arith.constant 0 : i32
    %c0_i32_1 = arith.constant 0 : i32
    return %c0_i32, %c0_i32_0 : i32, i32
  }
  func.func @transform_4(%arg0: i32, %arg1: i32) -> (i32, i32) {
    %c0_i32 = arith.constant 0 : i32
    %c0_i32_0 = arith.constant 0 : i32
    %c0_i32_1 = arith.constant 0 : i32
    return %c0_i32, %c0_i32_0 : i32, i32
  }
  func.func @transform_5(%arg0: i32, %arg1: i32) -> (i32, i32) {
    %c0_i32 = arith.constant 0 : i32
    %c0_i32_0 = arith.constant 0 : i32
    %c0_i32_1 = arith.constant 0 : i32
    return %c0_i32, %c0_i32_0 : i32, i32
  }
  func.func @transform_6(%arg0: i32, %arg1: i32) -> (i32, i32, i32) {
    %c0_i32 = arith.constant 0 : i32
    %c0_i32_0 = arith.constant 0 : i32
    return %arg0, %arg1, %c0_i32 : i32, i32, i32
  }
  func.func @transform_7(%arg0: i32, %arg1: i32) -> (i32, i32) {
    %c0_i32 = arith.constant 0 : i32
    %c0_i32_0 = arith.constant 0 : i32
    %c0_i32_1 = arith.constant 0 : i32
    return %c0_i32, %c0_i32_0 : i32, i32
  }
  func.func @transform_8(%arg0: i32, %arg1: i32) -> (i32, i32) {
    %c0_i32 = arith.constant 0 : i32
    %c0_i32_0 = arith.constant 0 : i32
    %c0_i32_1 = arith.constant 0 : i32
    return %c0_i32, %c0_i32_0 : i32, i32
  }
}

module attributes {stable_mosaic.version = 14 : i64} {
  func.func @_bn3_body(%arg0: i32, %arg1: memref<1x8192x128xf32, #tpu.memory_space<vmem>>, %arg2: memref<1x128xf32, #tpu.memory_space<vmem>>, %arg3: memref<1x128xf32, #tpu.memory_space<vmem>>, %arg4: memref<1x128x8192xf32, #tpu.memory_space<vmem>>) attributes {dimension_semantics = [#tpu.dimension_semantics<arbitrary>], iteration_bounds = array<i64: 2>, scalar_prefetch = 0 : i64, scratch_operands = 0 : i64, tpu.core_type = #tpu.core_type<tc>, window_params = [{transform_indices = @transform_0, window_bounds = array<i64: 1, 8192, 128>}, {pipeline_mode = #tpu.pipeline_mode<synchronous>, transform_indices = @transform_1, window_bounds = array<i64: 1, 128>}, {pipeline_mode = #tpu.pipeline_mode<synchronous>, transform_indices = @transform_2, window_bounds = array<i64: 1, 128>}, {transform_indices = @transform_3, window_bounds = array<i64: 1, 128, 8192>}]} {
    %get3A = arith.constant 0 : index
    %get3A_0 = arith.constant 0 : index
    %get3A_1 = arith.constant 0 : index
    %get3A_2 = vector.load %arg1[%get3A, %get3A_0, %get3A_1] : memref<1x8192x128xf32, #tpu.memory_space<vmem>>, vector<1x8192x128xf32>
    %get3A_3 = vector.shape_cast %get3A_2 : vector<1x8192x128xf32> to vector<8192x128xf32>
    %get3A_4 = arith.constant 0 : index
    %get3A_5 = arith.constant 0 : index
    %get3A_6 = vector.load %arg2[%get3A_4, %get3A_5] : memref<1x128xf32, #tpu.memory_space<vmem>>, vector<1x128xf32>
    %mul3A = vector.broadcast %get3A_6 : vector<1x128xf32> to vector<8192x128xf32>
    %mul3A_7 = arith.mulf %get3A_3, %mul3A : vector<8192x128xf32>
    %get3A_8 = arith.constant 0 : index
    %get3A_9 = arith.constant 0 : index
    %get3A_10 = vector.load %arg3[%get3A_8, %get3A_9] : memref<1x128xf32, #tpu.memory_space<vmem>>, vector<1x128xf32>
    %add3A = vector.broadcast %get3A_10 : vector<1x128xf32> to vector<8192x128xf32>
    %add3A_11 = arith.addf %mul3A_7, %add3A : vector<8192x128xf32>
    %max3A = arith.constant 0.000000e+00 : f32
    %max3A_12 = vector.broadcast %max3A : f32 to vector<8192x128xf32>
    %max3A_13 = arith.maximumf %add3A_11, %max3A_12 : vector<8192x128xf32>
    %transpose3A = tpu.transpose %max3A_13, [1, 0] : vector<8192x128xf32> -> vector<128x8192xf32>
    %swap3A = arith.constant 0 : index
    %swap3A_14 = arith.constant 0 : index
    %swap3A_15 = arith.constant 0 : index
    %swap3A_16 = vector.load %arg4[%swap3A, %swap3A_14, %swap3A_15] : memref<1x128x8192xf32, #tpu.memory_space<vmem>>, vector<1x128x8192xf32>
    %swap3A_17 = vector.shape_cast %swap3A_16 : vector<1x128x8192xf32> to vector<128x8192xf32>
    %swap3A_18 = vector.shape_cast %transpose3A : vector<128x8192xf32> to vector<1x128x8192xf32>
    tpu.vector_store %arg4[%swap3A, %swap3A_14, %swap3A_15], %swap3A_18 {strides = array<i32>} : memref<1x128x8192xf32, #tpu.memory_space<vmem>>, vector<1x128x8192xf32>,
    return
  }
  func.func @transform_0(%arg0: i32) -> (i32, i32, i32) {
    %c0_i32 = arith.constant 0 : i32
    %c0_i32_0 = arith.constant 0 : i32
    %c0_i32_1 = arith.constant 0 : i32
    return %arg0, %c0_i32, %c0_i32_0 : i32, i32, i32
  }
  func.func @transform_1(%arg0: i32) -> (i32, i32) {
    %c0_i32 = arith.constant 0 : i32
    %c0_i32_0 = arith.constant 0 : i32
    %c0_i32_1 = arith.constant 0 : i32
    return %c0_i32, %c0_i32_0 : i32, i32
  }
  func.func @transform_2(%arg0: i32) -> (i32, i32) {
    %c0_i32 = arith.constant 0 : i32
    %c0_i32_0 = arith.constant 0 : i32
    %c0_i32_1 = arith.constant 0 : i32
    return %c0_i32, %c0_i32_0 : i32, i32
  }
  func.func @transform_3(%arg0: i32) -> (i32, i32, i32) {
    %c0_i32 = arith.constant 0 : i32
    %c0_i32_0 = arith.constant 0 : i32
    %c0_i32_1 = arith.constant 0 : i32
    return %arg0, %c0_i32, %c0_i32_0 : i32, i32, i32
  }
}

</mosaic_0001>

<sc_bundles>
// kernel: kernel.15.cloned.1.call-start
scs
__scs_entry_jumppad:
0x0: {  	(pc) =	sbr.rel $0x88, $3  }
0x1: {  	(tag) =	ssettag $0x0;
	lr =	simm.s32 $0x1  }
0x2: {  	[smem:$0x3F94] =	sst lr;
	_ =	strace $0xD0000000  }
0x3: {  	_ = 	snop  }
0x4: {  	_ = 	snop  }
0x5: {  	_ = 	snop  }
0x6: {  	_ = 	snop  }
0x7: {  	_ = 	snop  }
__scs_overlays_trampoline_lowered:
0x8: {  	[smem:$0x3FA3] =	sst s0  }
0x9: {  	[smem:$0x3FA4] =	sst s1  }
0xa: {  	[smem:$0x3FA5] =	sst s2  }
0xb: {  	[smem:$0x3FA6] =	sst s3  }
0xc: {  	[smem:$0x3FA7] =	sst s4  }
0xd: {  	[smem:$0x3FA8] =	sst s5  }
0xe: {  	[smem:$0x3FA9] =	sst s6  }
0xf: {  	[smem:$0x3FAA] =	sst s7  }
0x10: {  	[smem:$0x3FAB] =	sst s8  }
0x11: {  	[smem:$0x3FAC] =	sst s9;
	s0 =	simm.s32 @!p0 $0x0  }
0x12: {  	s1 =	sld [smem:$0x3F92];
	s0 =	simm.s32 @p0 $0x1  }
0x13: {  	[smem:$0x3FAD] =	sst s0;
	s0 =	simm.s32 @!p1 $0x0  }
0x14: {  	s2 =	sld [smem:$0x3F91];
	s0 =	simm.s32 @p1 $0x1  }
0x15: {  	[smem:$0x3FAE] =	sst s0;
	s0 =	simm.s32 @!p2 $0x0  }
0x16: {  	s3 =	sld [smem:$0x3FDB];
	s0 =	simm.s32 @p2 $0x1  }
0x17: {  	s4 =	simm.s32 $0x1BF5;
	[smem:$0x3FB0] =	sst s0  }
0x18: {  	s0 =	sld [smem:$0x3F93];
	_ =	swait.ge [sflag:s4], $0x0  }
0x19: {  	s7 =	sld [smem:$0x3F94]  }
0x1a: {  	s8 =	sadd.s32 $0xFFFFE003, lr  }
0x1b: {  	s9 =	sadd.s32 $0xFFFFFEF7, lr;
	s5 =	simm.s32 $0xFFFFFFFF;
	p2 =	slt.u32 s8, $0xFFFFF086  }
0x1c: {  	p1 =	slt.u32 s9, $0xF7A;
	s5 =	simm.s32 @!p2 $0x0  }
0x1d: {  	s5 =	simm.s32 @p1 $0x1;
	p0 =	seq.s32 s7, s2  }
0x1e: {  	s7 =	smul.u32 @!p0 $0xF7A, s2;
	p2 =	seq.s32 @!p0 s5, $0x0  }
0x1f: {  	s9 =	smul.u32 $0xF7A, s1;
	s8 =	simm.s32 @!p0 $0x1BF5;
	p2 =	por !p2, p0  }
0x20: {  	[sflag:s8] =	ssyncset.s32 @!p0 $0xFFFFF086;
	s6 =	sadd.s32 @!p0 s3, s7;
	s7 =	simm.s32 @!p0 $0x108  }
0x21: {  	s3 =	sadd.s32 s3, s9;
	s6 =	sadd.s32 @!p0 $0x88, s6;
	s7 =	simm.s32 @p2 $0x1082  }
0x22: {  	[simem:s7], [sflag:s8] =	dma.local @!p0 [hbm:s6], $0xF7A  }
0x23: {  	s9 =	sor.u32 $0xD0000000, s2;
	s6 =	simm.s32 $0x108;
	_ =	swait.ge @!p0 [sflag:s8], $0x0  }
0x24: {  	s3 =	sadd.s32 $0x88, s3;
	s6 =	simm.s32 @!p1 $0x1082;
	[sflag:s4] =	ssyncset.s32 $0xFFFFF086  }
0x25: {  	[simem:s6], [sflag:s4] =	dma.local [hbm:s3], $0xF7A  }
0x26: {  	[smem:$0x3F94] =	sst s1;
	(tag) =	ssettag s2;
	_ =	strace s9  }
0x27: {  	s1 =	sld [smem:$0x3FA4]  }
0x28: {  	s2 =	sld [smem:$0x3FA5]  }
0x29: {  	s4 =	sld [smem:$0x3FA7]  }
0x2a: {  	p0 =	seq.s32 s5, $0x0;
	s5 =	sld [smem:$0x3FA8]  }
0x2b: {  	s6 =	sld [smem:$0x3FA9]  }
0x2c: {  	s7 =	sld [smem:$0x3FAA]  }
0x2d: {  	s3 =	simm.s32 $0x108;
	s8 =	sld [smem:$0x3FAB]  }
0x2e: {  	s3 =	simm.s32 @!p0 $0x1082;
	s9 =	sld [smem:$0x3FAC]  }
0x2f: {  	lr =	sadd.s32 s0, s3;
	s0 =	sld [smem:$0x3FA3]  }
0x30: {  	s3 =	sld [smem:$0x3FA6]  }
0x31: {  	[smem:$0x3FAF] =	sst s10  }
0x32: {  	s10 =	sld [smem:$0x3FAD];
	_ =	sdelay $0x3  }
0x33: {  	p0 =	seq.s32 s10, $0x1;
	s10 =	sld [smem:$0x3FAF];
	_ =	sdelay $0x3  }
0x34: {  	[smem:$0x3FAF] =	sst s10  }
0x35: {  	s10 =	sld [smem:$0x3FAE];
	_ =	sdelay $0x3  }
0x36: {  	p1 =	seq.s32 s10, $0x1;
	s10 =	sld [smem:$0x3FAF];
	_ =	sdelay $0x3  }
0x37: {  	[smem:$0x3FAF] =	sst s10  }
0x38: {  	s10 =	sld [smem:$0x3FB0]  }
0x39: {  	_ = 	snop;
	(pc) =	sbr.ind lr, $3  }
0x3a: {  	_ = 	snop  }
0x3b: {  	_ = 	snop  }
0x3c: {  	p2 =	seq.s32 s10, $0x1;
	s10 =	sld [smem:$0x3FAF]  }
0x3d: {  	_ =	shalt  }
0x3e: {  	_ =	shalt  }
0x3f: {  	_ =	shalt  }
0x40: {  	_ =	shalt  }
0x41: {  	_ =	shalt  }
0x42: {  	_ =	shalt  }
0x43: {  	_ =	shalt  }
0x44: {  	_ =	shalt  }
0x45: {  	_ =	shalt  }
0x46: {  	_ =	shalt  }
0x47: {  	_ =	shalt  }
0x48: {  	_ =	shalt  }
0x49: {  	_ =	shalt  }
0x4a: {  	_ =	shalt  }
0x4b: {  	_ =	shalt  }
0x4c: {  	_ =	shalt  }
0x4d: {  	_ =	shalt  }
0x4e: {  	_ =	shalt  }
0x4f: {  	_ =	shalt  }
0x50: {  	_ =	shalt  }
0x51: {  	_ =	shalt  }
0x52: {  	_ =	shalt  }
0x53: {  	_ =	shalt  }
0x54: {  	_ =	shalt  }
0x55: {  	_ =	shalt  }
0x56: {  	_ =	shalt  }
0x57: {  	_ =	shalt  }
0x58: {  	_ =	shalt  }
0x59: {  	_ =	shalt  }
0x5a: {  	_ =	shalt  }
0x5b: {  	_ =	shalt  }
0x5c: {  	_ =	shalt  }
0x5d: {  	_ =	shalt  }
0x5e: {  	_ =	shalt  }
0x5f: {  	_ =	shalt  }
0x60: {  	_ =	shalt  }
0x61: {  	_ =	shalt  }
0x62: {  	_ =	shalt  }
0x63: {  	_ =	shalt  }
0x64: {  	_ =	shalt  }
0x65: {  	_ =	shalt  }
0x66: {  	_ =	shalt  }
0x67: {  	_ =	shalt  }
0x68: {  	_ =	shalt  }
0x69: {  	_ =	shalt  }
0x6a: {  	_ =	shalt  }
0x6b: {  	_ =	shalt  }
0x6c: {  	_ =	shalt  }
0x6d: {  	_ =	shalt  }
0x6e: {  	_ =	shalt  }
0x6f: {  	_ =	shalt  }
0x70: {  	_ =	shalt  }
0x71: {  	_ =	shalt  }
0x72: {  	_ =	shalt  }
0x73: {  	_ =	shalt  }
0x74: {  	_ =	shalt  }
0x75: {  	_ =	shalt  }
0x76: {  	_ =	shalt  }
0x77: {  	_ =	shalt  }
0x78: {  	_ =	shalt  }
0x79: {  	_ =	shalt  }
0x7a: {  	_ =	shalt  }
0x7b: {  	_ =	shalt  }
0x7c: {  	_ =	shalt  }
0x7d: {  	_ =	shalt  }
0x7e: {  	_ =	shalt  }
0x7f: {  	_ =	shalt  }
0x80: {  	_ =	shalt  }
0x81: {  	_ =	shalt  }
0x82: {  	_ =	shalt  }
0x83: {  	_ =	shalt  }
0x84: {  	_ =	shalt  }
0x85: {  	_ =	shalt  }
0x86: {  	_ =	shalt  }
0x87: {  	_ =	shalt  }
.Lfunc_end0:
.L_simem_size_0:
called_computation_lowered:
.L_overlay_start_0:
0x88: {  	s2 =	sld [smem:$0x3FD9]  }
0x89: {  	s3 =	sld [smem:$0x3FFE];
	_ =	sdelay $0x1  }
0x8a: {  	s1 =	srdreg.scid  }
0x8b: {  	s0 =	sand.u32 $0x1, s1  }
0x8c: {  	s17 =	sshll.u32 s0, $0xA;
	s2 =	sadd.s32 s3, s2  }
0x8d: {  	s2 =	sadd.s32 s2, s17  }
0x8e: {  	[smem:$0x3FBB] =	sst s2  }
0x8f: {  	_ = 	snop  }
0x90: {  	s18 =	sld [smem:$0x3FD0];
	(tm) =	ssettm $0x1  }
0x91: {  	s19 =	sld [smem:$0x3FFB];
	_ =	sdelay $0x3  }
0x92: {  	_ =	strace s19  }
0x93: {  	s2 =	sld [smem:$0x3FFC];
	_ =	sdelay $0x3  }
0x94: {  	_ =	strace s2  }
0x95: {  	s2 =	sld [smem:$0x3FFD];
	_ =	sdelay $0x3  }
0x96: {  	_ =	strace s2  }
0x97: {  	_ =	strace $0x8FFFFFFF  }
0x98: {  	s20 =	sld [smem:$0x3FDB];
	_ =	sdelay $0x1  }
0x99: {  	s4 =	simm.s32 $_scs_section_size  }
0x9a: {  	s5 =	simm.s32 $_size__tile_overlayer_lowered;
	s6 =	simm.s32 $_tile_overlayer_lowered  }
0x9b: {  	s7 =	simm.s32 $0x1BFF;
	s21 =	sshll.u32 s6, $0x1;
	s4 =	sadd.s32 s4, s20  }
0x9c: {  	s22 =	simm.s32 $0x0;
	s5 =	sshll.u32 s5, $0x1;
	s6 =	sadd.s32 s21, s4  }
0x9d: {  	[timem:s22], [sflag:s7] =	dma.local [hbm:s6], s5  }
0x9e: {  	_ =	swait.ge [sflag:s7], s5  }
0x9f: {  	s5 =	ssub.s32 $0x0, s5;
	[sflag:s7] =	ssyncset.done $0x0  }
0xa0: {  	[sflag:s7] =	ssyncadd.s32 s5;
	_ =	sdelay $0x1  }
0xa1: {  	s23 =	simm.s32 $0x1B8B  }
0xa2: {  	_ =	swait.ge [sflag:s23], $0x1  }
0xa3: {  	[sflag:s23] =	ssyncset.done $0x0  }
0xa4: {  	[sflag:s23] =	ssyncadd.s32 $0xFFFFFFFF  }
0xa5: {  	s5 =	sld [smem:$0x0]  }
0xa6: {  	s6 =	sand.u32 $0xFFFFFFFE, s1  }
0xa7: {  	p0 =	sne.s32 s1, s6  }
0xa8: {  	s6 =	sshll.u32 @p0 s6, $0xE  }
0xa9: {  	s6 =	sadd.s32 @p0 $0x11B8D, s6;
	s7 =	sshll.u32 @p0 s5, $0x11  }
0xaa: {  	s6 =	sor.u32 @p0 s7, s6  }
0xab: {  	[sflag:s6] =	ssyncadd.remote.s32 @p0 $0x1;
	_ =	sdelay $0x1  }
0xac: {  	s6 =	simm.s32 @p0 $0x1B8D  }
0xad: {  	_ =	swait.eq @p0 [sflag:s6], $0x1  }
0xae: {  	[sflag:s6] =	ssyncadd.s32 @p0 $0xFFFFFFFF  }
0xaf: {  	s7 =	sshll.u32 @!p0 s1, $0xE  }
0xb0: {  	s7 =	sor.u32 @!p0 $0x4000, s7;
	s6 =	simm.s32 @!p0 $0x1B8D  }
0xb1: {  	s5 =	sshll.u32 @!p0 s5, $0x11;
	s7 =	sadd.s32 @!p0 $0x11B8D, s7;
	_ =	swait.eq @!p0 [sflag:s6], $0x1  }
0xb2: {  	s5 =	sor.u32 @!p0 s5, s7;
	[sflag:s6] =	ssyncadd.s32 @!p0 $0xFFFFFFFF  }
0xb3: {  	s25 =	simm.s32 $0x1B8E;
	s24 =	sld [smem:$0x3FFE];
	[sflag:s5] =	ssyncadd.remote.s32 @!p0 $0x1  }
0xb4: {  	s26 =	simm.s32 $execute0_lowered;
	[smem:$0x3FD2] =	sst s25  }
0xb5: {  	s6 =	sshll.u32 s26, $0x1;
	_ =	strace $0x80000050;
	[dreg:$0x1] =	wrdreg $0xFFFFFFFF  }
0xb6: {  	s28 =	simm.s32 $_size_execute0_lowered;
	s4 =	sadd.s32 s4, s6;
	[dreg:$0x0] =	wrdreg $0x0  }
0xb7: {  	s6 =	sshll.u32 s28, $0x1;
	[dreg:$0x2] =	wrdreg s4  }
0xb8: {  	[dreg:$0x3] =	wrdreg s6  }
0xb9: {  	[dreg:$0x4] =	wrdreg $0xC0  }
0xba: {  	_ =	task [dreg:s22], $0x5FFFF  }
0xbb: {  	[dreg:$0x1] =	wrdreg $0xFFFFFFFF  }
0xbc: {  	[dreg:$0x0] =	wrdreg $0x60  }
0xbd: {  	[dreg:$0x2] =	wrdreg s18  }
0xbe: {  	[dreg:$0x3] =	wrdreg s24  }
0xbf: {  	[dreg:$0x4] =	wrdreg $0x9  }
0xc0: {  	_ =	task.clear_ibuf [dreg:s22], $0x5FFFF;
	_ =	strace $0x90000050  }
0xc1: {  	s29 =	simm.s32 $0x9;
	_ =	strace $0x80000059  }
0xc2: {  	_ =	swait.ge [sflag:s29], $0x1  }
0xc3: {  	[sflag:s29] =	ssyncadd.s32 $0xFFFFFFFF  }
0xc4: {  	_ =	strace $0x90000059  }
0xc5: {  	_ =	sfence  }
0xc6: {  	s30 =	sld [smem:$0x0];
	_ =	sdelay $0x2  }
0xc7: {  	s31 =	sshll.u32 s1, $0xD;
	s1 =	sshrl.u32 s1, $0x2  }
0xc8: {  	s4 =	sand.u32 $0x4000, s31;
	s1 =	sadd.s32 s1, s30  }
0xc9: {  	s0 =	sor.u32 s4, s0;
	s1 =	sshll.u32 s1, $0x11  }
0xca: {  	s0 =	sor.u32 s1, s0  }
0xcb: {  	s0 =	sadd.s32 $0x8F2B, s0  }
0xcc: {  	[sflag:s0] =	ssyncadd.remote.s32 $0x1  }
0xcd: {  	_ =	sfence.sel $0xFFFF  }
0xce: {  	[dreg:$0x0] =	wrdreg $0xFFFFFFFF;
	(pc) =	sbr.abs _section_cstart, $3  }
0xcf: {  	[dreg:$0x1] =	wrdreg $0xFFFFFFFF  }
0xd0: {  	_ =	task.clear_ibuf [dreg:s22], $0x2FFFF;
	_ =	strace $0x9FFFFFFF  }
0xd1: {  	(tm) =	ssettm $0x7FFFFFFF  }
tec
execute0_lowered:
.L_overlay_start_1:
0x0: {  	(tag) =	ssettag $0x1  }
0x1: {  	s0 =	rddreg [dreg:$0x0]  }
0x2: {  	s4 =	rddreg [dreg:$0x1]  }
0x3: {  	s1 =	simm.s32 $0x0;
	[dreg:$0x3] =	wrdreg s0  }
0x4: {  	s2 =	srdreg.scid;
	s8 =	simm.s32 $0x80;
	s0 =	rddreg [dreg:$0x2]  }
0x5: {  	s9 =	simm.s32 $0x4;
	s10 =	simm.s32 $0x0;
	[smem:$0x7FF] =	sst s1  }
0x6: {  	s3 =	sadd.s32 $0x28A000, s4;
	s5 =	sand.u32 $0x1, s2;
	s4 =	sadd.s32 $0x28E000, s4  }
0x7: {  	s2 =	stileid.u32;
	_ =	strace $0x80000051;
	[dreg:$0x5] =	wrdreg s4  }
0x8: {  	s6 =	ssub.s32 $0x2, s5;
	s5 =	sshll.u32 s5, $0x4;
	[dreg:$0x4] =	wrdreg s8  }
0x9: {  	s8 =	simm.s32 $0x5;
	s7 =	sshrl.u32 s6, $0x1;
	s5 =	sor.u32 s2, s5  }
0xa: {  	s6 =	ssub.s32 s6, s7;
	s31 =	sshll.u32 s5, $0x9;
	s4 =	sshll.u32 s5, $0x5  }
0xb: {  	s7 =	simm.s32 $0x1;
	s5 =	sadd.s32 s3, s31;
	s6 =	smax.u32 s6, $0x1  }
.LBB2_1:
0xc: {  	_ =	strace $0x80000052;
	s11 =	simm.s32 $0x1;
	p0 =	por $0x0, $0x0  }
0xd: {  	[tilespmem:s1], [sflag:$0x1] =	stream.linear.gather [hbm4b:s5+s1], $0x80, $0x200038;
	[tilespmem:$0x8100] =	vst v63  }
0xe: {  	s11 =	simm.s32 @p0 $0x0  }
0xf: {  	p4 =	por $0x1, $0x1;
	s20 =	sand.u32 $0x1, s1;
	p1 =	sne.s32 s11, $0x0  }
0x10: {  	p2 =	por $0x1, $0x1;
	s18 =	simm.s32 $0x1E;
	p0 =	por !p4, !p1  }
0x11: {  	s16 =	simm.s32 $0x0;
	p5 =	por $0x0, $0x0;
	p0 =	por !p0, !p0  }
0x12: {  	s23 =	sadd.s32 $0x0, s4;
	s30 =	sadd.s32 $0x1, s20;
	s12 =	sadd.s32 @p0 s4, s11  }
0x13: {  	_ =	strace $0x90000052;
	s13 =	sand.u32 @p0 $0x1, s7;
	s12 =	sshll.u32 @p0 s12, $0x4  }
0x14: {  	_ =	strace @p0 $0x80000053;
	s15 =	simm.s32 @p0 $0x0;
	s12 =	sand.u32 @p0 $0x1FFFFFF0, s12  }
0x15: {  	s14 =	sshll.u32 @p0 s13, $0x7;
	s13 =	sadd.s32 @p0 $0x1, s13;
	s12 =	sadd.s32 @p0 s3, s12  }
0x16: {  	[tilespmem:s14], [sflag:s13] =	stream.linear.gather @p0 [hbm4b:s12+s15], $0x80, $0x200038;
	[tilespmem:$0x8100] =	vst v63  }
0x17: {  	p3 =	por p2, p2;
	s21 =	sshll.u32 s20, $0xE;
	_ =	strace @p0 $0x90000053  }
0x18: {  	s16 =	sand.u32 $0x80, s16;
	p2 =	por p5, p5;
	_ =	strace $0x80000054  }
0x19: {  	s17 =	sadd.s32 $0x1, s11;
	s22 =	sor.u32 $0x100, s21;
	_ =	swait.ge [sflag:s30], $0x80  }
0x1a: {  	s21 =	simm.s32 $0x1;
	p6 =	por p1, p1;
	[sflag:s30] =	ssyncset.done $0x0  }
0x1b: {  	p1 =	por p3, p3;
	p4 =	por $0x1, $0x1;
	[sflag:s30] =	ssyncadd.s32 $0xFFFFFF80  }
0x1c: {  	s12 =	simm.s32 $0x1F;
	s15 =	sand.u32 @!p3 $0x1, s1;
	_ =	strace $0x90000054  }
0x1d: {  	s13 =	simm.s32 $0x1;
	p3 =	seq.s32 s17, $0x20;
	_ =	strace $0x80000055  }
0x1e: {  	s13 =	simm.s32 @!p0 $0x0;
	s17 =	simm.s32 @p3 $0x0;
	s19 =	rddreg [dreg:$0x4]  }
0x1f: {  	p0 =	por $0x0, $0x0;
	s14 =	sadd.s32 $0x1, s13;
	s31 =	rddreg [dreg:$0x3]  }
0x20: {  	[tilespmem:s22], [sflag:$0x5] =	stream.indirect.gather [hbm4b:s31+s19], $0x80, s16, s19, $0x2000b8;
	[tilespmem:$0x8100] =	vst v63  }
0x21: {  	p3 =	sne.s32 s11, s17;
	s21 =	simm.s32 @!p0 $0x0;
	_ =	swait.ge [sflag:s8], $0x4000  }
0x22: {  	p5 =	por !p4, !p3;
	p4 =	por $0x0, $0x0;
	[sflag:s8] =	ssyncset.done $0x0  }
0x23: {  	s13 =	simm.s32 $0x0;
	p6 =	por p4, p6;
	[sflag:s8] =	ssyncadd.s32 $0xFFFFC000  }
0x24: {  	s16 =	simm.s32 $0x0;
	s19 =	simm.s32 $0x0;
	_ =	strace $0x90000055  }
.LBB2_2:
0x25: {  	_ =	strace @p6 $0x80000056;
	s13 =	sadd.s32 s21, s13;
	s21 =	smov.u32 s12  }
0x26: {  	s12 =	smov.u32 s18;
	s18 =	sadd.s32 $0xFFFFFFFF, s18;
	p0 =	por p3, p3  }
0x27: {  	s28 =	sshll.u32 @p6 s23, $0xB;
	s20 =	sadd.s32 @p6 $0x3, s20;
	s24 =	simm.s32 @!p0 $0x0  }
0x28: {  	s25 =	rddreg [dreg:$0x5];
	s28 =	sand.u32 @p6 $0x1FFFF800, s28;
	s24 =	simm.s32 @p0 $0x1  }
0x29: {  	s25 =	sadd.s32 @p6 s25, s28;
	s28 =	simm.s32 @p6 $0x0;
	p0 =	sne.s32 s18, $0x0  }
0x2a: {  	[hbm4b:s25+s28] =	stream.linear.scatter @p6 [tilespmem:s22], [sflag:s20], $0x4000, $0x200038;
	[tilespmem:$0x8100] =	vst v63  }
0x2b: {  	s20 =	sadd.s32 @!p1 $0x3, s15;
	s15 =	simm.s32 @!p0 $0x0  }
0x2c: {  	s26 =	simm.s32 $0x1;
	[smem:$0x7FC] =	sst s24;
	s15 =	simm.s32 @p0 $0x1  }
0x2d: {  	s26 =	simm.s32 @!p6 $0x0;
	_ =	strace @p6 $0x90000056;
	[smem:$0x7FD] =	sst s15  }
0x2e: {  	p5 =	por !p5, !p5;
	s19 =	sadd.s32 s26, s19;
	_ =	strace @!p1 $0x80000057  }
0x2f: {  	s24 =	sand.u32 @!p2 $0x1, s13;
	s22 =	sand.u32 @p5 $0x1, s14;
	_ =	swait.ge @!p1 [sflag:s20], $0x4000  }
0x30: {  	s15 =	smov.u32 s24;
	s24 =	sadd.s32 @p5 s4, s17;
	[sflag:s20] =	ssyncset.done @!p1 $0x0  }
0x31: {  	s25 =	sshll.u32 @p5 s22, $0x7;
	s24 =	sshll.u32 @p5 s24, $0x4;
	[sflag:s20] =	ssyncadd.s32 @!p1 $0xFFFFC000  }
0x32: {  	s20 =	sadd.s32 @p5 $0x1, s22;
	s22 =	sand.u32 @p5 $0x1FFFFFF0, s24;
	_ =	strace @!p1 $0x90000057  }
0x33: {  	s24 =	simm.s32 @p5 $0x0;
	s22 =	sadd.s32 @p5 s3, s22;
	_ =	strace @p5 $0x80000053  }
0x34: {  	[tilespmem:s25], [sflag:s20] =	stream.linear.gather @p5 [hbm4b:s22+s24], $0x80, $0x200038;
	[tilespmem:$0x8100] =	vst v63  }
0x35: {  	s16 =	sadd.s32 s26, s16;
	s26 =	sand.u32 $0x1, s19;
	_ =	strace @p5 $0x90000053  }
0x36: {  	s24 =	sadd.s32 $0x1, s26;
	_ =	strace $0x80000054  }
0x37: {  	_ =	swait.ge [sflag:s24], $0x80  }
0x38: {  	[sflag:s24] =	ssyncset.done $0x0  }
0x39: {  	s20 =	simm.s32 $0x1;
	[sflag:s24] =	ssyncadd.s32 $0xFFFFFF80  }
0x3a: {  	s20 =	simm.s32 @!p5 $0x0;
	_ =	strace $0x90000054  }
0x3b: {  	s14 =	sadd.s32 s20, s14;
	s20 =	sand.u32 $0x1, s16;
	_ =	strace $0x80000055  }
0x3c: {  	s29 =	sshll.u32 s19, $0x7;
	s25 =	sshll.u32 s20, $0xE;
	s26 =	rddreg [dreg:$0x4]  }
0x3d: {  	s29 =	sand.u32 $0x80, s29;
	s22 =	sor.u32 $0x100, s25;
	s30 =	rddreg [dreg:$0x3]  }
0x3e: {  	[tilespmem:s22], [sflag:$0x5] =	stream.indirect.gather [hbm4b:s30+s26], $0x80, s29, s26, $0x2000b8;
	[tilespmem:$0x8100] =	vst v63  }
0x3f: {  	_ =	swait.ge [sflag:s8], $0x4000  }
0x40: {  	s31 =	sadd.s32 $0x1, s17;
	[sflag:s8] =	ssyncset.done $0x0  }
0x41: {  	s23 =	sadd.s32 s4, s11;
	s11 =	smov.u32 s17;
	[sflag:s8] =	ssyncadd.s32 $0xFFFFC000  }
0x42: {  	p3 =	seq.s32 s31, $0x20;
	s17 =	smov.u32 s31;
	_ =	strace $0x90000055  }
0x43: {  	s17 =	simm.s32 @p3 $0x0;
	s31 =	sld [smem:$0x7FD]  }
0x44: {  	p6 =	sne.s32 s12, $0x1;
	p0 =	sne.s32 s21, $0x20;
	p3 =	sne.s32 s11, s17  }
0x45: {  	p5 =	por !p6, !p3;
	p6 =	seq.s32 s21, $0x1;
	s21 =	simm.s32 $0x1  }
0x46: {  	s21 =	simm.s32 @!p0 $0x0;
	p0 =	seq.s32 s31, $0x1  }
.Ltmp0:
0x47: {  	s30 =	sld [smem:$0x7FC];
	(pc) =	sbr.rel @p0 .LBB2_2-.Ltmp0, $4  }
0x48: {  	_ = 	snop  }
0x49: {  	p4 =	seq.s32 s12, $0x20  }
0x4a: {  	p1 =	por p2, p2;
	p2 =	por p4, p4;
	p4 =	seq.s32 s30, $0x1  }
0x4b: {  	p6 =	por p6, p4  }
0x4c: {  	_ =	strace @p6 $0x80000056;
	s23 =	sshll.u32 @p6 s23, $0xB  }
0x4d: {  	s18 =	rddreg [dreg:$0x5];
	s23 =	sand.u32 @p6 $0x1FFFF800, s23  }
0x4e: {  	s20 =	sadd.s32 @p6 $0x3, s20;
	s18 =	sadd.s32 @p6 s18, s23;
	s23 =	simm.s32 @p6 $0x0  }
0x4f: {  	[hbm4b:s18+s23] =	stream.linear.scatter @p6 [tilespmem:s22], [sflag:s20], $0x4000, $0x200038;
	[tilespmem:$0x8100] =	vst v63  }
0x50: {  	p0 =	por !p5, !p5;
	_ =	strace @p6 $0x90000056  }
0x51: {  	s15 =	sadd.s32 @!p1 $0x3, s15;
	s17 =	sadd.s32 @p0 s4, s17;
	_ =	strace @!p1 $0x80000057  }
0x52: {  	s14 =	sand.u32 @p0 $0x1, s14;
	s17 =	sshll.u32 @p0 s17, $0x4;
	_ =	swait.ge @!p1 [sflag:s15], $0x4000  }
0x53: {  	s18 =	simm.s32 $0x1;
	s20 =	sshll.u32 @p0 s14, $0x7;
	[sflag:s15] =	ssyncset.done @!p1 $0x0  }
0x54: {  	s14 =	sadd.s32 @p0 $0x1, s14;
	s18 =	simm.s32 @!p6 $0x0;
	[sflag:s15] =	ssyncadd.s32 @!p1 $0xFFFFC000  }
0x55: {  	s19 =	sadd.s32 s18, s19;
	s15 =	sand.u32 @p0 $0x1FFFFFF0, s17;
	_ =	strace @!p1 $0x90000057  }
0x56: {  	s17 =	simm.s32 @p0 $0x0;
	s15 =	sadd.s32 @p0 s3, s15;
	_ =	strace @p0 $0x80000053  }
0x57: {  	[tilespmem:s20], [sflag:s14] =	stream.linear.gather @p0 [hbm4b:s15+s17], $0x80, $0x200038;
	[tilespmem:$0x8100] =	vst v63  }
0x58: {  	s25 =	sand.u32 $0x1, s19;
	_ =	strace @p0 $0x90000053  }
0x59: {  	s14 =	sadd.s32 $0x1, s25;
	_ =	strace $0x80000054  }
0x5a: {  	_ =	swait.ge [sflag:s14], $0x80  }
0x5b: {  	[sflag:s14] =	ssyncset.done $0x0  }
0x5c: {  	[sflag:s14] =	ssyncadd.s32 $0xFFFFFF80  }
0x5d: {  	s26 =	sadd.s32 s18, s16;
	_ =	strace $0x90000054  }
0x5e: {  	s14 =	sand.u32 $0x1, s26;
	_ =	strace $0x80000055  }
0x5f: {  	s30 =	sshll.u32 s19, $0x7;
	s31 =	sshll.u32 s14, $0xE;
	s28 =	rddreg [dreg:$0x4]  }
0x60: {  	s17 =	sand.u32 $0x80, s30;
	s18 =	sor.u32 $0x100, s31;
	s29 =	rddreg [dreg:$0x3]  }
0x61: {  	[tilespmem:s18], [sflag:$0x5] =	stream.indirect.gather [hbm4b:s29+s28], $0x80, s17, s28, $0x2000b8;
	[tilespmem:$0x8100] =	vst v63  }
0x62: {  	_ =	swait.ge [sflag:s8], $0x4000  }
0x63: {  	[sflag:s8] =	ssyncset.done $0x0  }
0x64: {  	p5 =	por p3, p3;
	p6 =	seq.s32 s12, $0x1;
	[sflag:s8] =	ssyncadd.s32 $0xFFFFC000  }
0x65: {  	s11 =	sadd.s32 s4, s11;
	p0 =	por p6, p5;
	_ =	strace $0x90000055  }
0x66: {  	s11 =	sshll.u32 @p0 s11, $0xB;
	_ =	strace @p0 $0x80000056  }
0x67: {  	s13 =	sadd.s32 s21, s13;
	s11 =	sand.u32 @p0 $0x1FFFF800, s11;
	s12 =	rddreg [dreg:$0x5]  }
0x68: {  	s14 =	sadd.s32 @p0 $0x3, s14;
	s11 =	sadd.s32 @p0 s12, s11;
	s12 =	simm.s32 @p0 $0x0  }
0x69: {  	[hbm4b:s11+s12] =	stream.linear.scatter @p0 [tilespmem:s18], [sflag:s14], $0x4000, $0x200038;
	[tilespmem:$0x8100] =	vst v63  }
0x6a: {  	p1 =	por p2, p2;
	s11 =	sand.u32 @!p2 $0x1, s13;
	_ =	strace @p0 $0x90000056  }
0x6b: {  	s11 =	sadd.s32 @!p1 $0x3, s11;
	_ =	strace @!p1 $0x80000057  }
0x6c: {  	_ =	swait.ge @!p1 [sflag:s11], $0x4000  }
0x6d: {  	[sflag:s11] =	ssyncset.done @!p1 $0x0  }
0x6e: {  	s10 =	sadd.s32 $0x1, s10;
	[sflag:s11] =	ssyncadd.s32 @!p1 $0xFFFFC000  }
0x6f: {  	p0 =	sne.s32 s10, s6;
	_ =	strace @!p1 $0x90000057  }
.Ltmp1:
0x70: {  	_ =	strace $0x80000058;
	(pc) =	sbr.rel @p0 .LBB2_1-.Ltmp1, $4  }
0x71: {  	_ =	swait.ge [sflag:s9], $0x4000  }
0x72: {  	[sflag:s9] =	ssyncset.done $0x0  }
0x73: {  	[sflag:s9] =	ssyncadd.s32 $0xFFFFC000  }
0x74: {  	_ =	strace $0x90000058  }
0x75: {  	_ =	sfence.sel $0x180000  }
0x76: {  	[bflag:$0x0] =	sbarrier.arrive $0xFFFF  }
0x77: {  	p0 =	sne.s32 s2, $0x0;
	_ =	strace $0x90000051  }
0x78: {  	s0 =	sadd.s32 @!p0 $0x100000, s0;
	[bflag:$0x2] =	sbarrier.arrive $0xFFFF  }
0x79: {  	[sflag:s0] =	ssyncadd.tile.s32 @!p0 $0x1;
	_ =	shalt  }
.Lfunc_end2:
_tile_overlayer_lowered:
.L_overlay_start_2:
0x7a: {  	(tag) =	ssettag $0x2  }
0x7b: {  	s0 =	rddreg [dreg:$0x0];
	s2 =	stileid.u32  }
0x7c: {  	s1 =	rddreg [dreg:$0x1];
	p0 =	sne.s32 s2, $0x0  }
0x7d: {  	s3 =	rddreg [dreg:$0x2];
	[bflag:$0x3] =	sbarrier.arrive $0xFFFF;
	s2 =	simm.s32 @!p0 $0x1C01  }
0x7e: {  	[timem:s3], [sflag:s2] =	dma.local @!p0 [hbm:s0], s1  }
0x7f: {  	s0 =	simm.s32 @!p0 $0x1  }
0x80: {  	_ =	swait.ge @!p0 [sflag:s0], s1  }
0x81: {  	s1 =	ssub.s32 @!p0 $0x0, s1;
	[sflag:s0] =	ssyncset.done @!p0 $0x0  }
0x82: {  	[sflag:s0] =	ssyncadd.s32 @!p0 s1  }
0x83: {  	[bflag:$0x3] =	sbarrier.arrive $0xFFFF  }
0x84: {  	_ =	shalt  }

// kernel: kernel.18.cloned.1.call-start
scs
__scs_entry_jumppad:
0x0: {  	(pc) =	sbr.rel $0x88, $3  }
0x1: {  	(tag) =	ssettag $0x0;
	lr =	simm.s32 $0x1  }
0x2: {  	[smem:$0x3F94] =	sst lr;
	_ =	strace $0xD0000000  }
0x3: {  	_ = 	snop  }
0x4: {  	_ = 	snop  }
0x5: {  	_ = 	snop  }
0x6: {  	_ = 	snop  }
0x7: {  	_ = 	snop  }
__scs_overlays_trampoline_lowered:
0x8: {  	[smem:$0x3FA3] =	sst s0  }
0x9: {  	[smem:$0x3FA4] =	sst s1  }
0xa: {  	[smem:$0x3FA5] =	sst s2  }
0xb: {  	[smem:$0x3FA6] =	sst s3  }
0xc: {  	[smem:$0x3FA7] =	sst s4  }
0xd: {  	[smem:$0x3FA8] =	sst s5  }
0xe: {  	[smem:$0x3FA9] =	sst s6  }
0xf: {  	[smem:$0x3FAA] =	sst s7  }
0x10: {  	[smem:$0x3FAB] =	sst s8  }
0x11: {  	[smem:$0x3FAC] =	sst s9;
	s0 =	simm.s32 @!p0 $0x0  }
0x12: {  	s1 =	sld [smem:$0x3F92];
	s0 =	simm.s32 @p0 $0x1  }
0x13: {  	[smem:$0x3FAD] =	sst s0;
	s0 =	simm.s32 @!p1 $0x0  }
0x14: {  	s2 =	sld [smem:$0x3F91];
	s0 =	simm.s32 @p1 $0x1  }
0x15: {  	[smem:$0x3FAE] =	sst s0;
	s0 =	simm.s32 @!p2 $0x0  }
0x16: {  	s3 =	sld [smem:$0x3FDB];
	s0 =	simm.s32 @p2 $0x1  }
0x17: {  	s4 =	simm.s32 $0x1BF5;
	[smem:$0x3FB0] =	sst s0  }
0x18: {  	s0 =	sld [smem:$0x3F93];
	_ =	swait.ge [sflag:s4], $0x0  }
0x19: {  	s7 =	sld [smem:$0x3F94]  }
0x1a: {  	s8 =	sadd.s32 $0xFFFFE003, lr  }
0x1b: {  	s9 =	sadd.s32 $0xFFFFFEF7, lr;
	s5 =	simm.s32 $0xFFFFFFFF;
	p2 =	slt.u32 s8, $0xFFFFF086  }
0x1c: {  	p1 =	slt.u32 s9, $0xF7A;
	s5 =	simm.s32 @!p2 $0x0  }
0x1d: {  	s5 =	simm.s32 @p1 $0x1;
	p0 =	seq.s32 s7, s2  }
0x1e: {  	s7 =	smul.u32 @!p0 $0xF7A, s2;
	p2 =	seq.s32 @!p0 s5, $0x0  }
0x1f: {  	s9 =	smul.u32 $0xF7A, s1;
	s8 =	simm.s32 @!p0 $0x1BF5;
	p2 =	por !p2, p0  }
0x20: {  	[sflag:s8] =	ssyncset.s32 @!p0 $0xFFFFF086;
	s6 =	sadd.s32 @!p0 s3, s7;
	s7 =	simm.s32 @!p0 $0x108  }
0x21: {  	s3 =	sadd.s32 s3, s9;
	s6 =	sadd.s32 @!p0 $0x88, s6;
	s7 =	simm.s32 @p2 $0x1082  }
0x22: {  	[simem:s7], [sflag:s8] =	dma.local @!p0 [hbm:s6], $0xF7A  }
0x23: {  	s9 =	sor.u32 $0xD0000000, s2;
	s6 =	simm.s32 $0x108;
	_ =	swait.ge @!p0 [sflag:s8], $0x0  }
0x24: {  	s3 =	sadd.s32 $0x88, s3;
	s6 =	simm.s32 @!p1 $0x1082;
	[sflag:s4] =	ssyncset.s32 $0xFFFFF086  }
0x25: {  	[simem:s6], [sflag:s4] =	dma.local [hbm:s3], $0xF7A  }
0x26: {  	[smem:$0x3F94] =	sst s1;
	(tag) =	ssettag s2;
	_ =	strace s9  }
0x27: {  	s1 =	sld [smem:$0x3FA4]  }
0x28: {  	s2 =	sld [smem:$0x3FA5]  }
0x29: {  	s4 =	sld [smem:$0x3FA7]  }
0x2a: {  	p0 =	seq.s32 s5, $0x0;
	s5 =	sld [smem:$0x3FA8]  }
0x2b: {  	s6 =	sld [smem:$0x3FA9]  }
0x2c: {  	s7 =	sld [smem:$0x3FAA]  }
0x2d: {  	s3 =	simm.s32 $0x108;
	s8 =	sld [smem:$0x3FAB]  }
0x2e: {  	s3 =	simm.s32 @!p0 $0x1082;
	s9 =	sld [smem:$0x3FAC]  }
0x2f: {  	lr =	sadd.s32 s0, s3;
	s0 =	sld [smem:$0x3FA3]  }
0x30: {  	s3 =	sld [smem:$0x3FA6]  }
0x31: {  	[smem:$0x3FAF] =	sst s10  }
0x32: {  	s10 =	sld [smem:$0x3FAD];
	_ =	sdelay $0x3  }
0x33: {  	p0 =	seq.s32 s10, $0x1;
	s10 =	sld [smem:$0x3FAF];
	_ =	sdelay $0x3  }
0x34: {  	[smem:$0x3FAF] =	sst s10  }
0x35: {  	s10 =	sld [smem:$0x3FAE];
	_ =	sdelay $0x3  }
0x36: {  	p1 =	seq.s32 s10, $0x1;
	s10 =	sld [smem:$0x3FAF];
	_ =	sdelay $0x3  }
0x37: {  	[smem:$0x3FAF] =	sst s10  }
0x38: {  	s10 =	sld [smem:$0x3FB0]  }
0x39: {  	_ = 	snop;
	(pc) =	sbr.ind lr, $3  }
0x3a: {  	_ = 	snop  }
0x3b: {  	_ = 	snop  }
0x3c: {  	p2 =	seq.s32 s10, $0x1;
	s10 =	sld [smem:$0x3FAF]  }
0x3d: {  	_ =	shalt  }
0x3e: {  	_ =	shalt  }
0x3f: {  	_ =	shalt  }
0x40: {  	_ =	shalt  }
0x41: {  	_ =	shalt  }
0x42: {  	_ =	shalt  }
0x43: {  	_ =	shalt  }
0x44: {  	_ =	shalt  }
0x45: {  	_ =	shalt  }
0x46: {  	_ =	shalt  }
0x47: {  	_ =	shalt  }
0x48: {  	_ =	shalt  }
0x49: {  	_ =	shalt  }
0x4a: {  	_ =	shalt  }
0x4b: {  	_ =	shalt  }
0x4c: {  	_ =	shalt  }
0x4d: {  	_ =	shalt  }
0x4e: {  	_ =	shalt  }
0x4f: {  	_ =	shalt  }
0x50: {  	_ =	shalt  }
0x51: {  	_ =	shalt  }
0x52: {  	_ =	shalt  }
0x53: {  	_ =	shalt  }
0x54: {  	_ =	shalt  }
0x55: {  	_ =	shalt  }
0x56: {  	_ =	shalt  }
0x57: {  	_ =	shalt  }
0x58: {  	_ =	shalt  }
0x59: {  	_ =	shalt  }
0x5a: {  	_ =	shalt  }
0x5b: {  	_ =	shalt  }
0x5c: {  	_ =	shalt  }
0x5d: {  	_ =	shalt  }
0x5e: {  	_ =	shalt  }
0x5f: {  	_ =	shalt  }
0x60: {  	_ =	shalt  }
0x61: {  	_ =	shalt  }
0x62: {  	_ =	shalt  }
0x63: {  	_ =	shalt  }
0x64: {  	_ =	shalt  }
0x65: {  	_ =	shalt  }
0x66: {  	_ =	shalt  }
0x67: {  	_ =	shalt  }
0x68: {  	_ =	shalt  }
0x69: {  	_ =	shalt  }
0x6a: {  	_ =	shalt  }
0x6b: {  	_ =	shalt  }
0x6c: {  	_ =	shalt  }
0x6d: {  	_ =	shalt  }
0x6e: {  	_ =	shalt  }
0x6f: {  	_ =	shalt  }
0x70: {  	_ =	shalt  }
0x71: {  	_ =	shalt  }
0x72: {  	_ =	shalt  }
0x73: {  	_ =	shalt  }
0x74: {  	_ =	shalt  }
0x75: {  	_ =	shalt  }
0x76: {  	_ =	shalt  }
0x77: {  	_ =	shalt  }
0x78: {  	_ =	shalt  }
0x79: {  	_ =	shalt  }
0x7a: {  	_ =	shalt  }
0x7b: {  	_ =	shalt  }
0x7c: {  	_ =	shalt  }
0x7d: {  	_ =	shalt  }
0x7e: {  	_ =	shalt  }
0x7f: {  	_ =	shalt  }
0x80: {  	_ =	shalt  }
0x81: {  	_ =	shalt  }
0x82: {  	_ =	shalt  }
0x83: {  	_ =	shalt  }
0x84: {  	_ =	shalt  }
0x85: {  	_ =	shalt  }
0x86: {  	_ =	shalt  }
0x87: {  	_ =	shalt  }
.Lfunc_end0:
.L_simem_size_0:
called_computation.1_lowered:
.L_overlay_start_0:
0x88: {  	s2 =	sld [smem:$0x3FD9]  }
0x89: {  	s3 =	sld [smem:$0x3FFE];
	_ =	sdelay $0x1  }
0x8a: {  	s1 =	srdreg.scid  }
0x8b: {  	s0 =	sand.u32 $0x1, s1  }
0x8c: {  	s17 =	sshll.u32 s0, $0xA;
	s2 =	sadd.s32 s3, s2  }
0x8d: {  	s2 =	sadd.s32 s2, s17  }
0x8e: {  	[smem:$0x3FBB] =	sst s2  }
0x8f: {  	_ = 	snop  }
0x90: {  	s2 =	sld [smem:$0x3FD0];
	(tm) =	ssettm $0x1  }
0x91: {  	s18 =	sld [smem:$0x3FFB];
	_ =	sdelay $0x3  }
0x92: {  	_ =	strace s18  }
0x93: {  	s3 =	sld [smem:$0x3FFC];
	_ =	sdelay $0x3  }
0x94: {  	_ =	strace s3  }
0x95: {  	s3 =	sld [smem:$0x3FFD];
	_ =	sdelay $0x3  }
0x96: {  	_ =	strace s3  }
0x97: {  	_ =	strace $0x8FFFFFFF  }
0x98: {  	s19 =	sld [smem:$0x3FDB];
	_ =	sdelay $0x1  }
0x99: {  	s4 =	simm.s32 $_scs_section_size  }
0x9a: {  	s5 =	simm.s32 $_size__tile_overlayer_lowered;
	s6 =	simm.s32 $_tile_overlayer_lowered  }
0x9b: {  	s22 =	simm.s32 $0x1BFF;
	s21 =	sshll.u32 s6, $0x1;
	s3 =	sadd.s32 s4, s19  }
0x9c: {  	s7 =	simm.s32 $0x0;
	s20 =	sshll.u32 s5, $0x1;
	s5 =	sadd.s32 s21, s3  }
0x9d: {  	[timem:s7], [sflag:s22] =	dma.local [hbm:s5], s20  }
0x9e: {  	_ =	swait.ge [sflag:s22], s20  }
0x9f: {  	s4 =	ssub.s32 $0x0, s20;
	[sflag:s22] =	ssyncset.done $0x0  }
0xa0: {  	[sflag:s22] =	ssyncadd.s32 s4;
	_ =	sdelay $0x1  }
0xa1: {  	s23 =	simm.s32 $0x1B8B  }
0xa2: {  	_ =	swait.ge [sflag:s23], $0x1  }
0xa3: {  	[sflag:s23] =	ssyncset.done $0x0  }
0xa4: {  	s25 =	simm.s32 $0x1B8E;
	s24 =	sld [smem:$0x3FFE];
	[sflag:s23] =	ssyncadd.s32 $0xFFFFFFFF  }
0xa5: {  	s26 =	simm.s32 $execute0_lowered;
	[smem:$0x3FD2] =	sst s25  }
0xa6: {  	s5 =	sshll.u32 s26, $0x1;
	_ =	strace $0x80000046;
	[dreg:$0x1] =	wrdreg $0xFFFFFFFF  }
0xa7: {  	s28 =	simm.s32 $_size_execute0_lowered;
	s3 =	sadd.s32 s3, s5;
	[dreg:$0x0] =	wrdreg $0x0  }
0xa8: {  	s5 =	sshll.u32 s28, $0x1;
	[dreg:$0x2] =	wrdreg s3  }
0xa9: {  	[dreg:$0x3] =	wrdreg s5  }
0xaa: {  	[dreg:$0x4] =	wrdreg $0xC0  }
0xab: {  	_ =	task [dreg:s7], $0x5FFFF  }
0xac: {  	[dreg:$0x1] =	wrdreg $0xFFFFFFFF  }
0xad: {  	[dreg:$0x0] =	wrdreg $0x60  }
0xae: {  	[dreg:$0x2] =	wrdreg s2  }
0xaf: {  	[dreg:$0x3] =	wrdreg s24  }
0xb0: {  	[dreg:$0x4] =	wrdreg $0xA  }
0xb1: {  	_ =	task.clear_ibuf [dreg:s7], $0x5FFFF;
	_ =	strace $0x90000046  }
0xb2: {  	s29 =	simm.s32 $0xA;
	_ =	strace $0x8000004F  }
0xb3: {  	_ =	swait.ge [sflag:s29], $0x1  }
0xb4: {  	[sflag:s29] =	ssyncadd.s32 $0xFFFFFFFF  }
0xb5: {  	_ =	strace $0x9000004F  }
0xb6: {  	_ =	sfence  }
0xb7: {  	s30 =	sld [smem:$0x0];
	_ =	sdelay $0x2  }
0xb8: {  	s31 =	sshll.u32 s1, $0xD;
	s1 =	sshrl.u32 s1, $0x2  }
0xb9: {  	s3 =	sand.u32 $0x4000, s31;
	s1 =	sadd.s32 s1, s30  }
0xba: {  	s0 =	sor.u32 s3, s0;
	s1 =	sshll.u32 s1, $0x11  }
0xbb: {  	s0 =	sor.u32 s1, s0  }
0xbc: {  	s0 =	sadd.s32 $0x8F2B, s0  }
0xbd: {  	[sflag:s0] =	ssyncadd.remote.s32 $0x1  }
0xbe: {  	_ =	sfence.sel $0xFFFF  }
0xbf: {  	[dreg:$0x0] =	wrdreg $0xFFFFFFFF;
	(pc) =	sbr.abs _section_cstart, $3  }
0xc0: {  	[dreg:$0x1] =	wrdreg $0xFFFFFFFF  }
0xc1: {  	_ =	task.clear_ibuf [dreg:s7], $0x2FFFF;
	_ =	strace $0x9FFFFFFF  }
0xc2: {  	(tm) =	ssettm $0x7FFFFFFF  }
0xc3: {  	_ =	shalt  }
tec
execute0_lowered:
.L_overlay_start_1:
0x0: {  	(tag) =	ssettag $0x1  }
0x1: {  	s0 =	rddreg [dreg:$0x0]  }
0x2: {  	s4 =	rddreg [dreg:$0x1]  }
0x3: {  	s1 =	simm.s32 $0x0;
	[dreg:$0x3] =	wrdreg s0  }
0x4: {  	s2 =	srdreg.scid;
	s8 =	simm.s32 $0x80;
	s0 =	rddreg [dreg:$0x2]  }
0x5: {  	s9 =	simm.s32 $0x4;
	s10 =	simm.s32 $0x0;
	[smem:$0x7FF] =	sst s1  }
0x6: {  	s3 =	sadd.s32 $0x6000, s4;
	s5 =	sand.u32 $0x1, s2;
	s4 =	sadd.s32 $0x8A000, s4  }
0x7: {  	s2 =	stileid.u32;
	_ =	strace $0x80000047;
	[dreg:$0x5] =	wrdreg s4  }
0x8: {  	s6 =	ssub.s32 $0x2, s5;
	s5 =	sshll.u32 s5, $0x4;
	[dreg:$0x4] =	wrdreg s8  }
0x9: {  	s8 =	simm.s32 $0x5;
	s7 =	sshrl.u32 s6, $0x1;
	s5 =	sor.u32 s2, s5  }
0xa: {  	s6 =	ssub.s32 s6, s7;
	s31 =	sshll.u32 s5, $0x9;
	s4 =	sshll.u32 s5, $0x5  }
0xb: {  	s7 =	simm.s32 $0x1;
	s5 =	sadd.s32 s3, s31;
	s6 =	smax.u32 s6, $0x1  }
.LBB2_1:
0xc: {  	_ =	strace $0x80000048;
	s11 =	simm.s32 $0x1;
	p0 =	por $0x0, $0x0  }
0xd: {  	[tilespmem:s1], [sflag:$0x1] =	stream.linear.gather [hbm4b:s5+s1], $0x80, $0x200038;
	[tilespmem:$0x8100] =	vst v63  }
0xe: {  	s11 =	simm.s32 @p0 $0x0  }
0xf: {  	p4 =	por $0x1, $0x1;
	s20 =	sand.u32 $0x1, s1;
	p1 =	sne.s32 s11, $0x0  }
0x10: {  	p2 =	por $0x1, $0x1;
	s18 =	simm.s32 $0x1E;
	p0 =	por !p4, !p1  }
0x11: {  	s16 =	simm.s32 $0x0;
	p5 =	por $0x0, $0x0;
	p0 =	por !p0, !p0  }
0x12: {  	s23 =	sadd.s32 $0x0, s4;
	s30 =	sadd.s32 $0x1, s20;
	s12 =	sadd.s32 @p0 s4, s11  }
0x13: {  	_ =	strace $0x90000048;
	s13 =	sand.u32 @p0 $0x1, s7;
	s12 =	sshll.u32 @p0 s12, $0x4  }
0x14: {  	_ =	strace @p0 $0x80000049;
	s15 =	simm.s32 @p0 $0x0;
	s12 =	sand.u32 @p0 $0x1FFFFFF0, s12  }
0x15: {  	s14 =	sshll.u32 @p0 s13, $0x7;
	s13 =	sadd.s32 @p0 $0x1, s13;
	s12 =	sadd.s32 @p0 s3, s12  }
0x16: {  	[tilespmem:s14], [sflag:s13] =	stream.linear.gather @p0 [hbm4b:s12+s15], $0x80, $0x200038;
	[tilespmem:$0x8100] =	vst v63  }
0x17: {  	p3 =	por p2, p2;
	s21 =	sshll.u32 s20, $0xE;
	_ =	strace @p0 $0x90000049  }
0x18: {  	s16 =	sand.u32 $0x80, s16;
	p2 =	por p5, p5;
	_ =	strace $0x8000004A  }
0x19: {  	s17 =	sadd.s32 $0x1, s11;
	s22 =	sor.u32 $0x100, s21;
	_ =	swait.ge [sflag:s30], $0x80  }
0x1a: {  	s21 =	simm.s32 $0x1;
	p6 =	por p1, p1;
	[sflag:s30] =	ssyncset.done $0x0  }
0x1b: {  	p1 =	por p3, p3;
	p4 =	por $0x1, $0x1;
	[sflag:s30] =	ssyncadd.s32 $0xFFFFFF80  }
0x1c: {  	s12 =	simm.s32 $0x1F;
	s15 =	sand.u32 @!p3 $0x1, s1;
	_ =	strace $0x9000004A  }
0x1d: {  	s13 =	simm.s32 $0x1;
	p3 =	seq.s32 s17, $0x20;
	_ =	strace $0x8000004B  }
0x1e: {  	s13 =	simm.s32 @!p0 $0x0;
	s17 =	simm.s32 @p3 $0x0;
	s19 =	rddreg [dreg:$0x4]  }
0x1f: {  	p0 =	por $0x0, $0x0;
	s14 =	sadd.s32 $0x1, s13;
	s31 =	rddreg [dreg:$0x3]  }
0x20: {  	[tilespmem:s22], [sflag:$0x5] =	stream.indirect.gather [hbm4b:s31+s19], $0x80, s16, s19, $0x2000b8;
	[tilespmem:$0x8100] =	vst v63  }
0x21: {  	p3 =	sne.s32 s11, s17;
	s21 =	simm.s32 @!p0 $0x0;
	_ =	swait.ge [sflag:s8], $0x4000  }
0x22: {  	p5 =	por !p4, !p3;
	p4 =	por $0x0, $0x0;
	[sflag:s8] =	ssyncset.done $0x0  }
0x23: {  	s13 =	simm.s32 $0x0;
	p6 =	por p4, p6;
	[sflag:s8] =	ssyncadd.s32 $0xFFFFC000  }
0x24: {  	s16 =	simm.s32 $0x0;
	s19 =	simm.s32 $0x0;
	_ =	strace $0x9000004B  }
.LBB2_2:
0x25: {  	_ =	strace @p6 $0x8000004C;
	s13 =	sadd.s32 s21, s13;
	s21 =	smov.u32 s12  }
0x26: {  	s12 =	smov.u32 s18;
	s18 =	sadd.s32 $0xFFFFFFFF, s18;
	p0 =	por p3, p3  }
0x27: {  	s28 =	sshll.u32 @p6 s23, $0xB;
	s20 =	sadd.s32 @p6 $0x3, s20;
	s24 =	simm.s32 @!p0 $0x0  }
0x28: {  	s25 =	rddreg [dreg:$0x5];
	s28 =	sand.u32 @p6 $0x1FFFF800, s28;
	s24 =	simm.s32 @p0 $0x1  }
0x29: {  	s25 =	sadd.s32 @p6 s25, s28;
	s28 =	simm.s32 @p6 $0x0;
	p0 =	sne.s32 s18, $0x0  }
0x2a: {  	[hbm4b:s25+s28] =	stream.linear.scatter @p6 [tilespmem:s22], [sflag:s20], $0x4000, $0x200038;
	[tilespmem:$0x8100] =	vst v63  }
0x2b: {  	s20 =	sadd.s32 @!p1 $0x3, s15;
	s15 =	simm.s32 @!p0 $0x0  }
0x2c: {  	s26 =	simm.s32 $0x1;
	[smem:$0x7FC] =	sst s24;
	s15 =	simm.s32 @p0 $0x1  }
0x2d: {  	s26 =	simm.s32 @!p6 $0x0;
	_ =	strace @p6 $0x9000004C;
	[smem:$0x7FD] =	sst s15  }
0x2e: {  	p5 =	por !p5, !p5;
	s19 =	sadd.s32 s26, s19;
	_ =	strace @!p1 $0x8000004D  }
0x2f: {  	s24 =	sand.u32 @!p2 $0x1, s13;
	s22 =	sand.u32 @p5 $0x1, s14;
	_ =	swait.ge @!p1 [sflag:s20], $0x4000  }
0x30: {  	s15 =	smov.u32 s24;
	s24 =	sadd.s32 @p5 s4, s17;
	[sflag:s20] =	ssyncset.done @!p1 $0x0  }
0x31: {  	s25 =	sshll.u32 @p5 s22, $0x7;
	s24 =	sshll.u32 @p5 s24, $0x4;
	[sflag:s20] =	ssyncadd.s32 @!p1 $0xFFFFC000  }
0x32: {  	s20 =	sadd.s32 @p5 $0x1, s22;
	s22 =	sand.u32 @p5 $0x1FFFFFF0, s24;
	_ =	strace @!p1 $0x9000004D  }
0x33: {  	s24 =	simm.s32 @p5 $0x0;
	s22 =	sadd.s32 @p5 s3, s22;
	_ =	strace @p5 $0x80000049  }
0x34: {  	[tilespmem:s25], [sflag:s20] =	stream.linear.gather @p5 [hbm4b:s22+s24], $0x80, $0x200038;
	[tilespmem:$0x8100] =	vst v63  }
0x35: {  	s16 =	sadd.s32 s26, s16;
	s26 =	sand.u32 $0x1, s19;
	_ =	strace @p5 $0x90000049  }
0x36: {  	s24 =	sadd.s32 $0x1, s26;
	_ =	strace $0x8000004A  }
0x37: {  	_ =	swait.ge [sflag:s24], $0x80  }
0x38: {  	[sflag:s24] =	ssyncset.done $0x0  }
0x39: {  	s20 =	simm.s32 $0x1;
	[sflag:s24] =	ssyncadd.s32 $0xFFFFFF80  }
0x3a: {  	s20 =	simm.s32 @!p5 $0x0;
	_ =	strace $0x9000004A  }
0x3b: {  	s14 =	sadd.s32 s20, s14;
	s20 =	sand.u32 $0x1, s16;
	_ =	strace $0x8000004B  }
0x3c: {  	s29 =	sshll.u32 s19, $0x7;
	s25 =	sshll.u32 s20, $0xE;
	s26 =	rddreg [dreg:$0x4]  }
0x3d: {  	s29 =	sand.u32 $0x80, s29;
	s22 =	sor.u32 $0x100, s25;
	s30 =	rddreg [dreg:$0x3]  }
0x3e: {  	[tilespmem:s22], [sflag:$0x5] =	stream.indirect.gather [hbm4b:s30+s26], $0x80, s29, s26, $0x2000b8;
	[tilespmem:$0x8100] =	vst v63  }
0x3f: {  	_ =	swait.ge [sflag:s8], $0x4000  }
0x40: {  	s31 =	sadd.s32 $0x1, s17;
	[sflag:s8] =	ssyncset.done $0x0  }
0x41: {  	s23 =	sadd.s32 s4, s11;
	s11 =	smov.u32 s17;
	[sflag:s8] =	ssyncadd.s32 $0xFFFFC000  }
0x42: {  	p3 =	seq.s32 s31, $0x20;
	s17 =	smov.u32 s31;
	_ =	strace $0x9000004B  }
0x43: {  	s17 =	simm.s32 @p3 $0x0;
	s31 =	sld [smem:$0x7FD]  }
0x44: {  	p6 =	sne.s32 s12, $0x1;
	p0 =	sne.s32 s21, $0x20;
	p3 =	sne.s32 s11, s17  }
0x45: {  	p5 =	por !p6, !p3;
	p6 =	seq.s32 s21, $0x1;
	s21 =	simm.s32 $0x1  }
0x46: {  	s21 =	simm.s32 @!p0 $0x0;
	p0 =	seq.s32 s31, $0x1  }
.Ltmp0:
0x47: {  	s30 =	sld [smem:$0x7FC];
	(pc) =	sbr.rel @p0 .LBB2_2-.Ltmp0, $4  }
0x48: {  	_ = 	snop  }
0x49: {  	p4 =	seq.s32 s12, $0x20  }
0x4a: {  	p1 =	por p2, p2;
	p2 =	por p4, p4;
	p4 =	seq.s32 s30, $0x1  }
0x4b: {  	p6 =	por p6, p4  }
0x4c: {  	_ =	strace @p6 $0x8000004C;
	s23 =	sshll.u32 @p6 s23, $0xB  }
0x4d: {  	s18 =	rddreg [dreg:$0x5];
	s23 =	sand.u32 @p6 $0x1FFFF800, s23  }
0x4e: {  	s20 =	sadd.s32 @p6 $0x3, s20;
	s18 =	sadd.s32 @p6 s18, s23;
	s23 =	simm.s32 @p6 $0x0  }
0x4f: {  	[hbm4b:s18+s23] =	stream.linear.scatter @p6 [tilespmem:s22], [sflag:s20], $0x4000, $0x200038;
	[tilespmem:$0x8100] =	vst v63  }
0x50: {  	p0 =	por !p5, !p5;
	_ =	strace @p6 $0x9000004C  }
0x51: {  	s15 =	sadd.s32 @!p1 $0x3, s15;
	s17 =	sadd.s32 @p0 s4, s17;
	_ =	strace @!p1 $0x8000004D  }
0x52: {  	s14 =	sand.u32 @p0 $0x1, s14;
	s17 =	sshll.u32 @p0 s17, $0x4;
	_ =	swait.ge @!p1 [sflag:s15], $0x4000  }
0x53: {  	s18 =	simm.s32 $0x1;
	s20 =	sshll.u32 @p0 s14, $0x7;
	[sflag:s15] =	ssyncset.done @!p1 $0x0  }
0x54: {  	s14 =	sadd.s32 @p0 $0x1, s14;
	s18 =	simm.s32 @!p6 $0x0;
	[sflag:s15] =	ssyncadd.s32 @!p1 $0xFFFFC000  }
0x55: {  	s19 =	sadd.s32 s18, s19;
	s15 =	sand.u32 @p0 $0x1FFFFFF0, s17;
	_ =	strace @!p1 $0x9000004D  }
0x56: {  	s17 =	simm.s32 @p0 $0x0;
	s15 =	sadd.s32 @p0 s3, s15;
	_ =	strace @p0 $0x80000049  }
0x57: {  	[tilespmem:s20], [sflag:s14] =	stream.linear.gather @p0 [hbm4b:s15+s17], $0x80, $0x200038;
	[tilespmem:$0x8100] =	vst v63  }
0x58: {  	s25 =	sand.u32 $0x1, s19;
	_ =	strace @p0 $0x90000049  }
0x59: {  	s14 =	sadd.s32 $0x1, s25;
	_ =	strace $0x8000004A  }
0x5a: {  	_ =	swait.ge [sflag:s14], $0x80  }
0x5b: {  	[sflag:s14] =	ssyncset.done $0x0  }
0x5c: {  	[sflag:s14] =	ssyncadd.s32 $0xFFFFFF80  }
0x5d: {  	s26 =	sadd.s32 s18, s16;
	_ =	strace $0x9000004A  }
0x5e: {  	s14 =	sand.u32 $0x1, s26;
	_ =	strace $0x8000004B  }
0x5f: {  	s30 =	sshll.u32 s19, $0x7;
	s31 =	sshll.u32 s14, $0xE;
	s28 =	rddreg [dreg:$0x4]  }
0x60: {  	s17 =	sand.u32 $0x80, s30;
	s18 =	sor.u32 $0x100, s31;
	s29 =	rddreg [dreg:$0x3]  }
0x61: {  	[tilespmem:s18], [sflag:$0x5] =	stream.indirect.gather [hbm4b:s29+s28], $0x80, s17, s28, $0x2000b8;
	[tilespmem:$0x8100] =	vst v63  }
0x62: {  	_ =	swait.ge [sflag:s8], $0x4000  }
0x63: {  	[sflag:s8] =	ssyncset.done $0x0  }
0x64: {  	p5 =	por p3, p3;
	p6 =	seq.s32 s12, $0x1;
	[sflag:s8] =	ssyncadd.s32 $0xFFFFC000  }
0x65: {  	s11 =	sadd.s32 s4, s11;
	p0 =	por p6, p5;
	_ =	strace $0x9000004B  }
0x66: {  	s11 =	sshll.u32 @p0 s11, $0xB;
	_ =	strace @p0 $0x8000004C  }
0x67: {  	s13 =	sadd.s32 s21, s13;
	s11 =	sand.u32 @p0 $0x1FFFF800, s11;
	s12 =	rddreg [dreg:$0x5]  }
0x68: {  	s14 =	sadd.s32 @p0 $0x3, s14;
	s11 =	sadd.s32 @p0 s12, s11;
	s12 =	simm.s32 @p0 $0x0  }
0x69: {  	[hbm4b:s11+s12] =	stream.linear.scatter @p0 [tilespmem:s18], [sflag:s14], $0x4000, $0x200038;
	[tilespmem:$0x8100] =	vst v63  }
0x6a: {  	p1 =	por p2, p2;
	s11 =	sand.u32 @!p2 $0x1, s13;
	_ =	strace @p0 $0x9000004C  }
0x6b: {  	s11 =	sadd.s32 @!p1 $0x3, s11;
	_ =	strace @!p1 $0x8000004D  }
0x6c: {  	_ =	swait.ge @!p1 [sflag:s11], $0x4000  }
0x6d: {  	[sflag:s11] =	ssyncset.done @!p1 $0x0  }
0x6e: {  	s10 =	sadd.s32 $0x1, s10;
	[sflag:s11] =	ssyncadd.s32 @!p1 $0xFFFFC000  }
0x6f: {  	p0 =	sne.s32 s10, s6;
	_ =	strace @!p1 $0x9000004D  }
.Ltmp1:
0x70: {  	_ =	strace $0x8000004E;
	(pc) =	sbr.rel @p0 .LBB2_1-.Ltmp1, $4  }
0x71: {  	_ =	swait.ge [sflag:s9], $0x4000  }
0x72: {  	[sflag:s9] =	ssyncset.done $0x0  }
0x73: {  	[sflag:s9] =	ssyncadd.s32 $0xFFFFC000  }
0x74: {  	_ =	strace $0x9000004E  }
0x75: {  	_ =	sfence.sel $0x180000  }
0x76: {  	[bflag:$0x0] =	sbarrier.arrive $0xFFFF  }
0x77: {  	p0 =	sne.s32 s2, $0x0;
	_ =	strace $0x90000047  }
0x78: {  	s0 =	sadd.s32 @!p0 $0x100000, s0;
	[bflag:$0x2] =	sbarrier.arrive $0xFFFF  }
0x79: {  	[sflag:s0] =	ssyncadd.tile.s32 @!p0 $0x1;
	_ =	shalt  }
.Lfunc_end2:
_tile_overlayer_lowered:
.L_overlay_start_2:
0x7a: {  	(tag) =	ssettag $0x2  }
0x7b: {  	s0 =	rddreg [dreg:$0x0];
	s2 =	stileid.u32  }
0x7c: {  	s1 =	rddreg [dreg:$0x1];
	p0 =	sne.s32 s2, $0x0  }
0x7d: {  	s3 =	rddreg [dreg:$0x2];
	[bflag:$0x3] =	sbarrier.arrive $0xFFFF;
	s2 =	simm.s32 @!p0 $0x1C01  }
0x7e: {  	[timem:s3], [sflag:s2] =	dma.local @!p0 [hbm:s0], s1  }
0x7f: {  	s0 =	simm.s32 @!p0 $0x1  }
0x80: {  	_ =	swait.ge @!p0 [sflag:s0], s1  }
0x81: {  	s1 =	ssub.s32 @!p0 $0x0, s1;
	[sflag:s0] =	ssyncset.done @!p0 $0x0  }
0x82: {  	[sflag:s0] =	ssyncadd.s32 @!p0 s1  }
0x83: {  	[bflag:$0x3] =	sbarrier.arrive $0xFFFF  }
0x84: {  	_ =	shalt  }

</sc_bundles>
